<compile_context>
chip_gen: v7x
topology: tpu7x:2x2x1
jax: 0.10.2.dev20260603
libtpu: 0.0.44.dev20260713+nightly
codegen_flags: <defaults>
</compile_context>

<pallas_src>
import functools

import jax
import jax.numpy as jnp
from jax import lax
from jax.experimental import pallas as pl
from jax.experimental.pallas import tpu as pltpu
from jax.experimental.pallas import tpu_sc as plsc

N = 10000
D = 128
E = 320000
NC, NS = 2, 16
NW = NC * NS
HALF = 5120
NPAD = 10112
RPT = NPAD // NS

K = 32
CAPH = 176128
TOT = 2 * CAPH
EPA = CAPH // NS
NCH = EPA // K

KD = 128
NCHD = TOT // (NW * KD)
NCHS = TOT // (NS * KD)
NPADD = 10240
RPTD = NPADD // NS

_MESH = plsc.VectorSubcoreMesh(
    core_axis_name="c", subcore_axis_name="s", num_cores=NC, num_subcores=NS)


def _deg_body(dsts_hbm, pk_hbm, tgt_hbm, hist_hbm, bkt_hbm,
              dst_v, pk_v, tgt_v, ones_v, zero_v, deg_sh, bkt_sh):
    c = lax.axis_index("c")
    s = lax.axis_index("s")
    w = c * NS + s
    pltpu.sync_copy(dsts_hbm.at[w], dst_v)
    pltpu.sync_copy(pk_hbm.at[s], pk_v)
    pltpu.sync_copy(tgt_hbm.at[s], tgt_v)
    for j in range(KD // 16):
        ones_v[pl.ds(j * 16, 16)] = jnp.ones((16,), jnp.float32)

    def _zr(i, _):
        zero_v[pl.ds(i * 16, 16)] = jnp.zeros((16,), jnp.float32)
        return ()
    lax.fori_loop(0, RPTD // 2 // 16, _zr, ())
    pltpu.sync_copy(zero_v, deg_sh.at[pl.ds(s * RPTD, RPTD // 2)])
    pltpu.sync_copy(zero_v, deg_sh.at[pl.ds(s * RPTD + RPTD // 2, RPTD // 2)])
    plsc.subcore_barrier()

    def _hchunk(i, _):
        pltpu.sync_copy(ones_v, deg_sh.at[dst_v.at[i]], add=True)
        return ()
    lax.fori_loop(0, NCHD, _hchunk, ())

    base = c * CAPH

    def _schunk(i, _):
        for j in range(KD // 16):
            sl = pl.ds(j * 16, 16)
            lanes = lax.iota(jnp.int32, 16)
            tv = tgt_v[i, sl] - base
            m = (tv >= 0) & (tv < CAPH)
            tgt_v[i, sl] = jnp.where(m, tv, CAPH + lanes)
        pltpu.sync_copy(pk_v.at[i], bkt_sh.at[tgt_v.at[i]])
        return ()
    lax.fori_loop(0, NCHS, _schunk, ())
    plsc.subcore_barrier()
    pltpu.sync_copy(deg_sh.at[pl.ds(s * RPTD, RPTD)],
                    hist_hbm.at[c, pl.ds(s * RPTD, RPTD)])
    pltpu.sync_copy(bkt_sh.at[pl.ds(s * EPA, EPA)],
                    bkt_hbm.at[pl.ds(base + s * EPA, EPA)])


_deg_call = functools.partial(
    pl.kernel,
    out_type=[jax.ShapeDtypeStruct((NC, NPADD), jnp.float32),
              jax.ShapeDtypeStruct((TOT,), jnp.int32)],
    mesh=_MESH,
    scratch_types=[
        pltpu.VMEM((NCHD, KD), jnp.int32),
        pltpu.VMEM((NCHS, KD), jnp.int32),
        pltpu.VMEM((NCHS, KD), jnp.int32),
        pltpu.VMEM((KD,), jnp.float32),
        pltpu.VMEM((RPTD // 2,), jnp.float32),
        pltpu.VMEM_SHARED((NPADD,), jnp.float32),
        pltpu.VMEM_SHARED((CAPH + 16,), jnp.int32),
    ],
)(_deg_body)


def _agg_body(y_hbm, bkt_hbm, out_hbm,
              ipk0, ipk1, isrc0, isrc1, idst0, idst1, rows0, rows1, y_sh, acc,
              isem0, isem1, gsem0, gsem1, ssem0, ssem1):
    c = lax.axis_index("c")
    s = lax.axis_index("s")
    ipk = (ipk0, ipk1)
    isrc = (isrc0, isrc1)
    idst = (idst0, idst1)
    rows = (rows0, rows1)
    isem = (isem0, isem1)
    gsem = (gsem0, gsem1)
    ssem = (ssem0, ssem1)
    base = c * HALF

    def _al(v):
        return pl.multiple_of(v, 8)

    pltpu.sync_copy(y_hbm.at[pl.ds(_al(base + s * (HALF // NS)), HALF // NS)],
                    y_sh.at[pl.ds(_al(s * (HALF // NS)), HALF // NS)])

    def _zr(i, _):
        for j in range(8):
            rows0[i, pl.ds(j * 16, 16)] = jnp.zeros((16,), jnp.float32)
        return ()
    lax.fori_loop(0, K, _zr, ())
    for r in list(range(0, RPT - K, K)) + [RPT - K]:
        pltpu.sync_copy(rows0, acc.at[pl.ds(_al(s * RPT + r), K)])
    plsc.subcore_barrier()

    def _unpack(b):
        for j in range(K // 16):
            sl = pl.ds(j * 16, 16)
            v = ipk[b][sl]
            isrc[b][sl] = v & 8191
            idst[b][sl] = lax.shift_right_logical(v, 13)

    def _ichunk(cc):
        return pl.ds(_al(c * CAPH + s * EPA + cc * K), K)

    pltpu.sync_copy(bkt_hbm.at[_ichunk(0)], ipk0)
    _unpack(0)
    pltpu.async_copy(y_sh.at[isrc0], rows0, gsem0)
    pltpu.async_copy(bkt_hbm.at[_ichunk(1)], ipk1, isem1)

    def _half(cc, b):
        o = 1 - b

        @pl.when(cc + 1 < NCH)
        def _():
            pltpu.make_async_copy(bkt_hbm.at[_ichunk(cc)], ipk[o], isem[o]).wait()

            @pl.when(cc >= 1)
            def _():
                pltpu.make_async_copy(rows[o], acc.at[idst[o]], ssem[o]).wait()
            _unpack(o)
            pltpu.async_copy(y_sh.at[isrc[o]], rows[o], gsem[o])
        pltpu.make_async_copy(y_sh.at[isrc[b]], rows[b], gsem[b]).wait()
        pltpu.async_copy(rows[b], acc.at[idst[b]], ssem[b], add=True)

        @pl.when(cc + 2 < NCH)
        def _():
            pltpu.async_copy(bkt_hbm.at[_ichunk(cc + 2)], ipk[b], isem[b])

    def _step(i, _):
        _half(2 * i, 0)
        _half(2 * i + 1, 1)
        return ()
    lax.fori_loop(0, NCH // 2, _step, ())
    pltpu.make_async_copy(rows0, acc.at[idst0], ssem0).wait()
    pltpu.make_async_copy(rows1, acc.at[idst1], ssem1).wait()
    plsc.subcore_barrier()
    pltpu.sync_copy(acc.at[pl.ds(_al(s * RPT), RPT)],
                    out_hbm.at[c, pl.ds(_al(s * RPT), RPT)])


_agg_call = functools.partial(
    pl.kernel,
    out_type=jax.ShapeDtypeStruct((NC, NPAD, D), jnp.float32),
    mesh=_MESH,
    scratch_types=(
        [pltpu.VMEM((K,), jnp.int32)] * 6
        + [pltpu.VMEM((K, D), jnp.float32)] * 2
        + [pltpu.VMEM_SHARED((HALF, D), jnp.float32)]
        + [pltpu.VMEM_SHARED((NPAD, D), jnp.float32)]
        + [pltpu.SemaphoreType.DMA] * 6
    ),
)(_agg_body)


R = 1000
_HIGH = lax.Precision.HIGHEST


def _dis_of(h_ref):
    deg = h_ref[:, 0] + h_ref[:, 1] + 1.0
    return lax.rsqrt(deg)[:, None]


def _tc1_body(x_ref, w_ref, h_ref, y_ref):
    xw = jnp.dot(x_ref[...], w_ref[...],
                 preferred_element_type=jnp.float32, precision=_HIGH)
    y_ref[...] = xw * _dis_of(h_ref)


def _tc2_body(p_ref, y1_ref, h_ref, b_ref, w_ref, y2_ref):
    dis = _dis_of(h_ref)
    z = p_ref[0] + p_ref[1] + y1_ref[...]
    hidden = jnp.maximum(z * dis + b_ref[...][None, :], 0.0)
    hw = jnp.dot(hidden, w_ref[...],
                 preferred_element_type=jnp.float32, precision=_HIGH)
    y2_ref[...] = hw * dis


def _tc3_body(p_ref, y2_ref, h_ref, b_ref, o_ref):
    dis = _dis_of(h_ref)
    z = p_ref[0] + p_ref[1] + y2_ref[...]
    o = z * dis + b_ref[...][None, :]
    m = jnp.max(o, axis=1, keepdims=True)
    e = o - m
    lse = jnp.log(jnp.sum(jnp.exp(e), axis=1, keepdims=True))
    o_ref[...] = e - lse


_row_spec = pl.BlockSpec((R, D), lambda i: (i, 0))
_hist_spec = pl.BlockSpec((R, 2), lambda i: (i, 0))
_p_spec = pl.BlockSpec((NC, R, D), lambda i: (0, i, 0))
_w_spec = pl.BlockSpec((D, D), lambda i: (0, 0))
_b_spec = pl.BlockSpec((D,), lambda i: (0,))
_out_nd = jax.ShapeDtypeStruct((N, D), jnp.float32)

_tc1_call = pl.pallas_call(
    _tc1_body, grid=(N // R,),
    in_specs=[_row_spec, _w_spec, _hist_spec],
    out_specs=_row_spec, out_shape=_out_nd)

_tc2_call = pl.pallas_call(
    _tc2_body, grid=(N // R,),
    in_specs=[_p_spec, _row_spec, _hist_spec, _b_spec, _w_spec],
    out_specs=_row_spec, out_shape=_out_nd)

_tc3_call = pl.pallas_call(
    _tc3_body, grid=(N // R,),
    in_specs=[_p_spec, _row_spec, _hist_spec, _b_spec],
    out_specs=_row_spec, out_shape=_out_nd)


def kernel(x, edge_index, W1, b1, W2, b2):
    ei = edge_index.astype(jnp.int32)
    src, dst = ei[0], ei[1]
    m_real = (src < HALF).astype(jnp.int32)
    p0 = jnp.int32(CAPH) - jnp.sum(m_real)
    npad_e = TOT - E
    ar = jnp.arange(npad_e, dtype=jnp.int32)
    pad_src = jnp.where(ar < p0, 0, HALF)
    pad_dst = N + ar % (NPAD - N)
    src_p = jnp.concatenate([src, pad_src])
    dst_p = jnp.concatenate([dst, pad_dst])
    m = src_p < HALF
    pk = (dst_p << 13) | jnp.where(m, src_p, src_p - HALF)
    mi = m.astype(jnp.int32)
    pos0 = jnp.cumsum(mi) - mi
    pos1 = jnp.cumsum(1 - mi) - (1 - mi)
    tgt = jnp.where(m, pos0, CAPH + pos1)

    dsts_deg = dst_p.reshape(NW, NCHD, KD)
    pks = pk.reshape(NS, NCHS, KD)
    tgts = tgt.reshape(NS, NCHS, KD)

    hist, bkt = _deg_call(dsts_deg, pks, tgts)
    hist_t = hist.T

    y1 = _tc1_call(x, W1, hist_t)
    p1 = _agg_call(y1, bkt)
    y2 = _tc2_call(p1, y1, hist_t, b1, W2)
    p2 = _agg_call(y2, bkt)
    return _tc3_call(p2, y2, hist_t, b2)

# --- scband reference (transcript-rebuilt; emitter-appended) ---
"""Pipeline reference for scband-net-18811956756716 (READ-ONLY COPY).

The authoritative reference and input builder live on the scoring server;
editing this copy changes nothing except your own understanding.
"""

import jax, jax.numpy as jnp
import numpy as np

N_NODES = 10000
N_EDGES = 320000
D_IN = 128
D_HID = 128
D_OUT = 128


def setup_inputs(seed: int = 0) -> dict:
    key = jax.random.key(seed)
    k1, k2, k3, k4, k5, k6 = jax.random.split(key, 6)
    x = jax.random.normal(k1, (N_NODES, D_IN), dtype=jnp.float32)
    edge_index = jax.random.randint(k2, (2, N_EDGES), 0, N_NODES, dtype=jnp.int64)
    # Glorot-style init for GCN weights
    W1 = jax.random.normal(k3, (D_IN, D_HID), dtype=jnp.float32) * (1.0 / np.sqrt(D_IN))
    b1 = jnp.zeros((D_HID,), dtype=jnp.float32)
    W2 = jax.random.normal(k4, (D_HID, D_OUT), dtype=jnp.float32) * (1.0 / np.sqrt(D_HID))
    b2 = jnpp = jnp.zeros((D_OUT,), dtype=jnp.float32)
    return {"x": x, "edge_index": edge_index, "W1": W1, "b1": b1, "W2": W2, "b2": b2}


def _gcn_conv(x, src, dst, norm, W, b, num_nodes):
    # x' = D^{-1/2} (A + I) D^{-1/2} X W + b
    xw = x @ W
    msg = jnp.take(xw, src, axis=0) * norm[:, None]
    out = jnp.zeros((num_nodes, W.shape[1]), dtype=xw.dtype).at[dst].add(msg)
    return out + b


def _build_norm(edge_index, num_nodes):
    loop = jnp.arange(num_nodes, dtype=edge_index.dtype)
    src = jnp.concatenate([edge_index[0], loop])
    dst = jnp.concatenate([edge_index[1], loop])
    ones = jnp.ones((src.shape[0],), dtype=jnp.float32)
    deg = jnp.zeros((num_nodes,), dtype=jnp.float32).at[dst].add(ones)
    deg_inv_sqrt = jnp.where(deg > 0, 1.0 / jnp.sqrt(deg), 0.0)
    norm = deg_inv_sqrt[src] * deg_inv_sqrt[dst]
    return src, dst, norm


def reference(x, edge_index, W1, b1, W2, b2):
    num_nodes = x.shape[0]
    src, dst, norm = _build_norm(edge_index, num_nodes)
    h = _gcn_conv(x, src, dst, norm, W1, b1, num_nodes)
    h = jax.nn.relu(h)
    # dropout p=0.5 is identity in eval mode (reference is deterministic)
    h = _gcn_conv(h, src, dst, norm, W2, b2, num_nodes)
    return jax.nn.log_softmax(h, axis=1)

if __name__ == "__main__":
    import jax
    _d = setup_inputs()
    print(jax.jit(kernel)(*tuple(_d.values())))

</pallas_src>

<mosaic_0001>
#map = affine_map<(d0, d1) -> (0, 0)>
#map1 = affine_map<(d0, d1) -> (0)>
#map2 = affine_map<(d0, d1) -> (0, 0, 0)>
module attributes {stable_mosaic.version = 14 : i64} {
  func.func @_agg_body(%arg0: i32, %arg1: i32, %arg2: memref<10000x128xf32, #tpu.memory_space<hbm>>, %arg3: memref<352256xi32, #tpu.memory_space<hbm>>, %arg4: memref<2x10112x128xf32, #tpu.memory_space<hbm>>, %arg5: memref<32xi32, #tpu.memory_space<vmem>>, %arg6: memref<32xi32, #tpu.memory_space<vmem>>, %arg7: memref<32xi32, #tpu.memory_space<vmem>>, %arg8: memref<32xi32, #tpu.memory_space<vmem>>, %arg9: memref<32xi32, #tpu.memory_space<vmem>>, %arg10: memref<32xi32, #tpu.memory_space<vmem>>, %arg11: memref<32x128xf32, #tpu.memory_space<vmem>>, %arg12: memref<32x128xf32, #tpu.memory_space<vmem>>, %arg13: memref<5120x128xf32, #tpu.memory_space<vmem_shared>>, %arg14: memref<10112x128xf32, #tpu.memory_space<vmem_shared>>, %arg15: memref<!tpu.dma_semaphore, #tpu.memory_space<semaphore_mem>>, %arg16: memref<!tpu.dma_semaphore, #tpu.memory_space<semaphore_mem>>, %arg17: memref<!tpu.dma_semaphore, #tpu.memory_space<semaphore_mem>>, %arg18: memref<!tpu.dma_semaphore, #tpu.memory_space<semaphore_mem>>, %arg19: memref<!tpu.dma_semaphore, #tpu.memory_space<semaphore_mem>>, %arg20: memref<!tpu.dma_semaphore, #tpu.memory_space<semaphore_mem>>) attributes {dimension_semantics = [#tpu.dimension_semantics<core_parallel>, #tpu.dimension_semantics<subcore_parallel>], iteration_bounds = array<i64: 2, 16>, scalar_prefetch = 0 : i64, scratch_operands = 16 : i64, tpu.core_type = #tpu.core_type<sc_vector_subcore>, window_params = [{transform_indices = #map}, {transform_indices = #map1}, {transform_indices = #map2}]} {
    %mul3A = arith.constant 5120 : i32
    %mul3A_0 = arith.muli %arg0, %mul3A : i32
    %mul3A_1 = arith.constant 320 : i32
    %mul3A_2 = arith.muli %arg1, %mul3A_1 : i32
    %add3A = arith.addi %mul3A_0, %mul3A_2 : i32
    %multiple_of3A = tpu.assume_multiple %add3A, 8 : i32
    %mul3A_3 = arith.constant 320 : i32
    %mul3A_4 = arith.muli %arg1, %mul3A_3 : i32
    %multiple_of3A_5 = tpu.assume_multiple %mul3A_4, 8 : i32
    "tpu.region"() ({
      %run_scoped3A = tpu.sem_alloc : memref<!tpu.dma_semaphore, #tpu.memory_space<semaphore_mem>>
      %dma_start3A_177 = arith.constant 0 : i32
      %dma_start3A_178 = tpu.memref_slice %arg13[%multiple_of3A_5, %dma_start3A_177] : memref<5120x128xf32, #tpu.memory_space<vmem_shared>> -> memref<320x128xf32, #tpu.memory_space<vmem_shared>>
      %dma_start3A_179 = arith.constant 0 : i32
      %dma_start3A_180 = tpu.memref_slice %arg2[%multiple_of3A, %dma_start3A_179] : memref<10000x128xf32, #tpu.memory_space<hbm>> -> memref<320x128xf32, #tpu.memory_space<hbm>>
      tpu.enqueue_dma source(%dma_start3A_180 : memref<320x128xf32, #tpu.memory_space<hbm>>) target(%dma_start3A_178 : memref<320x128xf32, #tpu.memory_space<vmem_shared>>) target_semaphore(%run_scoped3A : memref<!tpu.dma_semaphore, #tpu.memory_space<semaphore_mem>>)
      %dma_wait3A_181 = arith.constant 0 : i32
      %dma_wait3A_182 = tpu.memref_slice %arg13[%multiple_of3A_5, %dma_wait3A_181] : memref<5120x128xf32, #tpu.memory_space<vmem_shared>> -> memref<320x128xf32, #tpu.memory_space<vmem_shared>>
      %dma_wait3A_183 = arith.constant 0 : i32
      %dma_wait3A_184 = tpu.memref_slice %arg2[%multiple_of3A, %dma_wait3A_183] : memref<10000x128xf32, #tpu.memory_space<hbm>> -> memref<320x128xf32, #tpu.memory_space<hbm>>
      tpu.wait_dma2 semaphore(%run_scoped3A : memref<!tpu.dma_semaphore, #tpu.memory_space<semaphore_mem>>) src(%dma_wait3A_184 : memref<320x128xf32, #tpu.memory_space<hbm>>) dst(%dma_wait3A_182 : memref<320x128xf32, #tpu.memory_space<vmem_shared>>)
      tpu.yield
    }) : () -> ()
    %scan3A = arith.constant 0 : i32
    %scan3A_6 = arith.constant 32 : i32
    %scan3A_7 = arith.addi %scan3A, %scan3A_6 : i32
    %scan3A_8 = arith.constant 1 : i32
    scf.for %scan3A_177 = %scan3A to %scan3A_7 step %scan3A_8  : i32 {
      %broadcast_in_dim3A = arith.constant 0.000000e+00 : f32
      %broadcast_in_dim3A_178 = vector.broadcast %broadcast_in_dim3A : f32 to vector<16xf32>
      %swap3A_179 = arith.index_cast %scan3A_177 : i32 to index
      %swap3A_180 = arith.constant 0 : index
      %swap3A_181 = tpu.vector_load %arg11[%swap3A_179, %swap3A_180] {strides = array<i32>} : memref<32x128xf32, #tpu.memory_space<vmem>>, vector<1x16xf32>,
      %swap3A_182 = vector.shape_cast %swap3A_181 : vector<1x16xf32> to vector<16xf32>
      %swap3A_183 = vector.shape_cast %broadcast_in_dim3A_178 : vector<16xf32> to vector<1x16xf32>
      tpu.vector_store %arg11[%swap3A_179, %swap3A_180], %swap3A_183 {strides = array<i32>} : memref<32x128xf32, #tpu.memory_space<vmem>>, vector<1x16xf32>,
      %broadcast_in_dim3A_184 = arith.constant 0.000000e+00 : f32
      %broadcast_in_dim3A_185 = vector.broadcast %broadcast_in_dim3A_184 : f32 to vector<16xf32>
      %swap3A_186 = arith.index_cast %scan3A_177 : i32 to index
      %swap3A_187 = arith.constant 16 : index
      %swap3A_188 = tpu.vector_load %arg11[%swap3A_186, %swap3A_187] {strides = array<i32>} : memref<32x128xf32, #tpu.memory_space<vmem>>, vector<1x16xf32>,
      %swap3A_189 = vector.shape_cast %swap3A_188 : vector<1x16xf32> to vector<16xf32>
      %swap3A_190 = vector.shape_cast %broadcast_in_dim3A_185 : vector<16xf32> to vector<1x16xf32>
      tpu.vector_store %arg11[%swap3A_186, %swap3A_187], %swap3A_190 {strides = array<i32>} : memref<32x128xf32, #tpu.memory_space<vmem>>, vector<1x16xf32>,
      %broadcast_in_dim3A_191 = arith.constant 0.000000e+00 : f32
      %broadcast_in_dim3A_192 = vector.broadcast %broadcast_in_dim3A_191 : f32 to vector<16xf32>
      %swap3A_193 = arith.index_cast %scan3A_177 : i32 to index
      %swap3A_194 = arith.constant 32 : index
      %swap3A_195 = tpu.vector_load %arg11[%swap3A_193, %swap3A_194] {strides = array<i32>} : memref<32x128xf32, #tpu.memory_space<vmem>>, vector<1x16xf32>,
      %swap3A_196 = vector.shape_cast %swap3A_195 : vector<1x16xf32> to vector<16xf32>
      %swap3A_197 = vector.shape_cast %broadcast_in_dim3A_192 : vector<16xf32> to vector<1x16xf32>
      tpu.vector_store %arg11[%swap3A_193, %swap3A_194], %swap3A_197 {strides = array<i32>} : memref<32x128xf32, #tpu.memory_space<vmem>>, vector<1x16xf32>,
      %broadcast_in_dim3A_198 = arith.constant 0.000000e+00 : f32
      %broadcast_in_dim3A_199 = vector.broadcast %broadcast_in_dim3A_198 : f32 to vector<16xf32>
      %swap3A_200 = arith.index_cast %scan3A_177 : i32 to index
      %swap3A_201 = arith.constant 48 : index
      %swap3A_202 = tpu.vector_load %arg11[%swap3A_200, %swap3A_201] {strides = array<i32>} : memref<32x128xf32, #tpu.memory_space<vmem>>, vector<1x16xf32>,
      %swap3A_203 = vector.shape_cast %swap3A_202 : vector<1x16xf32> to vector<16xf32>
      %swap3A_204 = vector.shape_cast %broadcast_in_dim3A_199 : vector<16xf32> to vector<1x16xf32>
      tpu.vector_store %arg11[%swap3A_200, %swap3A_201], %swap3A_204 {strides = array<i32>} : memref<32x128xf32, #tpu.memory_space<vmem>>, vector<1x16xf32>,
      %broadcast_in_dim3A_205 = arith.constant 0.000000e+00 : f32
      %broadcast_in_dim3A_206 = vector.broadcast %broadcast_in_dim3A_205 : f32 to vector<16xf32>
      %swap3A_207 = arith.index_cast %scan3A_177 : i32 to index
      %swap3A_208 = arith.constant 64 : index
      %swap3A_209 = tpu.vector_load %arg11[%swap3A_207, %swap3A_208] {strides = array<i32>} : memref<32x128xf32, #tpu.memory_space<vmem>>, vector<1x16xf32>,
      %swap3A_210 = vector.shape_cast %swap3A_209 : vector<1x16xf32> to vector<16xf32>
      %swap3A_211 = vector.shape_cast %broadcast_in_dim3A_206 : vector<16xf32> to vector<1x16xf32>
      tpu.vector_store %arg11[%swap3A_207, %swap3A_208], %swap3A_211 {strides = array<i32>} : memref<32x128xf32, #tpu.memory_space<vmem>>, vector<1x16xf32>,
      %broadcast_in_dim3A_212 = arith.constant 0.000000e+00 : f32
      %broadcast_in_dim3A_213 = vector.broadcast %broadcast_in_dim3A_212 : f32 to vector<16xf32>
      %swap3A_214 = arith.index_cast %scan3A_177 : i32 to index
      %swap3A_215 = arith.constant 80 : index
      %swap3A_216 = tpu.vector_load %arg11[%swap3A_214, %swap3A_215] {strides = array<i32>} : memref<32x128xf32, #tpu.memory_space<vmem>>, vector<1x16xf32>,
      %swap3A_217 = vector.shape_cast %swap3A_216 : vector<1x16xf32> to vector<16xf32>
      %swap3A_218 = vector.shape_cast %broadcast_in_dim3A_213 : vector<16xf32> to vector<1x16xf32>
      tpu.vector_store %arg11[%swap3A_214, %swap3A_215], %swap3A_218 {strides = array<i32>} : memref<32x128xf32, #tpu.memory_space<vmem>>, vector<1x16xf32>,
      %broadcast_in_dim3A_219 = arith.constant 0.000000e+00 : f32
      %broadcast_in_dim3A_220 = vector.broadcast %broadcast_in_dim3A_219 : f32 to vector<16xf32>
      %swap3A_221 = arith.index_cast %scan3A_177 : i32 to index
      %swap3A_222 = arith.constant 96 : index
      %swap3A_223 = tpu.vector_load %arg11[%swap3A_221, %swap3A_222] {strides = array<i32>} : memref<32x128xf32, #tpu.memory_space<vmem>>, vector<1x16xf32>,
      %swap3A_224 = vector.shape_cast %swap3A_223 : vector<1x16xf32> to vector<16xf32>
      %swap3A_225 = vector.shape_cast %broadcast_in_dim3A_220 : vector<16xf32> to vector<1x16xf32>
      tpu.vector_store %arg11[%swap3A_221, %swap3A_222], %swap3A_225 {strides = array<i32>} : memref<32x128xf32, #tpu.memory_space<vmem>>, vector<1x16xf32>,
      %broadcast_in_dim3A_226 = arith.constant 0.000000e+00 : f32
      %broadcast_in_dim3A_227 = vector.broadcast %broadcast_in_dim3A_226 : f32 to vector<16xf32>
      %swap3A_228 = arith.index_cast %scan3A_177 : i32 to index
      %swap3A_229 = arith.constant 112 : index
      %swap3A_230 = tpu.vector_load %arg11[%swap3A_228, %swap3A_229] {strides = array<i32>} : memref<32x128xf32, #tpu.memory_space<vmem>>, vector<1x16xf32>,
      %swap3A_231 = vector.shape_cast %swap3A_230 : vector<1x16xf32> to vector<16xf32>
      %swap3A_232 = vector.shape_cast %broadcast_in_dim3A_227 : vector<16xf32> to vector<1x16xf32>
      tpu.vector_store %arg11[%swap3A_228, %swap3A_229], %swap3A_232 {strides = array<i32>} : memref<32x128xf32, #tpu.memory_space<vmem>>, vector<1x16xf32>,
    }
    %scan3A_9 = arith.constant 32 : i32
    %mul3A_10 = arith.constant 632 : i32
    %mul3A_11 = arith.muli %arg1, %mul3A_10 : i32
    %add3A_12 = arith.constant 0 : i32
    %add3A_13 = arith.addi %mul3A_11, %add3A_12 : i32
    %multiple_of3A_14 = tpu.assume_multiple %add3A_13, 8 : i32
    "tpu.region"() ({
      %run_scoped3A = tpu.sem_alloc : memref<!tpu.dma_semaphore, #tpu.memory_space<semaphore_mem>>
      %dma_start3A_177 = arith.constant 0 : i32
      %dma_start3A_178 = tpu.memref_slice %arg14[%multiple_of3A_14, %dma_start3A_177] : memref<10112x128xf32, #tpu.memory_space<vmem_shared>> -> memref<32x128xf32, #tpu.memory_space<vmem_shared>>
      %dma_start3A_179 = arith.constant 0 : i32
      %dma_start3A_180 = tpu.memref_slice %arg14[%multiple_of3A_14, %dma_start3A_179] : memref<10112x128xf32, #tpu.memory_space<vmem_shared>> -> memref<32x128xf32, #tpu.memory_space<vmem_shared>>
      tpu.enqueue_dma source(%arg11 : memref<32x128xf32, #tpu.memory_space<vmem>>) target(%dma_start3A_180 : memref<32x128xf32, #tpu.memory_space<vmem_shared>>) target_semaphore(%run_scoped3A : memref<!tpu.dma_semaphore, #tpu.memory_space<semaphore_mem>>)
      %dma_wait3A_181 = arith.constant 0 : i32
      %dma_wait3A_182 = tpu.memref_slice %arg14[%multiple_of3A_14, %dma_wait3A_181] : memref<10112x128xf32, #tpu.memory_space<vmem_shared>> -> memref<32x128xf32, #tpu.memory_space<vmem_shared>>
      %dma_wait3A_183 = arith.constant 0 : i32
      %dma_wait3A_184 = tpu.memref_slice %arg14[%multiple_of3A_14, %dma_wait3A_183] : memref<10112x128xf32, #tpu.memory_space<vmem_shared>> -> memref<32x128xf32, #tpu.memory_space<vmem_shared>>
      tpu.wait_dma2 semaphore(%run_scoped3A : memref<!tpu.dma_semaphore, #tpu.memory_space<semaphore_mem>>) src(%arg11 : memref<32x128xf32, #tpu.memory_space<vmem>>) dst(%dma_wait3A_184 : memref<32x128xf32, #tpu.memory_space<vmem_shared>>)
      tpu.yield
    }) : () -> ()
    %mul3A_15 = arith.constant 632 : i32
    %mul3A_16 = arith.muli %arg1, %mul3A_15 : i32
    %add3A_17 = arith.constant 32 : i32
    %add3A_18 = arith.addi %mul3A_16, %add3A_17 : i32
    %multiple_of3A_19 = tpu.assume_multiple %add3A_18, 8 : i32
    "tpu.region"() ({
      %run_scoped3A = tpu.sem_alloc : memref<!tpu.dma_semaphore, #tpu.memory_space<semaphore_mem>>
      %dma_start3A_177 = arith.constant 0 : i32
      %dma_start3A_178 = tpu.memref_slice %arg14[%multiple_of3A_19, %dma_start3A_177] : memref<10112x128xf32, #tpu.memory_space<vmem_shared>> -> memref<32x128xf32, #tpu.memory_space<vmem_shared>>
      %dma_start3A_179 = arith.constant 0 : i32
      %dma_start3A_180 = tpu.memref_slice %arg14[%multiple_of3A_19, %dma_start3A_179] : memref<10112x128xf32, #tpu.memory_space<vmem_shared>> -> memref<32x128xf32, #tpu.memory_space<vmem_shared>>
      tpu.enqueue_dma source(%arg11 : memref<32x128xf32, #tpu.memory_space<vmem>>) target(%dma_start3A_180 : memref<32x128xf32, #tpu.memory_space<vmem_shared>>) target_semaphore(%run_scoped3A : memref<!tpu.dma_semaphore, #tpu.memory_space<semaphore_mem>>)
      %dma_wait3A_181 = arith.constant 0 : i32
      %dma_wait3A_182 = tpu.memref_slice %arg14[%multiple_of3A_19, %dma_wait3A_181] : memref<10112x128xf32, #tpu.memory_space<vmem_shared>> -> memref<32x128xf32, #tpu.memory_space<vmem_shared>>
      %dma_wait3A_183 = arith.constant 0 : i32
      %dma_wait3A_184 = tpu.memref_slice %arg14[%multiple_of3A_19, %dma_wait3A_183] : memref<10112x128xf32, #tpu.memory_space<vmem_shared>> -> memref<32x128xf32, #tpu.memory_space<vmem_shared>>
      tpu.wait_dma2 semaphore(%run_scoped3A : memref<!tpu.dma_semaphore, #tpu.memory_space<semaphore_mem>>) src(%arg11 : memref<32x128xf32, #tpu.memory_space<vmem>>) dst(%dma_wait3A_184 : memref<32x128xf32, #tpu.memory_space<vmem_shared>>)
      tpu.yield
    }) : () -> ()
    %mul3A_20 = arith.constant 632 : i32
    %mul3A_21 = arith.muli %arg1, %mul3A_20 : i32
    %add3A_22 = arith.constant 64 : i32
    %add3A_23 = arith.addi %mul3A_21, %add3A_22 : i32
    %multiple_of3A_24 = tpu.assume_multiple %add3A_23, 8 : i32
    "tpu.region"() ({
      %run_scoped3A = tpu.sem_alloc : memref<!tpu.dma_semaphore, #tpu.memory_space<semaphore_mem>>
      %dma_start3A_177 = arith.constant 0 : i32
      %dma_start3A_178 = tpu.memref_slice %arg14[%multiple_of3A_24, %dma_start3A_177] : memref<10112x128xf32, #tpu.memory_space<vmem_shared>> -> memref<32x128xf32, #tpu.memory_space<vmem_shared>>
      %dma_start3A_179 = arith.constant 0 : i32
      %dma_start3A_180 = tpu.memref_slice %arg14[%multiple_of3A_24, %dma_start3A_179] : memref<10112x128xf32, #tpu.memory_space<vmem_shared>> -> memref<32x128xf32, #tpu.memory_space<vmem_shared>>
      tpu.enqueue_dma source(%arg11 : memref<32x128xf32, #tpu.memory_space<vmem>>) target(%dma_start3A_180 : memref<32x128xf32, #tpu.memory_space<vmem_shared>>) target_semaphore(%run_scoped3A : memref<!tpu.dma_semaphore, #tpu.memory_space<semaphore_mem>>)
      %dma_wait3A_181 = arith.constant 0 : i32
      %dma_wait3A_182 = tpu.memref_slice %arg14[%multiple_of3A_24, %dma_wait3A_181] : memref<10112x128xf32, #tpu.memory_space<vmem_shared>> -> memref<32x128xf32, #tpu.memory_space<vmem_shared>>
      %dma_wait3A_183 = arith.constant 0 : i32
      %dma_wait3A_184 = tpu.memref_slice %arg14[%multiple_of3A_24, %dma_wait3A_183] : memref<10112x128xf32, #tpu.memory_space<vmem_shared>> -> memref<32x128xf32, #tpu.memory_space<vmem_shared>>
      tpu.wait_dma2 semaphore(%run_scoped3A : memref<!tpu.dma_semaphore, #tpu.memory_space<semaphore_mem>>) src(%arg11 : memref<32x128xf32, #tpu.memory_space<vmem>>) dst(%dma_wait3A_184 : memref<32x128xf32, #tpu.memory_space<vmem_shared>>)
      tpu.yield
    }) : () -> ()
    %mul3A_25 = arith.constant 632 : i32
    %mul3A_26 = arith.muli %arg1, %mul3A_25 : i32
    %add3A_27 = arith.constant 96 : i32
    %add3A_28 = arith.addi %mul3A_26, %add3A_27 : i32
    %multiple_of3A_29 = tpu.assume_multiple %add3A_28, 8 : i32
    "tpu.region"() ({
      %run_scoped3A = tpu.sem_alloc : memref<!tpu.dma_semaphore, #tpu.memory_space<semaphore_mem>>
      %dma_start3A_177 = arith.constant 0 : i32
      %dma_start3A_178 = tpu.memref_slice %arg14[%multiple_of3A_29, %dma_start3A_177] : memref<10112x128xf32, #tpu.memory_space<vmem_shared>> -> memref<32x128xf32, #tpu.memory_space<vmem_shared>>
      %dma_start3A_179 = arith.constant 0 : i32
      %dma_start3A_180 = tpu.memref_slice %arg14[%multiple_of3A_29, %dma_start3A_179] : memref<10112x128xf32, #tpu.memory_space<vmem_shared>> -> memref<32x128xf32, #tpu.memory_space<vmem_shared>>
      tpu.enqueue_dma source(%arg11 : memref<32x128xf32, #tpu.memory_space<vmem>>) target(%dma_start3A_180 : memref<32x128xf32, #tpu.memory_space<vmem_shared>>) target_semaphore(%run_scoped3A : memref<!tpu.dma_semaphore, #tpu.memory_space<semaphore_mem>>)
      %dma_wait3A_181 = arith.constant 0 : i32
      %dma_wait3A_182 = tpu.memref_slice %arg14[%multiple_of3A_29, %dma_wait3A_181] : memref<10112x128xf32, #tpu.memory_space<vmem_shared>> -> memref<32x128xf32, #tpu.memory_space<vmem_shared>>
      %dma_wait3A_183 = arith.constant 0 : i32
      %dma_wait3A_184 = tpu.memref_slice %arg14[%multiple_of3A_29, %dma_wait3A_183] : memref<10112x128xf32, #tpu.memory_space<vmem_shared>> -> memref<32x128xf32, #tpu.memory_space<vmem_shared>>
      tpu.wait_dma2 semaphore(%run_scoped3A : memref<!tpu.dma_semaphore, #tpu.memory_space<semaphore_mem>>) src(%arg11 : memref<32x128xf32, #tpu.memory_space<vmem>>) dst(%dma_wait3A_184 : memref<32x128xf32, #tpu.memory_space<vmem_shared>>)
      tpu.yield
    }) : () -> ()
    %mul3A_30 = arith.constant 632 : i32
    %mul3A_31 = arith.muli %arg1, %mul3A_30 : i32
    %add3A_32 = arith.constant 128 : i32
    %add3A_33 = arith.addi %mul3A_31, %add3A_32 : i32
    %multiple_of3A_34 = tpu.assume_multiple %add3A_33, 8 : i32
    "tpu.region"() ({
      %run_scoped3A = tpu.sem_alloc : memref<!tpu.dma_semaphore, #tpu.memory_space<semaphore_mem>>
      %dma_start3A_177 = arith.constant 0 : i32
      %dma_start3A_178 = tpu.memref_slice %arg14[%multiple_of3A_34, %dma_start3A_177] : memref<10112x128xf32, #tpu.memory_space<vmem_shared>> -> memref<32x128xf32, #tpu.memory_space<vmem_shared>>
      %dma_start3A_179 = arith.constant 0 : i32
      %dma_start3A_180 = tpu.memref_slice %arg14[%multiple_of3A_34, %dma_start3A_179] : memref<10112x128xf32, #tpu.memory_space<vmem_shared>> -> memref<32x128xf32, #tpu.memory_space<vmem_shared>>
      tpu.enqueue_dma source(%arg11 : memref<32x128xf32, #tpu.memory_space<vmem>>) target(%dma_start3A_180 : memref<32x128xf32, #tpu.memory_space<vmem_shared>>) target_semaphore(%run_scoped3A : memref<!tpu.dma_semaphore, #tpu.memory_space<semaphore_mem>>)
      %dma_wait3A_181 = arith.constant 0 : i32
      %dma_wait3A_182 = tpu.memref_slice %arg14[%multiple_of3A_34, %dma_wait3A_181] : memref<10112x128xf32, #tpu.memory_space<vmem_shared>> -> memref<32x128xf32, #tpu.memory_space<vmem_shared>>
      %dma_wait3A_183 = arith.constant 0 : i32
      %dma_wait3A_184 = tpu.memref_slice %arg14[%multiple_of3A_34, %dma_wait3A_183] : memref<10112x128xf32, #tpu.memory_space<vmem_shared>> -> memref<32x128xf32, #tpu.memory_space<vmem_shared>>
      tpu.wait_dma2 semaphore(%run_scoped3A : memref<!tpu.dma_semaphore, #tpu.memory_space<semaphore_mem>>) src(%arg11 : memref<32x128xf32, #tpu.memory_space<vmem>>) dst(%dma_wait3A_184 : memref<32x128xf32, #tpu.memory_space<vmem_shared>>)
      tpu.yield
    }) : () -> ()
    %mul3A_35 = arith.constant 632 : i32
    %mul3A_36 = arith.muli %arg1, %mul3A_35 : i32
    %add3A_37 = arith.constant 160 : i32
    %add3A_38 = arith.addi %mul3A_36, %add3A_37 : i32
    %multiple_of3A_39 = tpu.assume_multiple %add3A_38, 8 : i32
    "tpu.region"() ({
      %run_scoped3A = tpu.sem_alloc : memref<!tpu.dma_semaphore, #tpu.memory_space<semaphore_mem>>
      %dma_start3A_177 = arith.constant 0 : i32
      %dma_start3A_178 = tpu.memref_slice %arg14[%multiple_of3A_39, %dma_start3A_177] : memref<10112x128xf32, #tpu.memory_space<vmem_shared>> -> memref<32x128xf32, #tpu.memory_space<vmem_shared>>
      %dma_start3A_179 = arith.constant 0 : i32
      %dma_start3A_180 = tpu.memref_slice %arg14[%multiple_of3A_39, %dma_start3A_179] : memref<10112x128xf32, #tpu.memory_space<vmem_shared>> -> memref<32x128xf32, #tpu.memory_space<vmem_shared>>
      tpu.enqueue_dma source(%arg11 : memref<32x128xf32, #tpu.memory_space<vmem>>) target(%dma_start3A_180 : memref<32x128xf32, #tpu.memory_space<vmem_shared>>) target_semaphore(%run_scoped3A : memref<!tpu.dma_semaphore, #tpu.memory_space<semaphore_mem>>)
      %dma_wait3A_181 = arith.constant 0 : i32
      %dma_wait3A_182 = tpu.memref_slice %arg14[%multiple_of3A_39, %dma_wait3A_181] : memref<10112x128xf32, #tpu.memory_space<vmem_shared>> -> memref<32x128xf32, #tpu.memory_space<vmem_shared>>
      %dma_wait3A_183 = arith.constant 0 : i32
      %dma_wait3A_184 = tpu.memref_slice %arg14[%multiple_of3A_39, %dma_wait3A_183] : memref<10112x128xf32, #tpu.memory_space<vmem_shared>> -> memref<32x128xf32, #tpu.memory_space<vmem_shared>>
      tpu.wait_dma2 semaphore(%run_scoped3A : memref<!tpu.dma_semaphore, #tpu.memory_space<semaphore_mem>>) src(%arg11 : memref<32x128xf32, #tpu.memory_space<vmem>>) dst(%dma_wait3A_184 : memref<32x128xf32, #tpu.memory_space<vmem_shared>>)
      tpu.yield
    }) : () -> ()
    %mul3A_40 = arith.constant 632 : i32
    %mul3A_41 = arith.muli %arg1, %mul3A_40 : i32
    %add3A_42 = arith.constant 192 : i32
    %add3A_43 = arith.addi %mul3A_41, %add3A_42 : i32
    %multiple_of3A_44 = tpu.assume_multiple %add3A_43, 8 : i32
    "tpu.region"() ({
      %run_scoped3A = tpu.sem_alloc : memref<!tpu.dma_semaphore, #tpu.memory_space<semaphore_mem>>
      %dma_start3A_177 = arith.constant 0 : i32
      %dma_start3A_178 = tpu.memref_slice %arg14[%multiple_of3A_44, %dma_start3A_177] : memref<10112x128xf32, #tpu.memory_space<vmem_shared>> -> memref<32x128xf32, #tpu.memory_space<vmem_shared>>
      %dma_start3A_179 = arith.constant 0 : i32
      %dma_start3A_180 = tpu.memref_slice %arg14[%multiple_of3A_44, %dma_start3A_179] : memref<10112x128xf32, #tpu.memory_space<vmem_shared>> -> memref<32x128xf32, #tpu.memory_space<vmem_shared>>
      tpu.enqueue_dma source(%arg11 : memref<32x128xf32, #tpu.memory_space<vmem>>) target(%dma_start3A_180 : memref<32x128xf32, #tpu.memory_space<vmem_shared>>) target_semaphore(%run_scoped3A : memref<!tpu.dma_semaphore, #tpu.memory_space<semaphore_mem>>)
      %dma_wait3A_181 = arith.constant 0 : i32
      %dma_wait3A_182 = tpu.memref_slice %arg14[%multiple_of3A_44, %dma_wait3A_181] : memref<10112x128xf32, #tpu.memory_space<vmem_shared>> -> memref<32x128xf32, #tpu.memory_space<vmem_shared>>
      %dma_wait3A_183 = arith.constant 0 : i32
      %dma_wait3A_184 = tpu.memref_slice %arg14[%multiple_of3A_44, %dma_wait3A_183] : memref<10112x128xf32, #tpu.memory_space<vmem_shared>> -> memref<32x128xf32, #tpu.memory_space<vmem_shared>>
      tpu.wait_dma2 semaphore(%run_scoped3A : memref<!tpu.dma_semaphore, #tpu.memory_space<semaphore_mem>>) src(%arg11 : memref<32x128xf32, #tpu.memory_space<vmem>>) dst(%dma_wait3A_184 : memref<32x128xf32, #tpu.memory_space<vmem_shared>>)
      tpu.yield
    }) : () -> ()
    %mul3A_45 = arith.constant 632 : i32
    %mul3A_46 = arith.muli %arg1, %mul3A_45 : i32
    %add3A_47 = arith.constant 224 : i32
    %add3A_48 = arith.addi %mul3A_46, %add3A_47 : i32
    %multiple_of3A_49 = tpu.assume_multiple %add3A_48, 8 : i32
    "tpu.region"() ({
      %run_scoped3A = tpu.sem_alloc : memref<!tpu.dma_semaphore, #tpu.memory_space<semaphore_mem>>
      %dma_start3A_177 = arith.constant 0 : i32
      %dma_start3A_178 = tpu.memref_slice %arg14[%multiple_of3A_49, %dma_start3A_177] : memref<10112x128xf32, #tpu.memory_space<vmem_shared>> -> memref<32x128xf32, #tpu.memory_space<vmem_shared>>
      %dma_start3A_179 = arith.constant 0 : i32
      %dma_start3A_180 = tpu.memref_slice %arg14[%multiple_of3A_49, %dma_start3A_179] : memref<10112x128xf32, #tpu.memory_space<vmem_shared>> -> memref<32x128xf32, #tpu.memory_space<vmem_shared>>
      tpu.enqueue_dma source(%arg11 : memref<32x128xf32, #tpu.memory_space<vmem>>) target(%dma_start3A_180 : memref<32x128xf32, #tpu.memory_space<vmem_shared>>) target_semaphore(%run_scoped3A : memref<!tpu.dma_semaphore, #tpu.memory_space<semaphore_mem>>)
      %dma_wait3A_181 = arith.constant 0 : i32
      %dma_wait3A_182 = tpu.memref_slice %arg14[%multiple_of3A_49, %dma_wait3A_181] : memref<10112x128xf32, #tpu.memory_space<vmem_shared>> -> memref<32x128xf32, #tpu.memory_space<vmem_shared>>
      %dma_wait3A_183 = arith.constant 0 : i32
      %dma_wait3A_184 = tpu.memref_slice %arg14[%multiple_of3A_49, %dma_wait3A_183] : memref<10112x128xf32, #tpu.memory_space<vmem_shared>> -> memref<32x128xf32, #tpu.memory_space<vmem_shared>>
      tpu.wait_dma2 semaphore(%run_scoped3A : memref<!tpu.dma_semaphore, #tpu.memory_space<semaphore_mem>>) src(%arg11 : memref<32x128xf32, #tpu.memory_space<vmem>>) dst(%dma_wait3A_184 : memref<32x128xf32, #tpu.memory_space<vmem_shared>>)
      tpu.yield
    }) : () -> ()
    %mul3A_50 = arith.constant 632 : i32
    %mul3A_51 = arith.muli %arg1, %mul3A_50 : i32
    %add3A_52 = arith.constant 256 : i32
    %add3A_53 = arith.addi %mul3A_51, %add3A_52 : i32
    %multiple_of3A_54 = tpu.assume_multiple %add3A_53, 8 : i32
    "tpu.region"() ({
      %run_scoped3A = tpu.sem_alloc : memref<!tpu.dma_semaphore, #tpu.memory_space<semaphore_mem>>
      %dma_start3A_177 = arith.constant 0 : i32
      %dma_start3A_178 = tpu.memref_slice %arg14[%multiple_of3A_54, %dma_start3A_177] : memref<10112x128xf32, #tpu.memory_space<vmem_shared>> -> memref<32x128xf32, #tpu.memory_space<vmem_shared>>
      %dma_start3A_179 = arith.constant 0 : i32
      %dma_start3A_180 = tpu.memref_slice %arg14[%multiple_of3A_54, %dma_start3A_179] : memref<10112x128xf32, #tpu.memory_space<vmem_shared>> -> memref<32x128xf32, #tpu.memory_space<vmem_shared>>
      tpu.enqueue_dma source(%arg11 : memref<32x128xf32, #tpu.memory_space<vmem>>) target(%dma_start3A_180 : memref<32x128xf32, #tpu.memory_space<vmem_shared>>) target_semaphore(%run_scoped3A : memref<!tpu.dma_semaphore, #tpu.memory_space<semaphore_mem>>)
      %dma_wait3A_181 = arith.constant 0 : i32
      %dma_wait3A_182 = tpu.memref_slice %arg14[%multiple_of3A_54, %dma_wait3A_181] : memref<10112x128xf32, #tpu.memory_space<vmem_shared>> -> memref<32x128xf32, #tpu.memory_space<vmem_shared>>
      %dma_wait3A_183 = arith.constant 0 : i32
      %dma_wait3A_184 = tpu.memref_slice %arg14[%multiple_of3A_54, %dma_wait3A_183] : memref<10112x128xf32, #tpu.memory_space<vmem_shared>> -> memref<32x128xf32, #tpu.memory_space<vmem_shared>>
      tpu.wait_dma2 semaphore(%run_scoped3A : memref<!tpu.dma_semaphore, #tpu.memory_space<semaphore_mem>>) src(%arg11 : memref<32x128xf32, #tpu.memory_space<vmem>>) dst(%dma_wait3A_184 : memref<32x128xf32, #tpu.memory_space<vmem_shared>>)
      tpu.yield
    }) : () -> ()
    %mul3A_55 = arith.constant 632 : i32
    %mul3A_56 = arith.muli %arg1, %mul3A_55 : i32
    %add3A_57 = arith.constant 288 : i32
    %add3A_58 = arith.addi %mul3A_56, %add3A_57 : i32
    %multiple_of3A_59 = tpu.assume_multiple %add3A_58, 8 : i32
    "tpu.region"() ({
      %run_scoped3A = tpu.sem_alloc : memref<!tpu.dma_semaphore, #tpu.memory_space<semaphore_mem>>
      %dma_start3A_177 = arith.constant 0 : i32
      %dma_start3A_178 = tpu.memref_slice %arg14[%multiple_of3A_59, %dma_start3A_177] : memref<10112x128xf32, #tpu.memory_space<vmem_shared>> -> memref<32x128xf32, #tpu.memory_space<vmem_shared>>
      %dma_start3A_179 = arith.constant 0 : i32
      %dma_start3A_180 = tpu.memref_slice %arg14[%multiple_of3A_59, %dma_start3A_179] : memref<10112x128xf32, #tpu.memory_space<vmem_shared>> -> memref<32x128xf32, #tpu.memory_space<vmem_shared>>
      tpu.enqueue_dma source(%arg11 : memref<32x128xf32, #tpu.memory_space<vmem>>) target(%dma_start3A_180 : memref<32x128xf32, #tpu.memory_space<vmem_shared>>) target_semaphore(%run_scoped3A : memref<!tpu.dma_semaphore, #tpu.memory_space<semaphore_mem>>)
      %dma_wait3A_181 = arith.constant 0 : i32
      %dma_wait3A_182 = tpu.memref_slice %arg14[%multiple_of3A_59, %dma_wait3A_181] : memref<10112x128xf32, #tpu.memory_space<vmem_shared>> -> memref<32x128xf32, #tpu.memory_space<vmem_shared>>
      %dma_wait3A_183 = arith.constant 0 : i32
      %dma_wait3A_184 = tpu.memref_slice %arg14[%multiple_of3A_59, %dma_wait3A_183] : memref<10112x128xf32, #tpu.memory_space<vmem_shared>> -> memref<32x128xf32, #tpu.memory_space<vmem_shared>>
      tpu.wait_dma2 semaphore(%run_scoped3A : memref<!tpu.dma_semaphore, #tpu.memory_space<semaphore_mem>>) src(%arg11 : memref<32x128xf32, #tpu.memory_space<vmem>>) dst(%dma_wait3A_184 : memref<32x128xf32, #tpu.memory_space<vmem_shared>>)
      tpu.yield
    }) : () -> ()
    %mul3A_60 = arith.constant 632 : i32
    %mul3A_61 = arith.muli %arg1, %mul3A_60 : i32
    %add3A_62 = arith.constant 320 : i32
    %add3A_63 = arith.addi %mul3A_61, %add3A_62 : i32
    %multiple_of3A_64 = tpu.assume_multiple %add3A_63, 8 : i32
    "tpu.region"() ({
      %run_scoped3A = tpu.sem_alloc : memref<!tpu.dma_semaphore, #tpu.memory_space<semaphore_mem>>
      %dma_start3A_177 = arith.constant 0 : i32
      %dma_start3A_178 = tpu.memref_slice %arg14[%multiple_of3A_64, %dma_start3A_177] : memref<10112x128xf32, #tpu.memory_space<vmem_shared>> -> memref<32x128xf32, #tpu.memory_space<vmem_shared>>
      %dma_start3A_179 = arith.constant 0 : i32
      %dma_start3A_180 = tpu.memref_slice %arg14[%multiple_of3A_64, %dma_start3A_179] : memref<10112x128xf32, #tpu.memory_space<vmem_shared>> -> memref<32x128xf32, #tpu.memory_space<vmem_shared>>
      tpu.enqueue_dma source(%arg11 : memref<32x128xf32, #tpu.memory_space<vmem>>) target(%dma_start3A_180 : memref<32x128xf32, #tpu.memory_space<vmem_shared>>) target_semaphore(%run_scoped3A : memref<!tpu.dma_semaphore, #tpu.memory_space<semaphore_mem>>)
      %dma_wait3A_181 = arith.constant 0 : i32
      %dma_wait3A_182 = tpu.memref_slice %arg14[%multiple_of3A_64, %dma_wait3A_181] : memref<10112x128xf32, #tpu.memory_space<vmem_shared>> -> memref<32x128xf32, #tpu.memory_space<vmem_shared>>
      %dma_wait3A_183 = arith.constant 0 : i32
      %dma_wait3A_184 = tpu.memref_slice %arg14[%multiple_of3A_64, %dma_wait3A_183] : memref<10112x128xf32, #tpu.memory_space<vmem_shared>> -> memref<32x128xf32, #tpu.memory_space<vmem_shared>>
      tpu.wait_dma2 semaphore(%run_scoped3A : memref<!tpu.dma_semaphore, #tpu.memory_space<semaphore_mem>>) src(%arg11 : memref<32x128xf32, #tpu.memory_space<vmem>>) dst(%dma_wait3A_184 : memref<32x128xf32, #tpu.memory_space<vmem_shared>>)
      tpu.yield
    }) : () -> ()
    %mul3A_65 = arith.constant 632 : i32
    %mul3A_66 = arith.muli %arg1, %mul3A_65 : i32
    %add3A_67 = arith.constant 352 : i32
    %add3A_68 = arith.addi %mul3A_66, %add3A_67 : i32
    %multiple_of3A_69 = tpu.assume_multiple %add3A_68, 8 : i32
    "tpu.region"() ({
      %run_scoped3A = tpu.sem_alloc : memref<!tpu.dma_semaphore, #tpu.memory_space<semaphore_mem>>
      %dma_start3A_177 = arith.constant 0 : i32
      %dma_start3A_178 = tpu.memref_slice %arg14[%multiple_of3A_69, %dma_start3A_177] : memref<10112x128xf32, #tpu.memory_space<vmem_shared>> -> memref<32x128xf32, #tpu.memory_space<vmem_shared>>
      %dma_start3A_179 = arith.constant 0 : i32
      %dma_start3A_180 = tpu.memref_slice %arg14[%multiple_of3A_69, %dma_start3A_179] : memref<10112x128xf32, #tpu.memory_space<vmem_shared>> -> memref<32x128xf32, #tpu.memory_space<vmem_shared>>
      tpu.enqueue_dma source(%arg11 : memref<32x128xf32, #tpu.memory_space<vmem>>) target(%dma_start3A_180 : memref<32x128xf32, #tpu.memory_space<vmem_shared>>) target_semaphore(%run_scoped3A : memref<!tpu.dma_semaphore, #tpu.memory_space<semaphore_mem>>)
      %dma_wait3A_181 = arith.constant 0 : i32
      %dma_wait3A_182 = tpu.memref_slice %arg14[%multiple_of3A_69, %dma_wait3A_181] : memref<10112x128xf32, #tpu.memory_space<vmem_shared>> -> memref<32x128xf32, #tpu.memory_space<vmem_shared>>
      %dma_wait3A_183 = arith.constant 0 : i32
      %dma_wait3A_184 = tpu.memref_slice %arg14[%multiple_of3A_69, %dma_wait3A_183] : memref<10112x128xf32, #tpu.memory_space<vmem_shared>> -> memref<32x128xf32, #tpu.memory_space<vmem_shared>>
      tpu.wait_dma2 semaphore(%run_scoped3A : memref<!tpu.dma_semaphore, #tpu.memory_space<semaphore_mem>>) src(%arg11 : memref<32x128xf32, #tpu.memory_space<vmem>>) dst(%dma_wait3A_184 : memref<32x128xf32, #tpu.memory_space<vmem_shared>>)
      tpu.yield
    }) : () -> ()
    %mul3A_70 = arith.constant 632 : i32
    %mul3A_71 = arith.muli %arg1, %mul3A_70 : i32
    %add3A_72 = arith.constant 384 : i32
    %add3A_73 = arith.addi %mul3A_71, %add3A_72 : i32
    %multiple_of3A_74 = tpu.assume_multiple %add3A_73, 8 : i32
    "tpu.region"() ({
      %run_scoped3A = tpu.sem_alloc : memref<!tpu.dma_semaphore, #tpu.memory_space<semaphore_mem>>
      %dma_start3A_177 = arith.constant 0 : i32
      %dma_start3A_178 = tpu.memref_slice %arg14[%multiple_of3A_74, %dma_start3A_177] : memref<10112x128xf32, #tpu.memory_space<vmem_shared>> -> memref<32x128xf32, #tpu.memory_space<vmem_shared>>
      %dma_start3A_179 = arith.constant 0 : i32
      %dma_start3A_180 = tpu.memref_slice %arg14[%multiple_of3A_74, %dma_start3A_179] : memref<10112x128xf32, #tpu.memory_space<vmem_shared>> -> memref<32x128xf32, #tpu.memory_space<vmem_shared>>
      tpu.enqueue_dma source(%arg11 : memref<32x128xf32, #tpu.memory_space<vmem>>) target(%dma_start3A_180 : memref<32x128xf32, #tpu.memory_space<vmem_shared>>) target_semaphore(%run_scoped3A : memref<!tpu.dma_semaphore, #tpu.memory_space<semaphore_mem>>)
      %dma_wait3A_181 = arith.constant 0 : i32
      %dma_wait3A_182 = tpu.memref_slice %arg14[%multiple_of3A_74, %dma_wait3A_181] : memref<10112x128xf32, #tpu.memory_space<vmem_shared>> -> memref<32x128xf32, #tpu.memory_space<vmem_shared>>
      %dma_wait3A_183 = arith.constant 0 : i32
      %dma_wait3A_184 = tpu.memref_slice %arg14[%multiple_of3A_74, %dma_wait3A_183] : memref<10112x128xf32, #tpu.memory_space<vmem_shared>> -> memref<32x128xf32, #tpu.memory_space<vmem_shared>>
      tpu.wait_dma2 semaphore(%run_scoped3A : memref<!tpu.dma_semaphore, #tpu.memory_space<semaphore_mem>>) src(%arg11 : memref<32x128xf32, #tpu.memory_space<vmem>>) dst(%dma_wait3A_184 : memref<32x128xf32, #tpu.memory_space<vmem_shared>>)
      tpu.yield
    }) : () -> ()
    %mul3A_75 = arith.constant 632 : i32
    %mul3A_76 = arith.muli %arg1, %mul3A_75 : i32
    %add3A_77 = arith.constant 416 : i32
    %add3A_78 = arith.addi %mul3A_76, %add3A_77 : i32
    %multiple_of3A_79 = tpu.assume_multiple %add3A_78, 8 : i32
    "tpu.region"() ({
      %run_scoped3A = tpu.sem_alloc : memref<!tpu.dma_semaphore, #tpu.memory_space<semaphore_mem>>
      %dma_start3A_177 = arith.constant 0 : i32
      %dma_start3A_178 = tpu.memref_slice %arg14[%multiple_of3A_79, %dma_start3A_177] : memref<10112x128xf32, #tpu.memory_space<vmem_shared>> -> memref<32x128xf32, #tpu.memory_space<vmem_shared>>
      %dma_start3A_179 = arith.constant 0 : i32
      %dma_start3A_180 = tpu.memref_slice %arg14[%multiple_of3A_79, %dma_start3A_179] : memref<10112x128xf32, #tpu.memory_space<vmem_shared>> -> memref<32x128xf32, #tpu.memory_space<vmem_shared>>
      tpu.enqueue_dma source(%arg11 : memref<32x128xf32, #tpu.memory_space<vmem>>) target(%dma_start3A_180 : memref<32x128xf32, #tpu.memory_space<vmem_shared>>) target_semaphore(%run_scoped3A : memref<!tpu.dma_semaphore, #tpu.memory_space<semaphore_mem>>)
      %dma_wait3A_181 = arith.constant 0 : i32
      %dma_wait3A_182 = tpu.memref_slice %arg14[%multiple_of3A_79, %dma_wait3A_181] : memref<10112x128xf32, #tpu.memory_space<vmem_shared>> -> memref<32x128xf32, #tpu.memory_space<vmem_shared>>
      %dma_wait3A_183 = arith.constant 0 : i32
      %dma_wait3A_184 = tpu.memref_slice %arg14[%multiple_of3A_79, %dma_wait3A_183] : memref<10112x128xf32, #tpu.memory_space<vmem_shared>> -> memref<32x128xf32, #tpu.memory_space<vmem_shared>>
      tpu.wait_dma2 semaphore(%run_scoped3A : memref<!tpu.dma_semaphore, #tpu.memory_space<semaphore_mem>>) src(%arg11 : memref<32x128xf32, #tpu.memory_space<vmem>>) dst(%dma_wait3A_184 : memref<32x128xf32, #tpu.memory_space<vmem_shared>>)
      tpu.yield
    }) : () -> ()
    %mul3A_80 = arith.constant 632 : i32
    %mul3A_81 = arith.muli %arg1, %mul3A_80 : i32
    %add3A_82 = arith.constant 448 : i32
    %add3A_83 = arith.addi %mul3A_81, %add3A_82 : i32
    %multiple_of3A_84 = tpu.assume_multiple %add3A_83, 8 : i32
    "tpu.region"() ({
      %run_scoped3A = tpu.sem_alloc : memref<!tpu.dma_semaphore, #tpu.memory_space<semaphore_mem>>
      %dma_start3A_177 = arith.constant 0 : i32
      %dma_start3A_178 = tpu.memref_slice %arg14[%multiple_of3A_84, %dma_start3A_177] : memref<10112x128xf32, #tpu.memory_space<vmem_shared>> -> memref<32x128xf32, #tpu.memory_space<vmem_shared>>
      %dma_start3A_179 = arith.constant 0 : i32
      %dma_start3A_180 = tpu.memref_slice %arg14[%multiple_of3A_84, %dma_start3A_179] : memref<10112x128xf32, #tpu.memory_space<vmem_shared>> -> memref<32x128xf32, #tpu.memory_space<vmem_shared>>
      tpu.enqueue_dma source(%arg11 : memref<32x128xf32, #tpu.memory_space<vmem>>) target(%dma_start3A_180 : memref<32x128xf32, #tpu.memory_space<vmem_shared>>) target_semaphore(%run_scoped3A : memref<!tpu.dma_semaphore, #tpu.memory_space<semaphore_mem>>)
      %dma_wait3A_181 = arith.constant 0 : i32
      %dma_wait3A_182 = tpu.memref_slice %arg14[%multiple_of3A_84, %dma_wait3A_181] : memref<10112x128xf32, #tpu.memory_space<vmem_shared>> -> memref<32x128xf32, #tpu.memory_space<vmem_shared>>
      %dma_wait3A_183 = arith.constant 0 : i32
      %dma_wait3A_184 = tpu.memref_slice %arg14[%multiple_of3A_84, %dma_wait3A_183] : memref<10112x128xf32, #tpu.memory_space<vmem_shared>> -> memref<32x128xf32, #tpu.memory_space<vmem_shared>>
      tpu.wait_dma2 semaphore(%run_scoped3A : memref<!tpu.dma_semaphore, #tpu.memory_space<semaphore_mem>>) src(%arg11 : memref<32x128xf32, #tpu.memory_space<vmem>>) dst(%dma_wait3A_184 : memref<32x128xf32, #tpu.memory_space<vmem_shared>>)
      tpu.yield
    }) : () -> ()
    %mul3A_85 = arith.constant 632 : i32
    %mul3A_86 = arith.muli %arg1, %mul3A_85 : i32
    %add3A_87 = arith.constant 480 : i32
    %add3A_88 = arith.addi %mul3A_86, %add3A_87 : i32
    %multiple_of3A_89 = tpu.assume_multiple %add3A_88, 8 : i32
    "tpu.region"() ({
      %run_scoped3A = tpu.sem_alloc : memref<!tpu.dma_semaphore, #tpu.memory_space<semaphore_mem>>
      %dma_start3A_177 = arith.constant 0 : i32
      %dma_start3A_178 = tpu.memref_slice %arg14[%multiple_of3A_89, %dma_start3A_177] : memref<10112x128xf32, #tpu.memory_space<vmem_shared>> -> memref<32x128xf32, #tpu.memory_space<vmem_shared>>
      %dma_start3A_179 = arith.constant 0 : i32
      %dma_start3A_180 = tpu.memref_slice %arg14[%multiple_of3A_89, %dma_start3A_179] : memref<10112x128xf32, #tpu.memory_space<vmem_shared>> -> memref<32x128xf32, #tpu.memory_space<vmem_shared>>
      tpu.enqueue_dma source(%arg11 : memref<32x128xf32, #tpu.memory_space<vmem>>) target(%dma_start3A_180 : memref<32x128xf32, #tpu.memory_space<vmem_shared>>) target_semaphore(%run_scoped3A : memref<!tpu.dma_semaphore, #tpu.memory_space<semaphore_mem>>)
      %dma_wait3A_181 = arith.constant 0 : i32
      %dma_wait3A_182 = tpu.memref_slice %arg14[%multiple_of3A_89, %dma_wait3A_181] : memref<10112x128xf32, #tpu.memory_space<vmem_shared>> -> memref<32x128xf32, #tpu.memory_space<vmem_shared>>
      %dma_wait3A_183 = arith.constant 0 : i32
      %dma_wait3A_184 = tpu.memref_slice %arg14[%multiple_of3A_89, %dma_wait3A_183] : memref<10112x128xf32, #tpu.memory_space<vmem_shared>> -> memref<32x128xf32, #tpu.memory_space<vmem_shared>>
      tpu.wait_dma2 semaphore(%run_scoped3A : memref<!tpu.dma_semaphore, #tpu.memory_space<semaphore_mem>>) src(%arg11 : memref<32x128xf32, #tpu.memory_space<vmem>>) dst(%dma_wait3A_184 : memref<32x128xf32, #tpu.memory_space<vmem_shared>>)
      tpu.yield
    }) : () -> ()
    %mul3A_90 = arith.constant 632 : i32
    %mul3A_91 = arith.muli %arg1, %mul3A_90 : i32
    %add3A_92 = arith.constant 512 : i32
    %add3A_93 = arith.addi %mul3A_91, %add3A_92 : i32
    %multiple_of3A_94 = tpu.assume_multiple %add3A_93, 8 : i32
    "tpu.region"() ({
      %run_scoped3A = tpu.sem_alloc : memref<!tpu.dma_semaphore, #tpu.memory_space<semaphore_mem>>
      %dma_start3A_177 = arith.constant 0 : i32
      %dma_start3A_178 = tpu.memref_slice %arg14[%multiple_of3A_94, %dma_start3A_177] : memref<10112x128xf32, #tpu.memory_space<vmem_shared>> -> memref<32x128xf32, #tpu.memory_space<vmem_shared>>
      %dma_start3A_179 = arith.constant 0 : i32
      %dma_start3A_180 = tpu.memref_slice %arg14[%multiple_of3A_94, %dma_start3A_179] : memref<10112x128xf32, #tpu.memory_space<vmem_shared>> -> memref<32x128xf32, #tpu.memory_space<vmem_shared>>
      tpu.enqueue_dma source(%arg11 : memref<32x128xf32, #tpu.memory_space<vmem>>) target(%dma_start3A_180 : memref<32x128xf32, #tpu.memory_space<vmem_shared>>) target_semaphore(%run_scoped3A : memref<!tpu.dma_semaphore, #tpu.memory_space<semaphore_mem>>)
      %dma_wait3A_181 = arith.constant 0 : i32
      %dma_wait3A_182 = tpu.memref_slice %arg14[%multiple_of3A_94, %dma_wait3A_181] : memref<10112x128xf32, #tpu.memory_space<vmem_shared>> -> memref<32x128xf32, #tpu.memory_space<vmem_shared>>
      %dma_wait3A_183 = arith.constant 0 : i32
      %dma_wait3A_184 = tpu.memref_slice %arg14[%multiple_of3A_94, %dma_wait3A_183] : memref<10112x128xf32, #tpu.memory_space<vmem_shared>> -> memref<32x128xf32, #tpu.memory_space<vmem_shared>>
      tpu.wait_dma2 semaphore(%run_scoped3A : memref<!tpu.dma_semaphore, #tpu.memory_space<semaphore_mem>>) src(%arg11 : memref<32x128xf32, #tpu.memory_space<vmem>>) dst(%dma_wait3A_184 : memref<32x128xf32, #tpu.memory_space<vmem_shared>>)
      tpu.yield
    }) : () -> ()
    %mul3A_95 = arith.constant 632 : i32
    %mul3A_96 = arith.muli %arg1, %mul3A_95 : i32
    %add3A_97 = arith.constant 544 : i32
    %add3A_98 = arith.addi %mul3A_96, %add3A_97 : i32
    %multiple_of3A_99 = tpu.assume_multiple %add3A_98, 8 : i32
    "tpu.region"() ({
      %run_scoped3A = tpu.sem_alloc : memref<!tpu.dma_semaphore, #tpu.memory_space<semaphore_mem>>
      %dma_start3A_177 = arith.constant 0 : i32
      %dma_start3A_178 = tpu.memref_slice %arg14[%multiple_of3A_99, %dma_start3A_177] : memref<10112x128xf32, #tpu.memory_space<vmem_shared>> -> memref<32x128xf32, #tpu.memory_space<vmem_shared>>
      %dma_start3A_179 = arith.constant 0 : i32
      %dma_start3A_180 = tpu.memref_slice %arg14[%multiple_of3A_99, %dma_start3A_179] : memref<10112x128xf32, #tpu.memory_space<vmem_shared>> -> memref<32x128xf32, #tpu.memory_space<vmem_shared>>
      tpu.enqueue_dma source(%arg11 : memref<32x128xf32, #tpu.memory_space<vmem>>) target(%dma_start3A_180 : memref<32x128xf32, #tpu.memory_space<vmem_shared>>) target_semaphore(%run_scoped3A : memref<!tpu.dma_semaphore, #tpu.memory_space<semaphore_mem>>)
      %dma_wait3A_181 = arith.constant 0 : i32
      %dma_wait3A_182 = tpu.memref_slice %arg14[%multiple_of3A_99, %dma_wait3A_181] : memref<10112x128xf32, #tpu.memory_space<vmem_shared>> -> memref<32x128xf32, #tpu.memory_space<vmem_shared>>
      %dma_wait3A_183 = arith.constant 0 : i32
      %dma_wait3A_184 = tpu.memref_slice %arg14[%multiple_of3A_99, %dma_wait3A_183] : memref<10112x128xf32, #tpu.memory_space<vmem_shared>> -> memref<32x128xf32, #tpu.memory_space<vmem_shared>>
      tpu.wait_dma2 semaphore(%run_scoped3A : memref<!tpu.dma_semaphore, #tpu.memory_space<semaphore_mem>>) src(%arg11 : memref<32x128xf32, #tpu.memory_space<vmem>>) dst(%dma_wait3A_184 : memref<32x128xf32, #tpu.memory_space<vmem_shared>>)
      tpu.yield
    }) : () -> ()
    %mul3A_100 = arith.constant 632 : i32
    %mul3A_101 = arith.muli %arg1, %mul3A_100 : i32
    %add3A_102 = arith.constant 576 : i32
    %add3A_103 = arith.addi %mul3A_101, %add3A_102 : i32
    %multiple_of3A_104 = tpu.assume_multiple %add3A_103, 8 : i32
    "tpu.region"() ({
      %run_scoped3A = tpu.sem_alloc : memref<!tpu.dma_semaphore, #tpu.memory_space<semaphore_mem>>
      %dma_start3A_177 = arith.constant 0 : i32
      %dma_start3A_178 = tpu.memref_slice %arg14[%multiple_of3A_104, %dma_start3A_177] : memref<10112x128xf32, #tpu.memory_space<vmem_shared>> -> memref<32x128xf32, #tpu.memory_space<vmem_shared>>
      %dma_start3A_179 = arith.constant 0 : i32
      %dma_start3A_180 = tpu.memref_slice %arg14[%multiple_of3A_104, %dma_start3A_179] : memref<10112x128xf32, #tpu.memory_space<vmem_shared>> -> memref<32x128xf32, #tpu.memory_space<vmem_shared>>
      tpu.enqueue_dma source(%arg11 : memref<32x128xf32, #tpu.memory_space<vmem>>) target(%dma_start3A_180 : memref<32x128xf32, #tpu.memory_space<vmem_shared>>) target_semaphore(%run_scoped3A : memref<!tpu.dma_semaphore, #tpu.memory_space<semaphore_mem>>)
      %dma_wait3A_181 = arith.constant 0 : i32
      %dma_wait3A_182 = tpu.memref_slice %arg14[%multiple_of3A_104, %dma_wait3A_181] : memref<10112x128xf32, #tpu.memory_space<vmem_shared>> -> memref<32x128xf32, #tpu.memory_space<vmem_shared>>
      %dma_wait3A_183 = arith.constant 0 : i32
      %dma_wait3A_184 = tpu.memref_slice %arg14[%multiple_of3A_104, %dma_wait3A_183] : memref<10112x128xf32, #tpu.memory_space<vmem_shared>> -> memref<32x128xf32, #tpu.memory_space<vmem_shared>>
      tpu.wait_dma2 semaphore(%run_scoped3A : memref<!tpu.dma_semaphore, #tpu.memory_space<semaphore_mem>>) src(%arg11 : memref<32x128xf32, #tpu.memory_space<vmem>>) dst(%dma_wait3A_184 : memref<32x128xf32, #tpu.memory_space<vmem_shared>>)
      tpu.yield
    }) : () -> ()
    %mul3A_105 = arith.constant 632 : i32
    %mul3A_106 = arith.muli %arg1, %mul3A_105 : i32
    %add3A_107 = arith.constant 600 : i32
    %add3A_108 = arith.addi %mul3A_106, %add3A_107 : i32
    %multiple_of3A_109 = tpu.assume_multiple %add3A_108, 8 : i32
    "tpu.region"() ({
      %run_scoped3A = tpu.sem_alloc : memref<!tpu.dma_semaphore, #tpu.memory_space<semaphore_mem>>
      %dma_start3A_177 = arith.constant 0 : i32
      %dma_start3A_178 = tpu.memref_slice %arg14[%multiple_of3A_109, %dma_start3A_177] : memref<10112x128xf32, #tpu.memory_space<vmem_shared>> -> memref<32x128xf32, #tpu.memory_space<vmem_shared>>
      %dma_start3A_179 = arith.constant 0 : i32
      %dma_start3A_180 = tpu.memref_slice %arg14[%multiple_of3A_109, %dma_start3A_179] : memref<10112x128xf32, #tpu.memory_space<vmem_shared>> -> memref<32x128xf32, #tpu.memory_space<vmem_shared>>
      tpu.enqueue_dma source(%arg11 : memref<32x128xf32, #tpu.memory_space<vmem>>) target(%dma_start3A_180 : memref<32x128xf32, #tpu.memory_space<vmem_shared>>) target_semaphore(%run_scoped3A : memref<!tpu.dma_semaphore, #tpu.memory_space<semaphore_mem>>)
      %dma_wait3A_181 = arith.constant 0 : i32
      %dma_wait3A_182 = tpu.memref_slice %arg14[%multiple_of3A_109, %dma_wait3A_181] : memref<10112x128xf32, #tpu.memory_space<vmem_shared>> -> memref<32x128xf32, #tpu.memory_space<vmem_shared>>
      %dma_wait3A_183 = arith.constant 0 : i32
      %dma_wait3A_184 = tpu.memref_slice %arg14[%multiple_of3A_109, %dma_wait3A_183] : memref<10112x128xf32, #tpu.memory_space<vmem_shared>> -> memref<32x128xf32, #tpu.memory_space<vmem_shared>>
      tpu.wait_dma2 semaphore(%run_scoped3A : memref<!tpu.dma_semaphore, #tpu.memory_space<semaphore_mem>>) src(%arg11 : memref<32x128xf32, #tpu.memory_space<vmem>>) dst(%dma_wait3A_184 : memref<32x128xf32, #tpu.memory_space<vmem_shared>>)
      tpu.yield
    }) : () -> ()
    %barrier3A = arith.constant 0 : index
    tpu.barrier barrier_id(%barrier3A)
    %mul3A_110 = arith.constant 176128 : i32
    %mul3A_111 = arith.muli %arg0, %mul3A_110 : i32
    %mul3A_112 = arith.constant 11008 : i32
    %mul3A_113 = arith.muli %arg1, %mul3A_112 : i32
    %add3A_114 = arith.addi %mul3A_111, %mul3A_113 : i32
    %add3A_115 = arith.constant 0 : i32
    %add3A_116 = arith.addi %add3A_114, %add3A_115 : i32
    %multiple_of3A_117 = tpu.assume_multiple %add3A_116, 8 : i32
    "tpu.region"() ({
      %run_scoped3A = tpu.sem_alloc : memref<!tpu.dma_semaphore, #tpu.memory_space<semaphore_mem>>
      %dma_start3A_177 = tpu.memref_slice %arg3[%multiple_of3A_117] : memref<352256xi32, #tpu.memory_space<hbm>> -> memref<32xi32, #tpu.memory_space<hbm>>
      %dma_start3A_178 = tpu.memref_slice %arg3[%multiple_of3A_117] : memref<352256xi32, #tpu.memory_space<hbm>> -> memref<32xi32, #tpu.memory_space<hbm>>
      tpu.enqueue_dma source(%dma_start3A_178 : memref<32xi32, #tpu.memory_space<hbm>>) target(%arg5 : memref<32xi32, #tpu.memory_space<vmem>>) target_semaphore(%run_scoped3A : memref<!tpu.dma_semaphore, #tpu.memory_space<semaphore_mem>>)
      %dma_wait3A_179 = tpu.memref_slice %arg3[%multiple_of3A_117] : memref<352256xi32, #tpu.memory_space<hbm>> -> memref<32xi32, #tpu.memory_space<hbm>>
      %dma_wait3A_180 = tpu.memref_slice %arg3[%multiple_of3A_117] : memref<352256xi32, #tpu.memory_space<hbm>> -> memref<32xi32, #tpu.memory_space<hbm>>
      tpu.wait_dma2 semaphore(%run_scoped3A : memref<!tpu.dma_semaphore, #tpu.memory_space<semaphore_mem>>) src(%dma_wait3A_180 : memref<32xi32, #tpu.memory_space<hbm>>) dst(%arg5 : memref<32xi32, #tpu.memory_space<vmem>>)
      tpu.yield
    }) : () -> ()
    %get3A = arith.constant 0 : index
    %get3A_118 = tpu.vector_load %arg5[%get3A] {strides = array<i32>} : memref<32xi32, #tpu.memory_space<vmem>>, vector<16xi32>,
    %get3A_119 = vector.shape_cast %get3A_118 : vector<16xi32> to vector<16xi32>
    %and3A = arith.constant 8191 : i32
    %and3A_120 = vector.broadcast %and3A : i32 to vector<16xi32>
    %and3A_121 = arith.andi %get3A_119, %and3A_120 : vector<16xi32>
    %swap3A = arith.constant 0 : index
    %swap3A_122 = tpu.vector_load %arg7[%swap3A] {strides = array<i32>} : memref<32xi32, #tpu.memory_space<vmem>>, vector<16xi32>,
    %swap3A_123 = vector.shape_cast %swap3A_122 : vector<16xi32> to vector<16xi32>
    %swap3A_124 = vector.shape_cast %and3A_121 : vector<16xi32> to vector<16xi32>
    tpu.vector_store %arg7[%swap3A], %swap3A_124 {strides = array<i32>} : memref<32xi32, #tpu.memory_space<vmem>>, vector<16xi32>,
    %shift_right_logical3A = arith.constant 13 : i32
    %shift_right_logical3A_125 = vector.broadcast %shift_right_logical3A : i32 to vector<16xi32>
    %shift_right_logical3A_126 = arith.shrui %get3A_119, %shift_right_logical3A_125 : vector<16xi32>
    %swap3A_127 = arith.constant 0 : index
    %swap3A_128 = tpu.vector_load %arg9[%swap3A_127] {strides = array<i32>} : memref<32xi32, #tpu.memory_space<vmem>>, vector<16xi32>,
    %swap3A_129 = vector.shape_cast %swap3A_128 : vector<16xi32> to vector<16xi32>
    %swap3A_130 = vector.shape_cast %shift_right_logical3A_126 : vector<16xi32> to vector<16xi32>
    tpu.vector_store %arg9[%swap3A_127], %swap3A_130 {strides = array<i32>} : memref<32xi32, #tpu.memory_space<vmem>>, vector<16xi32>,
    %get3A_131 = arith.constant 16 : index
    %get3A_132 = tpu.vector_load %arg5[%get3A_131] {strides = array<i32>} : memref<32xi32, #tpu.memory_space<vmem>>, vector<16xi32>,
    %get3A_133 = vector.shape_cast %get3A_132 : vector<16xi32> to vector<16xi32>
    %and3A_134 = arith.constant 8191 : i32
    %and3A_135 = vector.broadcast %and3A_134 : i32 to vector<16xi32>
    %and3A_136 = arith.andi %get3A_133, %and3A_135 : vector<16xi32>
    %swap3A_137 = arith.constant 16 : index
    %swap3A_138 = tpu.vector_load %arg7[%swap3A_137] {strides = array<i32>} : memref<32xi32, #tpu.memory_space<vmem>>, vector<16xi32>,
    %swap3A_139 = vector.shape_cast %swap3A_138 : vector<16xi32> to vector<16xi32>
    %swap3A_140 = vector.shape_cast %and3A_136 : vector<16xi32> to vector<16xi32>
    tpu.vector_store %arg7[%swap3A_137], %swap3A_140 {strides = array<i32>} : memref<32xi32, #tpu.memory_space<vmem>>, vector<16xi32>,
    %shift_right_logical3A_141 = arith.constant 13 : i32
    %shift_right_logical3A_142 = vector.broadcast %shift_right_logical3A_141 : i32 to vector<16xi32>
    %shift_right_logical3A_143 = arith.shrui %get3A_133, %shift_right_logical3A_142 : vector<16xi32>
    %swap3A_144 = arith.constant 16 : index
    %swap3A_145 = tpu.vector_load %arg9[%swap3A_144] {strides = array<i32>} : memref<32xi32, #tpu.memory_space<vmem>>, vector<16xi32>,
    %swap3A_146 = vector.shape_cast %swap3A_145 : vector<16xi32> to vector<16xi32>
    %swap3A_147 = vector.shape_cast %shift_right_logical3A_143 : vector<16xi32> to vector<16xi32>
    tpu.vector_store %arg9[%swap3A_144], %swap3A_147 {strides = array<i32>} : memref<32xi32, #tpu.memory_space<vmem>>, vector<16xi32>,
    %dma_start3A = arith.constant 0 : i32
    %dma_start3A_148 = arith.constant 0 : i32
    %dma_start3A_149 = tpu.memref_slice %arg13[%dma_start3A, %dma_start3A_148] : memref<5120x128xf32, #tpu.memory_space<vmem_shared>> -> memref<5120x128xf32, #tpu.memory_space<vmem_shared>>
    tpu.enqueue_indirect_dma source(%dma_start3A_149 : memref<5120x128xf32, #tpu.memory_space<vmem_shared>>) target(%arg11 : memref<32x128xf32, #tpu.memory_space<vmem>>) offsets(%arg7 : memref<32xi32, #tpu.memory_space<vmem>>) semaphore(%arg17 : memref<!tpu.dma_semaphore, #tpu.memory_space<semaphore_mem>>)
    %mul3A_150 = arith.constant 176128 : i32
    %mul3A_151 = arith.muli %arg0, %mul3A_150 : i32
    %mul3A_152 = arith.constant 11008 : i32
    %mul3A_153 = arith.muli %arg1, %mul3A_152 : i32
    %add3A_154 = arith.addi %mul3A_151, %mul3A_153 : i32
    %add3A_155 = arith.constant 32 : i32
    %add3A_156 = arith.addi %add3A_154, %add3A_155 : i32
    %multiple_of3A_157 = tpu.assume_multiple %add3A_156, 8 : i32
    %dma_start3A_158 = tpu.memref_slice %arg3[%multiple_of3A_157] : memref<352256xi32, #tpu.memory_space<hbm>> -> memref<32xi32, #tpu.memory_space<hbm>>
    %dma_start3A_159 = tpu.memref_slice %arg3[%multiple_of3A_157] : memref<352256xi32, #tpu.memory_space<hbm>> -> memref<32xi32, #tpu.memory_space<hbm>>
    tpu.enqueue_dma source(%dma_start3A_159 : memref<32xi32, #tpu.memory_space<hbm>>) target(%arg6 : memref<32xi32, #tpu.memory_space<vmem>>) target_semaphore(%arg16 : memref<!tpu.dma_semaphore, #tpu.memory_space<semaphore_mem>>)
    %scan3A_160 = arith.constant 0 : i32
    %scan3A_161 = arith.constant 172 : i32
    %scan3A_162 = arith.addi %scan3A_160, %scan3A_161 : i32
    %scan3A_163 = arith.constant 1 : i32
    scf.for %scan3A_177 = %scan3A_160 to %scan3A_162 step %scan3A_163  : i32 {
      %mul3A_178 = arith.constant 2 : i32
      %mul3A_179 = arith.muli %mul3A_178, %scan3A_177 : i32
      %add3A_180 = arith.constant 1 : i32
      %add3A_181 = arith.addi %mul3A_179, %add3A_180 : i32
      %lt3A = arith.constant 344 : i32
      %lt3A_182 = arith.cmpi slt, %add3A_181, %lt3A : i32
      %convert_element_type3A = arith.extui %lt3A_182 : i1 to i32
      %cond3A = arith.constant 0 : i32
      %cond3A_183 = arith.cmpi ne, %convert_element_type3A, %cond3A : i32
      scf.if %cond3A_183 {
        %mul3A_221 = arith.constant 176128 : i32
        %mul3A_222 = arith.muli %arg0, %mul3A_221 : i32
        %mul3A_223 = arith.constant 11008 : i32
        %mul3A_224 = arith.muli %arg1, %mul3A_223 : i32
        %add3A_225 = arith.addi %mul3A_222, %mul3A_224 : i32
        %mul3A_226 = arith.constant 32 : i32
        %mul3A_227 = arith.muli %mul3A_179, %mul3A_226 : i32
        %add3A_228 = arith.addi %add3A_225, %mul3A_227 : i32
        %multiple_of3A_229 = tpu.assume_multiple %add3A_228, 8 : i32
        %dma_wait3A_230 = tpu.memref_slice %arg3[%multiple_of3A_229] : memref<352256xi32, #tpu.memory_space<hbm>> -> memref<32xi32, #tpu.memory_space<hbm>>
        %dma_wait3A_231 = tpu.memref_slice %arg3[%multiple_of3A_229] : memref<352256xi32, #tpu.memory_space<hbm>> -> memref<32xi32, #tpu.memory_space<hbm>>
        tpu.wait_dma2 semaphore(%arg16 : memref<!tpu.dma_semaphore, #tpu.memory_space<semaphore_mem>>) src(%dma_wait3A_231 : memref<32xi32, #tpu.memory_space<hbm>>) dst(%arg6 : memref<32xi32, #tpu.memory_space<vmem>>)
        %ge3A = arith.constant 1 : i32
        %ge3A_232 = arith.cmpi sge, %mul3A_179, %ge3A : i32
        %convert_element_type3A_233 = arith.extui %ge3A_232 : i1 to i32
        %cond3A_234 = arith.constant 0 : i32
        %cond3A_235 = arith.cmpi ne, %convert_element_type3A_233, %cond3A_234 : i32
        scf.if %cond3A_235 {
          %dma_wait3A_273 = arith.constant 0 : i32
          %dma_wait3A_274 = arith.constant 0 : i32
          %dma_wait3A_275 = tpu.memref_slice %arg14[%dma_wait3A_273, %dma_wait3A_274] : memref<10112x128xf32, #tpu.memory_space<vmem_shared>> -> memref<10112x128xf32, #tpu.memory_space<vmem_shared>>
          tpu.wait_indirect_dma semaphore(%arg20 : memref<!tpu.dma_semaphore, #tpu.memory_space<semaphore_mem>>) src(%arg12 : memref<32x128xf32, #tpu.memory_space<vmem>>) dst(%dma_wait3A_275 : memref<10112x128xf32, #tpu.memory_space<vmem_shared>>)
        } else {
        }
        %get3A_236 = arith.constant 0 : index
        %get3A_237 = tpu.vector_load %arg6[%get3A_236] {strides = array<i32>} : memref<32xi32, #tpu.memory_space<vmem>>, vector<16xi32>,
        %get3A_238 = vector.shape_cast %get3A_237 : vector<16xi32> to vector<16xi32>
        %and3A_239 = arith.constant 8191 : i32
        %and3A_240 = vector.broadcast %and3A_239 : i32 to vector<16xi32>
        %and3A_241 = arith.andi %get3A_238, %and3A_240 : vector<16xi32>
        %swap3A_242 = arith.constant 0 : index
        %swap3A_243 = tpu.vector_load %arg8[%swap3A_242] {strides = array<i32>} : memref<32xi32, #tpu.memory_space<vmem>>, vector<16xi32>,
        %swap3A_244 = vector.shape_cast %swap3A_243 : vector<16xi32> to vector<16xi32>
        %swap3A_245 = vector.shape_cast %and3A_241 : vector<16xi32> to vector<16xi32>
        tpu.vector_store %arg8[%swap3A_242], %swap3A_245 {strides = array<i32>} : memref<32xi32, #tpu.memory_space<vmem>>, vector<16xi32>,
        %shift_right_logical3A_246 = arith.constant 13 : i32
        %shift_right_logical3A_247 = vector.broadcast %shift_right_logical3A_246 : i32 to vector<16xi32>
        %shift_right_logical3A_248 = arith.shrui %get3A_238, %shift_right_logical3A_247 : vector<16xi32>
        %swap3A_249 = arith.constant 0 : index
        %swap3A_250 = tpu.vector_load %arg10[%swap3A_249] {strides = array<i32>} : memref<32xi32, #tpu.memory_space<vmem>>, vector<16xi32>,
        %swap3A_251 = vector.shape_cast %swap3A_250 : vector<16xi32> to vector<16xi32>
        %swap3A_252 = vector.shape_cast %shift_right_logical3A_248 : vector<16xi32> to vector<16xi32>
        tpu.vector_store %arg10[%swap3A_249], %swap3A_252 {strides = array<i32>} : memref<32xi32, #tpu.memory_space<vmem>>, vector<16xi32>,
        %get3A_253 = arith.constant 16 : index
        %get3A_254 = tpu.vector_load %arg6[%get3A_253] {strides = array<i32>} : memref<32xi32, #tpu.memory_space<vmem>>, vector<16xi32>,
        %get3A_255 = vector.shape_cast %get3A_254 : vector<16xi32> to vector<16xi32>
        %and3A_256 = arith.constant 8191 : i32
        %and3A_257 = vector.broadcast %and3A_256 : i32 to vector<16xi32>
        %and3A_258 = arith.andi %get3A_255, %and3A_257 : vector<16xi32>
        %swap3A_259 = arith.constant 16 : index
        %swap3A_260 = tpu.vector_load %arg8[%swap3A_259] {strides = array<i32>} : memref<32xi32, #tpu.memory_space<vmem>>, vector<16xi32>,
        %swap3A_261 = vector.shape_cast %swap3A_260 : vector<16xi32> to vector<16xi32>
        %swap3A_262 = vector.shape_cast %and3A_258 : vector<16xi32> to vector<16xi32>
        tpu.vector_store %arg8[%swap3A_259], %swap3A_262 {strides = array<i32>} : memref<32xi32, #tpu.memory_space<vmem>>, vector<16xi32>,
        %shift_right_logical3A_263 = arith.constant 13 : i32
        %shift_right_logical3A_264 = vector.broadcast %shift_right_logical3A_263 : i32 to vector<16xi32>
        %shift_right_logical3A_265 = arith.shrui %get3A_255, %shift_right_logical3A_264 : vector<16xi32>
        %swap3A_266 = arith.constant 16 : index
        %swap3A_267 = tpu.vector_load %arg10[%swap3A_266] {strides = array<i32>} : memref<32xi32, #tpu.memory_space<vmem>>, vector<16xi32>,
        %swap3A_268 = vector.shape_cast %swap3A_267 : vector<16xi32> to vector<16xi32>
        %swap3A_269 = vector.shape_cast %shift_right_logical3A_265 : vector<16xi32> to vector<16xi32>
        tpu.vector_store %arg10[%swap3A_266], %swap3A_269 {strides = array<i32>} : memref<32xi32, #tpu.memory_space<vmem>>, vector<16xi32>,
        %dma_start3A_270 = arith.constant 0 : i32
        %dma_start3A_271 = arith.constant 0 : i32
        %dma_start3A_272 = tpu.memref_slice %arg13[%dma_start3A_270, %dma_start3A_271] : memref<5120x128xf32, #tpu.memory_space<vmem_shared>> -> memref<5120x128xf32, #tpu.memory_space<vmem_shared>>
        tpu.enqueue_indirect_dma source(%dma_start3A_272 : memref<5120x128xf32, #tpu.memory_space<vmem_shared>>) target(%arg12 : memref<32x128xf32, #tpu.memory_space<vmem>>) offsets(%arg8 : memref<32xi32, #tpu.memory_space<vmem>>) semaphore(%arg18 : memref<!tpu.dma_semaphore, #tpu.memory_space<semaphore_mem>>)
      } else {
      }
      %dma_wait3A_184 = arith.constant 0 : i32
      %dma_wait3A_185 = arith.constant 0 : i32
      %dma_wait3A_186 = tpu.memref_slice %arg13[%dma_wait3A_184, %dma_wait3A_185] : memref<5120x128xf32, #tpu.memory_space<vmem_shared>> -> memref<5120x128xf32, #tpu.memory_space<vmem_shared>>
      tpu.wait_indirect_dma semaphore(%arg17 : memref<!tpu.dma_semaphore, #tpu.memory_space<semaphore_mem>>) src(%dma_wait3A_186 : memref<5120x128xf32, #tpu.memory_space<vmem_shared>>) dst(%arg11 : memref<32x128xf32, #tpu.memory_space<vmem>>)
      %dma_start3A_187 = arith.constant 0 : i32
      %dma_start3A_188 = arith.constant 0 : i32
      %dma_start3A_189 = tpu.memref_slice %arg14[%dma_start3A_187, %dma_start3A_188] : memref<10112x128xf32, #tpu.memory_space<vmem_shared>> -> memref<10112x128xf32, #tpu.memory_space<vmem_shared>>
      tpu.enqueue_indirect_dma source(%arg11 : memref<32x128xf32, #tpu.memory_space<vmem>>) target(%dma_start3A_189 : memref<10112x128xf32, #tpu.memory_space<vmem_shared>>) offsets(%arg9 : memref<32xi32, #tpu.memory_space<vmem>>) semaphore(%arg19 : memref<!tpu.dma_semaphore, #tpu.memory_space<semaphore_mem>>) {add = true}
      %add3A_190 = arith.constant 2 : i32
      %add3A_191 = arith.addi %mul3A_179, %add3A_190 : i32
      %lt3A_192 = arith.constant 344 : i32
      %lt3A_193 = arith.cmpi slt, %add3A_191, %lt3A_192 : i32
      %convert_element_type3A_194 = arith.extui %lt3A_193 : i1 to i32
      %cond3A_195 = arith.constant 0 : i32
      %cond3A_196 = arith.cmpi ne, %convert_element_type3A_194, %cond3A_195 : i32
      scf.if %cond3A_196 {
        %add3A_221 = arith.constant 2 : i32
        %add3A_222 = arith.addi %mul3A_179, %add3A_221 : i32
        %mul3A_223 = arith.constant 176128 : i32
        %mul3A_224 = arith.muli %arg0, %mul3A_223 : i32
        %mul3A_225 = arith.constant 11008 : i32
        %mul3A_226 = arith.muli %arg1, %mul3A_225 : i32
        %add3A_227 = arith.addi %mul3A_224, %mul3A_226 : i32
        %mul3A_228 = arith.constant 32 : i32
        %mul3A_229 = arith.muli %add3A_222, %mul3A_228 : i32
        %add3A_230 = arith.addi %add3A_227, %mul3A_229 : i32
        %multiple_of3A_231 = tpu.assume_multiple %add3A_230, 8 : i32
        %dma_start3A_232 = tpu.memref_slice %arg3[%multiple_of3A_231] : memref<352256xi32, #tpu.memory_space<hbm>> -> memref<32xi32, #tpu.memory_space<hbm>>
        %dma_start3A_233 = tpu.memref_slice %arg3[%multiple_of3A_231] : memref<352256xi32, #tpu.memory_space<hbm>> -> memref<32xi32, #tpu.memory_space<hbm>>
        tpu.enqueue_dma source(%dma_start3A_233 : memref<32xi32, #tpu.memory_space<hbm>>) target(%arg5 : memref<32xi32, #tpu.memory_space<vmem>>) target_semaphore(%arg15 : memref<!tpu.dma_semaphore, #tpu.memory_space<semaphore_mem>>)
      } else {
      }
      %mul3A_197 = arith.constant 2 : i32
      %mul3A_198 = arith.muli %mul3A_197, %scan3A_177 : i32
      %add3A_199 = arith.constant 1 : i32
      %add3A_200 = arith.addi %mul3A_198, %add3A_199 : i32
      %add3A_201 = arith.constant 1 : i32
      %add3A_202 = arith.addi %add3A_200, %add3A_201 : i32
      %lt3A_203 = arith.constant 344 : i32
      %lt3A_204 = arith.cmpi slt, %add3A_202, %lt3A_203 : i32
      %convert_element_type3A_205 = arith.extui %lt3A_204 : i1 to i32
      %cond3A_206 = arith.constant 0 : i32
      %cond3A_207 = arith.cmpi ne, %convert_element_type3A_205, %cond3A_206 : i32
      scf.if %cond3A_207 {
        %mul3A_221 = arith.constant 176128 : i32
        %mul3A_222 = arith.muli %arg0, %mul3A_221 : i32
        %mul3A_223 = arith.constant 11008 : i32
        %mul3A_224 = arith.muli %arg1, %mul3A_223 : i32
        %add3A_225 = arith.addi %mul3A_222, %mul3A_224 : i32
        %mul3A_226 = arith.constant 32 : i32
        %mul3A_227 = arith.muli %add3A_200, %mul3A_226 : i32
        %add3A_228 = arith.addi %add3A_225, %mul3A_227 : i32
        %multiple_of3A_229 = tpu.assume_multiple %add3A_228, 8 : i32
        %dma_wait3A_230 = tpu.memref_slice %arg3[%multiple_of3A_229] : memref<352256xi32, #tpu.memory_space<hbm>> -> memref<32xi32, #tpu.memory_space<hbm>>
        %dma_wait3A_231 = tpu.memref_slice %arg3[%multiple_of3A_229] : memref<352256xi32, #tpu.memory_space<hbm>> -> memref<32xi32, #tpu.memory_space<hbm>>
        tpu.wait_dma2 semaphore(%arg15 : memref<!tpu.dma_semaphore, #tpu.memory_space<semaphore_mem>>) src(%dma_wait3A_231 : memref<32xi32, #tpu.memory_space<hbm>>) dst(%arg5 : memref<32xi32, #tpu.memory_space<vmem>>)
        %ge3A = arith.constant 1 : i32
        %ge3A_232 = arith.cmpi sge, %add3A_200, %ge3A : i32
        %convert_element_type3A_233 = arith.extui %ge3A_232 : i1 to i32
        %cond3A_234 = arith.constant 0 : i32
        %cond3A_235 = arith.cmpi ne, %convert_element_type3A_233, %cond3A_234 : i32
        scf.if %cond3A_235 {
          %dma_wait3A_273 = arith.constant 0 : i32
          %dma_wait3A_274 = arith.constant 0 : i32
          %dma_wait3A_275 = tpu.memref_slice %arg14[%dma_wait3A_273, %dma_wait3A_274] : memref<10112x128xf32, #tpu.memory_space<vmem_shared>> -> memref<10112x128xf32, #tpu.memory_space<vmem_shared>>
          tpu.wait_indirect_dma semaphore(%arg19 : memref<!tpu.dma_semaphore, #tpu.memory_space<semaphore_mem>>) src(%arg11 : memref<32x128xf32, #tpu.memory_space<vmem>>) dst(%dma_wait3A_275 : memref<10112x128xf32, #tpu.memory_space<vmem_shared>>)
        } else {
        }
        %get3A_236 = arith.constant 0 : index
        %get3A_237 = tpu.vector_load %arg5[%get3A_236] {strides = array<i32>} : memref<32xi32, #tpu.memory_space<vmem>>, vector<16xi32>,
        %get3A_238 = vector.shape_cast %get3A_237 : vector<16xi32> to vector<16xi32>
        %and3A_239 = arith.constant 8191 : i32
        %and3A_240 = vector.broadcast %and3A_239 : i32 to vector<16xi32>
        %and3A_241 = arith.andi %get3A_238, %and3A_240 : vector<16xi32>
        %swap3A_242 = arith.constant 0 : index
        %swap3A_243 = tpu.vector_load %arg7[%swap3A_242] {strides = array<i32>} : memref<32xi32, #tpu.memory_space<vmem>>, vector<16xi32>,
        %swap3A_244 = vector.shape_cast %swap3A_243 : vector<16xi32> to vector<16xi32>
        %swap3A_245 = vector.shape_cast %and3A_241 : vector<16xi32> to vector<16xi32>
        tpu.vector_store %arg7[%swap3A_242], %swap3A_245 {strides = array<i32>} : memref<32xi32, #tpu.memory_space<vmem>>, vector<16xi32>,
        %shift_right_logical3A_246 = arith.constant 13 : i32
        %shift_right_logical3A_247 = vector.broadcast %shift_right_logical3A_246 : i32 to vector<16xi32>
        %shift_right_logical3A_248 = arith.shrui %get3A_238, %shift_right_logical3A_247 : vector<16xi32>
        %swap3A_249 = arith.constant 0 : index
        %swap3A_250 = tpu.vector_load %arg9[%swap3A_249] {strides = array<i32>} : memref<32xi32, #tpu.memory_space<vmem>>, vector<16xi32>,
        %swap3A_251 = vector.shape_cast %swap3A_250 : vector<16xi32> to vector<16xi32>
        %swap3A_252 = vector.shape_cast %shift_right_logical3A_248 : vector<16xi32> to vector<16xi32>
        tpu.vector_store %arg9[%swap3A_249], %swap3A_252 {strides = array<i32>} : memref<32xi32, #tpu.memory_space<vmem>>, vector<16xi32>,
        %get3A_253 = arith.constant 16 : index
        %get3A_254 = tpu.vector_load %arg5[%get3A_253] {strides = array<i32>} : memref<32xi32, #tpu.memory_space<vmem>>, vector<16xi32>,
        %get3A_255 = vector.shape_cast %get3A_254 : vector<16xi32> to vector<16xi32>
        %and3A_256 = arith.constant 8191 : i32
        %and3A_257 = vector.broadcast %and3A_256 : i32 to vector<16xi32>
        %and3A_258 = arith.andi %get3A_255, %and3A_257 : vector<16xi32>
        %swap3A_259 = arith.constant 16 : index
        %swap3A_260 = tpu.vector_load %arg7[%swap3A_259] {strides = array<i32>} : memref<32xi32, #tpu.memory_space<vmem>>, vector<16xi32>,
        %swap3A_261 = vector.shape_cast %swap3A_260 : vector<16xi32> to vector<16xi32>
        %swap3A_262 = vector.shape_cast %and3A_258 : vector<16xi32> to vector<16xi32>
        tpu.vector_store %arg7[%swap3A_259], %swap3A_262 {strides = array<i32>} : memref<32xi32, #tpu.memory_space<vmem>>, vector<16xi32>,
        %shift_right_logical3A_263 = arith.constant 13 : i32
        %shift_right_logical3A_264 = vector.broadcast %shift_right_logical3A_263 : i32 to vector<16xi32>
        %shift_right_logical3A_265 = arith.shrui %get3A_255, %shift_right_logical3A_264 : vector<16xi32>
        %swap3A_266 = arith.constant 16 : index
        %swap3A_267 = tpu.vector_load %arg9[%swap3A_266] {strides = array<i32>} : memref<32xi32, #tpu.memory_space<vmem>>, vector<16xi32>,
        %swap3A_268 = vector.shape_cast %swap3A_267 : vector<16xi32> to vector<16xi32>
        %swap3A_269 = vector.shape_cast %shift_right_logical3A_265 : vector<16xi32> to vector<16xi32>
        tpu.vector_store %arg9[%swap3A_266], %swap3A_269 {strides = array<i32>} : memref<32xi32, #tpu.memory_space<vmem>>, vector<16xi32>,
        %dma_start3A_270 = arith.constant 0 : i32
        %dma_start3A_271 = arith.constant 0 : i32
        %dma_start3A_272 = tpu.memref_slice %arg13[%dma_start3A_270, %dma_start3A_271] : memref<5120x128xf32, #tpu.memory_space<vmem_shared>> -> memref<5120x128xf32, #tpu.memory_space<vmem_shared>>
        tpu.enqueue_indirect_dma source(%dma_start3A_272 : memref<5120x128xf32, #tpu.memory_space<vmem_shared>>) target(%arg11 : memref<32x128xf32, #tpu.memory_space<vmem>>) offsets(%arg7 : memref<32xi32, #tpu.memory_space<vmem>>) semaphore(%arg17 : memref<!tpu.dma_semaphore, #tpu.memory_space<semaphore_mem>>)
      } else {
      }
      %dma_wait3A_208 = arith.constant 0 : i32
      %dma_wait3A_209 = arith.constant 0 : i32
      %dma_wait3A_210 = tpu.memref_slice %arg13[%dma_wait3A_208, %dma_wait3A_209] : memref<5120x128xf32, #tpu.memory_space<vmem_shared>> -> memref<5120x128xf32, #tpu.memory_space<vmem_shared>>
      tpu.wait_indirect_dma semaphore(%arg18 : memref<!tpu.dma_semaphore, #tpu.memory_space<semaphore_mem>>) src(%dma_wait3A_210 : memref<5120x128xf32, #tpu.memory_space<vmem_shared>>) dst(%arg12 : memref<32x128xf32, #tpu.memory_space<vmem>>)
      %dma_start3A_211 = arith.constant 0 : i32
      %dma_start3A_212 = arith.constant 0 : i32
      %dma_start3A_213 = tpu.memref_slice %arg14[%dma_start3A_211, %dma_start3A_212] : memref<10112x128xf32, #tpu.memory_space<vmem_shared>> -> memref<10112x128xf32, #tpu.memory_space<vmem_shared>>
      tpu.enqueue_indirect_dma source(%arg12 : memref<32x128xf32, #tpu.memory_space<vmem>>) target(%dma_start3A_213 : memref<10112x128xf32, #tpu.memory_space<vmem_shared>>) offsets(%arg10 : memref<32xi32, #tpu.memory_space<vmem>>) semaphore(%arg20 : memref<!tpu.dma_semaphore, #tpu.memory_space<semaphore_mem>>) {add = true}
      %add3A_214 = arith.constant 2 : i32
      %add3A_215 = arith.addi %add3A_200, %add3A_214 : i32
      %lt3A_216 = arith.constant 344 : i32
      %lt3A_217 = arith.cmpi slt, %add3A_215, %lt3A_216 : i32
      %convert_element_type3A_218 = arith.extui %lt3A_217 : i1 to i32
      %cond3A_219 = arith.constant 0 : i32
      %cond3A_220 = arith.cmpi ne, %convert_element_type3A_218, %cond3A_219 : i32
      scf.if %cond3A_220 {
        %add3A_221 = arith.constant 2 : i32
        %add3A_222 = arith.addi %add3A_200, %add3A_221 : i32
        %mul3A_223 = arith.constant 176128 : i32
        %mul3A_224 = arith.muli %arg0, %mul3A_223 : i32
        %mul3A_225 = arith.constant 11008 : i32
        %mul3A_226 = arith.muli %arg1, %mul3A_225 : i32
        %add3A_227 = arith.addi %mul3A_224, %mul3A_226 : i32
        %mul3A_228 = arith.constant 32 : i32
        %mul3A_229 = arith.muli %add3A_222, %mul3A_228 : i32
        %add3A_230 = arith.addi %add3A_227, %mul3A_229 : i32
        %multiple_of3A_231 = tpu.assume_multiple %add3A_230, 8 : i32
        %dma_start3A_232 = tpu.memref_slice %arg3[%multiple_of3A_231] : memref<352256xi32, #tpu.memory_space<hbm>> -> memref<32xi32, #tpu.memory_space<hbm>>
        %dma_start3A_233 = tpu.memref_slice %arg3[%multiple_of3A_231] : memref<352256xi32, #tpu.memory_space<hbm>> -> memref<32xi32, #tpu.memory_space<hbm>>
        tpu.enqueue_dma source(%dma_start3A_233 : memref<32xi32, #tpu.memory_space<hbm>>) target(%arg6 : memref<32xi32, #tpu.memory_space<vmem>>) target_semaphore(%arg16 : memref<!tpu.dma_semaphore, #tpu.memory_space<semaphore_mem>>)
      } else {
      }
    }
    %scan3A_164 = arith.constant 172 : i32
    %dma_wait3A = arith.constant 0 : i32
    %dma_wait3A_165 = arith.constant 0 : i32
    %dma_wait3A_166 = tpu.memref_slice %arg14[%dma_wait3A, %dma_wait3A_165] : memref<10112x128xf32, #tpu.memory_space<vmem_shared>> -> memref<10112x128xf32, #tpu.memory_space<vmem_shared>>
    tpu.wait_indirect_dma semaphore(%arg19 : memref<!tpu.dma_semaphore, #tpu.memory_space<semaphore_mem>>) src(%arg11 : memref<32x128xf32, #tpu.memory_space<vmem>>) dst(%dma_wait3A_166 : memref<10112x128xf32, #tpu.memory_space<vmem_shared>>)
    %dma_wait3A_167 = arith.constant 0 : i32
    %dma_wait3A_168 = arith.constant 0 : i32
    %dma_wait3A_169 = tpu.memref_slice %arg14[%dma_wait3A_167, %dma_wait3A_168] : memref<10112x128xf32, #tpu.memory_space<vmem_shared>> -> memref<10112x128xf32, #tpu.memory_space<vmem_shared>>
    tpu.wait_indirect_dma semaphore(%arg20 : memref<!tpu.dma_semaphore, #tpu.memory_space<semaphore_mem>>) src(%arg12 : memref<32x128xf32, #tpu.memory_space<vmem>>) dst(%dma_wait3A_169 : memref<10112x128xf32, #tpu.memory_space<vmem_shared>>)
    %barrier3A_170 = arith.constant 0 : index
    tpu.barrier barrier_id(%barrier3A_170)
    %mul3A_171 = arith.constant 632 : i32
    %mul3A_172 = arith.muli %arg1, %mul3A_171 : i32
    %multiple_of3A_173 = tpu.assume_multiple %mul3A_172, 8 : i32
    %mul3A_174 = arith.constant 632 : i32
    %mul3A_175 = arith.muli %arg1, %mul3A_174 : i32
    %multiple_of3A_176 = tpu.assume_multiple %mul3A_175, 8 : i32
    "tpu.region"() ({
      %run_scoped3A = tpu.sem_alloc : memref<!tpu.dma_semaphore, #tpu.memory_space<semaphore_mem>>
      %dma_start3A_177 = arith.constant 0 : i32
      %dma_start3A_178 = tpu.memref_slice %arg4[%arg0, %multiple_of3A_176, %dma_start3A_177] : memref<2x10112x128xf32, #tpu.memory_space<hbm>> -> memref<1x632x128xf32, #tpu.memory_space<hbm>>
      %dma_start3A_179 = tpu.memref_squeeze %dma_start3A_178 : memref<1x632x128xf32, #tpu.memory_space<hbm>> -> memref<632x128xf32, #tpu.memory_space<hbm>>
      %dma_start3A_180 = arith.constant 0 : i32
      %dma_start3A_181 = tpu.memref_slice %arg14[%multiple_of3A_173, %dma_start3A_180] : memref<10112x128xf32, #tpu.memory_space<vmem_shared>> -> memref<632x128xf32, #tpu.memory_space<vmem_shared>>
      tpu.enqueue_dma source(%dma_start3A_181 : memref<632x128xf32, #tpu.memory_space<vmem_shared>>) target(%dma_start3A_179 : memref<632x128xf32, #tpu.memory_space<hbm>>) target_semaphore(%run_scoped3A : memref<!tpu.dma_semaphore, #tpu.memory_space<semaphore_mem>>)
      %dma_wait3A_182 = arith.constant 0 : i32
      %dma_wait3A_183 = tpu.memref_slice %arg4[%arg0, %multiple_of3A_176, %dma_wait3A_182] : memref<2x10112x128xf32, #tpu.memory_space<hbm>> -> memref<1x632x128xf32, #tpu.memory_space<hbm>>
      %dma_wait3A_184 = tpu.memref_squeeze %dma_wait3A_183 : memref<1x632x128xf32, #tpu.memory_space<hbm>> -> memref<632x128xf32, #tpu.memory_space<hbm>>
      %dma_wait3A_185 = arith.constant 0 : i32
      %dma_wait3A_186 = tpu.memref_slice %arg14[%multiple_of3A_173, %dma_wait3A_185] : memref<10112x128xf32, #tpu.memory_space<vmem_shared>> -> memref<632x128xf32, #tpu.memory_space<vmem_shared>>
      tpu.wait_dma2 semaphore(%run_scoped3A : memref<!tpu.dma_semaphore, #tpu.memory_space<semaphore_mem>>) src(%dma_wait3A_186 : memref<632x128xf32, #tpu.memory_space<vmem_shared>>) dst(%dma_wait3A_184 : memref<632x128xf32, #tpu.memory_space<hbm>>)
      tpu.yield
    }) : () -> ()
    return
  }
}

#map = affine_map<(d0, d1) -> (0, 0, 0)>
#map1 = affine_map<(d0, d1) -> (0, 0)>
#map2 = affine_map<(d0, d1) -> (0)>
module attributes {stable_mosaic.version = 14 : i64} {
  func.func @_deg_body(%arg0: i32, %arg1: i32, %arg2: memref<32x86x128xi32, #tpu.memory_space<hbm>>, %arg3: memref<16x172x128xi32, #tpu.memory_space<hbm>>, %arg4: memref<16x172x128xi32, #tpu.memory_space<hbm>>, %arg5: memref<2x10240xf32, #tpu.memory_space<hbm>>, %arg6: memref<352256xi32, #tpu.memory_space<hbm>>, %arg7: memref<86x128xi32, #tpu.memory_space<vmem>>, %arg8: memref<172x128xi32, #tpu.memory_space<vmem>>, %arg9: memref<172x128xi32, #tpu.memory_space<vmem>>, %arg10: memref<128xf32, #tpu.memory_space<vmem>>, %arg11: memref<320xf32, #tpu.memory_space<vmem>>, %arg12: memref<10240xf32, #tpu.memory_space<vmem_shared>>, %arg13: memref<176144xi32, #tpu.memory_space<vmem_shared>>) attributes {dimension_semantics = [#tpu.dimension_semantics<core_parallel>, #tpu.dimension_semantics<subcore_parallel>], iteration_bounds = array<i64: 2, 16>, scalar_prefetch = 0 : i64, scratch_operands = 7 : i64, tpu.core_type = #tpu.core_type<sc_vector_subcore>, window_params = [{transform_indices = #map}, {transform_indices = #map}, {transform_indices = #map}, {transform_indices = #map1}, {transform_indices = #map2}]} {
    %mul3A = arith.constant 16 : i32
    %mul3A_0 = arith.muli %arg0, %mul3A : i32
    %add3A = arith.addi %mul3A_0, %arg1 : i32
    "tpu.region"() ({
      %run_scoped3A = tpu.sem_alloc : memref<!tpu.dma_semaphore, #tpu.memory_space<semaphore_mem>>
      %dma_start3A = arith.constant 0 : i32
      %dma_start3A_79 = arith.constant 0 : i32
      %dma_start3A_80 = tpu.memref_slice %arg2[%add3A, %dma_start3A, %dma_start3A_79] : memref<32x86x128xi32, #tpu.memory_space<hbm>> -> memref<1x86x128xi32, #tpu.memory_space<hbm>>
      %dma_start3A_81 = tpu.memref_squeeze %dma_start3A_80 : memref<1x86x128xi32, #tpu.memory_space<hbm>> -> memref<86x128xi32, #tpu.memory_space<hbm>>
      %dma_start3A_82 = arith.constant 0 : i32
      %dma_start3A_83 = arith.constant 0 : i32
      %dma_start3A_84 = tpu.memref_slice %arg2[%add3A, %dma_start3A_82, %dma_start3A_83] : memref<32x86x128xi32, #tpu.memory_space<hbm>> -> memref<1x86x128xi32, #tpu.memory_space<hbm>>
      %dma_start3A_85 = tpu.memref_squeeze %dma_start3A_84 : memref<1x86x128xi32, #tpu.memory_space<hbm>> -> memref<86x128xi32, #tpu.memory_space<hbm>>
      tpu.enqueue_dma source(%dma_start3A_85 : memref<86x128xi32, #tpu.memory_space<hbm>>) target(%arg7 : memref<86x128xi32, #tpu.memory_space<vmem>>) target_semaphore(%run_scoped3A : memref<!tpu.dma_semaphore, #tpu.memory_space<semaphore_mem>>)
      %dma_wait3A = arith.constant 0 : i32
      %dma_wait3A_86 = arith.constant 0 : i32
      %dma_wait3A_87 = tpu.memref_slice %arg2[%add3A, %dma_wait3A, %dma_wait3A_86] : memref<32x86x128xi32, #tpu.memory_space<hbm>> -> memref<1x86x128xi32, #tpu.memory_space<hbm>>
      %dma_wait3A_88 = tpu.memref_squeeze %dma_wait3A_87 : memref<1x86x128xi32, #tpu.memory_space<hbm>> -> memref<86x128xi32, #tpu.memory_space<hbm>>
      %dma_wait3A_89 = arith.constant 0 : i32
      %dma_wait3A_90 = arith.constant 0 : i32
      %dma_wait3A_91 = tpu.memref_slice %arg2[%add3A, %dma_wait3A_89, %dma_wait3A_90] : memref<32x86x128xi32, #tpu.memory_space<hbm>> -> memref<1x86x128xi32, #tpu.memory_space<hbm>>
      %dma_wait3A_92 = tpu.memref_squeeze %dma_wait3A_91 : memref<1x86x128xi32, #tpu.memory_space<hbm>> -> memref<86x128xi32, #tpu.memory_space<hbm>>
      tpu.wait_dma2 semaphore(%run_scoped3A : memref<!tpu.dma_semaphore, #tpu.memory_space<semaphore_mem>>) src(%dma_wait3A_92 : memref<86x128xi32, #tpu.memory_space<hbm>>) dst(%arg7 : memref<86x128xi32, #tpu.memory_space<vmem>>)
      tpu.yield
    }) : () -> ()
    "tpu.region"() ({
      %run_scoped3A = tpu.sem_alloc : memref<!tpu.dma_semaphore, #tpu.memory_space<semaphore_mem>>
      %dma_start3A = arith.constant 0 : i32
      %dma_start3A_79 = arith.constant 0 : i32
      %dma_start3A_80 = tpu.memref_slice %arg3[%arg1, %dma_start3A, %dma_start3A_79] : memref<16x172x128xi32, #tpu.memory_space<hbm>> -> memref<1x172x128xi32, #tpu.memory_space<hbm>>
      %dma_start3A_81 = tpu.memref_squeeze %dma_start3A_80 : memref<1x172x128xi32, #tpu.memory_space<hbm>> -> memref<172x128xi32, #tpu.memory_space<hbm>>
      %dma_start3A_82 = arith.constant 0 : i32
      %dma_start3A_83 = arith.constant 0 : i32
      %dma_start3A_84 = tpu.memref_slice %arg3[%arg1, %dma_start3A_82, %dma_start3A_83] : memref<16x172x128xi32, #tpu.memory_space<hbm>> -> memref<1x172x128xi32, #tpu.memory_space<hbm>>
      %dma_start3A_85 = tpu.memref_squeeze %dma_start3A_84 : memref<1x172x128xi32, #tpu.memory_space<hbm>> -> memref<172x128xi32, #tpu.memory_space<hbm>>
      tpu.enqueue_dma source(%dma_start3A_85 : memref<172x128xi32, #tpu.memory_space<hbm>>) target(%arg8 : memref<172x128xi32, #tpu.memory_space<vmem>>) target_semaphore(%run_scoped3A : memref<!tpu.dma_semaphore, #tpu.memory_space<semaphore_mem>>)
      %dma_wait3A = arith.constant 0 : i32
      %dma_wait3A_86 = arith.constant 0 : i32
      %dma_wait3A_87 = tpu.memref_slice %arg3[%arg1, %dma_wait3A, %dma_wait3A_86] : memref<16x172x128xi32, #tpu.memory_space<hbm>> -> memref<1x172x128xi32, #tpu.memory_space<hbm>>
      %dma_wait3A_88 = tpu.memref_squeeze %dma_wait3A_87 : memref<1x172x128xi32, #tpu.memory_space<hbm>> -> memref<172x128xi32, #tpu.memory_space<hbm>>
      %dma_wait3A_89 = arith.constant 0 : i32
      %dma_wait3A_90 = arith.constant 0 : i32
      %dma_wait3A_91 = tpu.memref_slice %arg3[%arg1, %dma_wait3A_89, %dma_wait3A_90] : memref<16x172x128xi32, #tpu.memory_space<hbm>> -> memref<1x172x128xi32, #tpu.memory_space<hbm>>
      %dma_wait3A_92 = tpu.memref_squeeze %dma_wait3A_91 : memref<1x172x128xi32, #tpu.memory_space<hbm>> -> memref<172x128xi32, #tpu.memory_space<hbm>>
      tpu.wait_dma2 semaphore(%run_scoped3A : memref<!tpu.dma_semaphore, #tpu.memory_space<semaphore_mem>>) src(%dma_wait3A_92 : memref<172x128xi32, #tpu.memory_space<hbm>>) dst(%arg8 : memref<172x128xi32, #tpu.memory_space<vmem>>)
      tpu.yield
    }) : () -> ()
    "tpu.region"() ({
      %run_scoped3A = tpu.sem_alloc : memref<!tpu.dma_semaphore, #tpu.memory_space<semaphore_mem>>
      %dma_start3A = arith.constant 0 : i32
      %dma_start3A_79 = arith.constant 0 : i32
      %dma_start3A_80 = tpu.memref_slice %arg4[%arg1, %dma_start3A, %dma_start3A_79] : memref<16x172x128xi32, #tpu.memory_space<hbm>> -> memref<1x172x128xi32, #tpu.memory_space<hbm>>
      %dma_start3A_81 = tpu.memref_squeeze %dma_start3A_80 : memref<1x172x128xi32, #tpu.memory_space<hbm>> -> memref<172x128xi32, #tpu.memory_space<hbm>>
      %dma_start3A_82 = arith.constant 0 : i32
      %dma_start3A_83 = arith.constant 0 : i32
      %dma_start3A_84 = tpu.memref_slice %arg4[%arg1, %dma_start3A_82, %dma_start3A_83] : memref<16x172x128xi32, #tpu.memory_space<hbm>> -> memref<1x172x128xi32, #tpu.memory_space<hbm>>
      %dma_start3A_85 = tpu.memref_squeeze %dma_start3A_84 : memref<1x172x128xi32, #tpu.memory_space<hbm>> -> memref<172x128xi32, #tpu.memory_space<hbm>>
      tpu.enqueue_dma source(%dma_start3A_85 : memref<172x128xi32, #tpu.memory_space<hbm>>) target(%arg9 : memref<172x128xi32, #tpu.memory_space<vmem>>) target_semaphore(%run_scoped3A : memref<!tpu.dma_semaphore, #tpu.memory_space<semaphore_mem>>)
      %dma_wait3A = arith.constant 0 : i32
      %dma_wait3A_86 = arith.constant 0 : i32
      %dma_wait3A_87 = tpu.memref_slice %arg4[%arg1, %dma_wait3A, %dma_wait3A_86] : memref<16x172x128xi32, #tpu.memory_space<hbm>> -> memref<1x172x128xi32, #tpu.memory_space<hbm>>
      %dma_wait3A_88 = tpu.memref_squeeze %dma_wait3A_87 : memref<1x172x128xi32, #tpu.memory_space<hbm>> -> memref<172x128xi32, #tpu.memory_space<hbm>>
      %dma_wait3A_89 = arith.constant 0 : i32
      %dma_wait3A_90 = arith.constant 0 : i32
      %dma_wait3A_91 = tpu.memref_slice %arg4[%arg1, %dma_wait3A_89, %dma_wait3A_90] : memref<16x172x128xi32, #tpu.memory_space<hbm>> -> memref<1x172x128xi32, #tpu.memory_space<hbm>>
      %dma_wait3A_92 = tpu.memref_squeeze %dma_wait3A_91 : memref<1x172x128xi32, #tpu.memory_space<hbm>> -> memref<172x128xi32, #tpu.memory_space<hbm>>
      tpu.wait_dma2 semaphore(%run_scoped3A : memref<!tpu.dma_semaphore, #tpu.memory_space<semaphore_mem>>) src(%dma_wait3A_92 : memref<172x128xi32, #tpu.memory_space<hbm>>) dst(%arg9 : memref<172x128xi32, #tpu.memory_space<vmem>>)
      tpu.yield
    }) : () -> ()
    %broadcast_in_dim3A = arith.constant 1.000000e+00 : f32
    %broadcast_in_dim3A_1 = vector.broadcast %broadcast_in_dim3A : f32 to vector<16xf32>
    %swap3A = arith.constant 0 : index
    %swap3A_2 = tpu.vector_load %arg10[%swap3A] {strides = array<i32>} : memref<128xf32, #tpu.memory_space<vmem>>, vector<16xf32>,
    %swap3A_3 = vector.shape_cast %swap3A_2 : vector<16xf32> to vector<16xf32>
    %swap3A_4 = vector.shape_cast %broadcast_in_dim3A_1 : vector<16xf32> to vector<16xf32>
    tpu.vector_store %arg10[%swap3A], %swap3A_4 {strides = array<i32>} : memref<128xf32, #tpu.memory_space<vmem>>, vector<16xf32>,
    %broadcast_in_dim3A_5 = arith.constant 1.000000e+00 : f32
    %broadcast_in_dim3A_6 = vector.broadcast %broadcast_in_dim3A_5 : f32 to vector<16xf32>
    %swap3A_7 = arith.constant 16 : index
    %swap3A_8 = tpu.vector_load %arg10[%swap3A_7] {strides = array<i32>} : memref<128xf32, #tpu.memory_space<vmem>>, vector<16xf32>,
    %swap3A_9 = vector.shape_cast %swap3A_8 : vector<16xf32> to vector<16xf32>
    %swap3A_10 = vector.shape_cast %broadcast_in_dim3A_6 : vector<16xf32> to vector<16xf32>
    tpu.vector_store %arg10[%swap3A_7], %swap3A_10 {strides = array<i32>} : memref<128xf32, #tpu.memory_space<vmem>>, vector<16xf32>,
    %broadcast_in_dim3A_11 = arith.constant 1.000000e+00 : f32
    %broadcast_in_dim3A_12 = vector.broadcast %broadcast_in_dim3A_11 : f32 to vector<16xf32>
    %swap3A_13 = arith.constant 32 : index
    %swap3A_14 = tpu.vector_load %arg10[%swap3A_13] {strides = array<i32>} : memref<128xf32, #tpu.memory_space<vmem>>, vector<16xf32>,
    %swap3A_15 = vector.shape_cast %swap3A_14 : vector<16xf32> to vector<16xf32>
    %swap3A_16 = vector.shape_cast %broadcast_in_dim3A_12 : vector<16xf32> to vector<16xf32>
    tpu.vector_store %arg10[%swap3A_13], %swap3A_16 {strides = array<i32>} : memref<128xf32, #tpu.memory_space<vmem>>, vector<16xf32>,
    %broadcast_in_dim3A_17 = arith.constant 1.000000e+00 : f32
    %broadcast_in_dim3A_18 = vector.broadcast %broadcast_in_dim3A_17 : f32 to vector<16xf32>
    %swap3A_19 = arith.constant 48 : index
    %swap3A_20 = tpu.vector_load %arg10[%swap3A_19] {strides = array<i32>} : memref<128xf32, #tpu.memory_space<vmem>>, vector<16xf32>,
    %swap3A_21 = vector.shape_cast %swap3A_20 : vector<16xf32> to vector<16xf32>
    %swap3A_22 = vector.shape_cast %broadcast_in_dim3A_18 : vector<16xf32> to vector<16xf32>
    tpu.vector_store %arg10[%swap3A_19], %swap3A_22 {strides = array<i32>} : memref<128xf32, #tpu.memory_space<vmem>>, vector<16xf32>,
    %broadcast_in_dim3A_23 = arith.constant 1.000000e+00 : f32
    %broadcast_in_dim3A_24 = vector.broadcast %broadcast_in_dim3A_23 : f32 to vector<16xf32>
    %swap3A_25 = arith.constant 64 : index
    %swap3A_26 = tpu.vector_load %arg10[%swap3A_25] {strides = array<i32>} : memref<128xf32, #tpu.memory_space<vmem>>, vector<16xf32>,
    %swap3A_27 = vector.shape_cast %swap3A_26 : vector<16xf32> to vector<16xf32>
    %swap3A_28 = vector.shape_cast %broadcast_in_dim3A_24 : vector<16xf32> to vector<16xf32>
    tpu.vector_store %arg10[%swap3A_25], %swap3A_28 {strides = array<i32>} : memref<128xf32, #tpu.memory_space<vmem>>, vector<16xf32>,
    %broadcast_in_dim3A_29 = arith.constant 1.000000e+00 : f32
    %broadcast_in_dim3A_30 = vector.broadcast %broadcast_in_dim3A_29 : f32 to vector<16xf32>
    %swap3A_31 = arith.constant 80 : index
    %swap3A_32 = tpu.vector_load %arg10[%swap3A_31] {strides = array<i32>} : memref<128xf32, #tpu.memory_space<vmem>>, vector<16xf32>,
    %swap3A_33 = vector.shape_cast %swap3A_32 : vector<16xf32> to vector<16xf32>
    %swap3A_34 = vector.shape_cast %broadcast_in_dim3A_30 : vector<16xf32> to vector<16xf32>
    tpu.vector_store %arg10[%swap3A_31], %swap3A_34 {strides = array<i32>} : memref<128xf32, #tpu.memory_space<vmem>>, vector<16xf32>,
    %broadcast_in_dim3A_35 = arith.constant 1.000000e+00 : f32
    %broadcast_in_dim3A_36 = vector.broadcast %broadcast_in_dim3A_35 : f32 to vector<16xf32>
    %swap3A_37 = arith.constant 96 : index
    %swap3A_38 = tpu.vector_load %arg10[%swap3A_37] {strides = array<i32>} : memref<128xf32, #tpu.memory_space<vmem>>, vector<16xf32>,
    %swap3A_39 = vector.shape_cast %swap3A_38 : vector<16xf32> to vector<16xf32>
    %swap3A_40 = vector.shape_cast %broadcast_in_dim3A_36 : vector<16xf32> to vector<16xf32>
    tpu.vector_store %arg10[%swap3A_37], %swap3A_40 {strides = array<i32>} : memref<128xf32, #tpu.memory_space<vmem>>, vector<16xf32>,
    %broadcast_in_dim3A_41 = arith.constant 1.000000e+00 : f32
    %broadcast_in_dim3A_42 = vector.broadcast %broadcast_in_dim3A_41 : f32 to vector<16xf32>
    %swap3A_43 = arith.constant 112 : index
    %swap3A_44 = tpu.vector_load %arg10[%swap3A_43] {strides = array<i32>} : memref<128xf32, #tpu.memory_space<vmem>>, vector<16xf32>,
    %swap3A_45 = vector.shape_cast %swap3A_44 : vector<16xf32> to vector<16xf32>
    %swap3A_46 = vector.shape_cast %broadcast_in_dim3A_42 : vector<16xf32> to vector<16xf32>
    tpu.vector_store %arg10[%swap3A_43], %swap3A_46 {strides = array<i32>} : memref<128xf32, #tpu.memory_space<vmem>>, vector<16xf32>,
    %scan3A = arith.constant 0 : i32
    %scan3A_47 = arith.constant 20 : i32
    %scan3A_48 = arith.addi %scan3A, %scan3A_47 : i32
    %scan3A_49 = arith.constant 1 : i32
    scf.for %scan3A_79 = %scan3A to %scan3A_48 step %scan3A_49  : i32 {
      %broadcast_in_dim3A_80 = arith.constant 0.000000e+00 : f32
      %broadcast_in_dim3A_81 = vector.broadcast %broadcast_in_dim3A_80 : f32 to vector<16xf32>
      %mul3A_82 = arith.constant 16 : i32
      %mul3A_83 = arith.muli %scan3A_79, %mul3A_82 : i32
      %swap3A_84 = arith.index_cast %mul3A_83 : i32 to index
      %swap3A_85 = tpu.vector_load %arg11[%swap3A_84] {strides = array<i32>} : memref<320xf32, #tpu.memory_space<vmem>>, vector<16xf32>,
      %swap3A_86 = vector.shape_cast %swap3A_85 : vector<16xf32> to vector<16xf32>
      %swap3A_87 = vector.shape_cast %broadcast_in_dim3A_81 : vector<16xf32> to vector<16xf32>
      tpu.vector_store %arg11[%swap3A_84], %swap3A_87 {strides = array<i32>} : memref<320xf32, #tpu.memory_space<vmem>>, vector<16xf32>,
    }
    %scan3A_50 = arith.constant 20 : i32
    %mul3A_51 = arith.constant 640 : i32
    %mul3A_52 = arith.muli %arg1, %mul3A_51 : i32
    "tpu.region"() ({
      %run_scoped3A = tpu.sem_alloc : memref<!tpu.dma_semaphore, #tpu.memory_space<semaphore_mem>>
      %dma_start3A = tpu.memref_slice %arg12[%mul3A_52] : memref<10240xf32, #tpu.memory_space<vmem_shared>> -> memref<320xf32, #tpu.memory_space<vmem_shared>>
      %dma_start3A_79 = tpu.memref_slice %arg12[%mul3A_52] : memref<10240xf32, #tpu.memory_space<vmem_shared>> -> memref<320xf32, #tpu.memory_space<vmem_shared>>
      tpu.enqueue_dma source(%arg11 : memref<320xf32, #tpu.memory_space<vmem>>) target(%dma_start3A_79 : memref<320xf32, #tpu.memory_space<vmem_shared>>) target_semaphore(%run_scoped3A : memref<!tpu.dma_semaphore, #tpu.memory_space<semaphore_mem>>)
      %dma_wait3A = tpu.memref_slice %arg12[%mul3A_52] : memref<10240xf32, #tpu.memory_space<vmem_shared>> -> memref<320xf32, #tpu.memory_space<vmem_shared>>
      %dma_wait3A_80 = tpu.memref_slice %arg12[%mul3A_52] : memref<10240xf32, #tpu.memory_space<vmem_shared>> -> memref<320xf32, #tpu.memory_space<vmem_shared>>
      tpu.wait_dma2 semaphore(%run_scoped3A : memref<!tpu.dma_semaphore, #tpu.memory_space<semaphore_mem>>) src(%arg11 : memref<320xf32, #tpu.memory_space<vmem>>) dst(%dma_wait3A_80 : memref<320xf32, #tpu.memory_space<vmem_shared>>)
      tpu.yield
    }) : () -> ()
    %mul3A_53 = arith.constant 640 : i32
    %mul3A_54 = arith.muli %arg1, %mul3A_53 : i32
    %add3A_55 = arith.constant 320 : i32
    %add3A_56 = arith.addi %mul3A_54, %add3A_55 : i32
    "tpu.region"() ({
      %run_scoped3A = tpu.sem_alloc : memref<!tpu.dma_semaphore, #tpu.memory_space<semaphore_mem>>
      %dma_start3A = tpu.memref_slice %arg12[%add3A_56] : memref<10240xf32, #tpu.memory_space<vmem_shared>> -> memref<320xf32, #tpu.memory_space<vmem_shared>>
      %dma_start3A_79 = tpu.memref_slice %arg12[%add3A_56] : memref<10240xf32, #tpu.memory_space<vmem_shared>> -> memref<320xf32, #tpu.memory_space<vmem_shared>>
      tpu.enqueue_dma source(%arg11 : memref<320xf32, #tpu.memory_space<vmem>>) target(%dma_start3A_79 : memref<320xf32, #tpu.memory_space<vmem_shared>>) target_semaphore(%run_scoped3A : memref<!tpu.dma_semaphore, #tpu.memory_space<semaphore_mem>>)
      %dma_wait3A = tpu.memref_slice %arg12[%add3A_56] : memref<10240xf32, #tpu.memory_space<vmem_shared>> -> memref<320xf32, #tpu.memory_space<vmem_shared>>
      %dma_wait3A_80 = tpu.memref_slice %arg12[%add3A_56] : memref<10240xf32, #tpu.memory_space<vmem_shared>> -> memref<320xf32, #tpu.memory_space<vmem_shared>>
      tpu.wait_dma2 semaphore(%run_scoped3A : memref<!tpu.dma_semaphore, #tpu.memory_space<semaphore_mem>>) src(%arg11 : memref<320xf32, #tpu.memory_space<vmem>>) dst(%dma_wait3A_80 : memref<320xf32, #tpu.memory_space<vmem_shared>>)
      tpu.yield
    }) : () -> ()
    %barrier3A = arith.constant 0 : index
    tpu.barrier barrier_id(%barrier3A)
    %scan3A_57 = arith.constant 0 : i32
    %scan3A_58 = arith.constant 86 : i32
    %scan3A_59 = arith.addi %scan3A_57, %scan3A_58 : i32
    %scan3A_60 = arith.constant 1 : i32
    scf.for %scan3A_79 = %scan3A_57 to %scan3A_59 step %scan3A_60  : i32 {
      "tpu.region"() ({
        %run_scoped3A = tpu.sem_alloc : memref<!tpu.dma_semaphore, #tpu.memory_space<semaphore_mem>>
        %dma_start3A = arith.constant 0 : i32
        %dma_start3A_80 = tpu.memref_slice %arg7[%scan3A_79, %dma_start3A] : memref<86x128xi32, #tpu.memory_space<vmem>> -> memref<1x128xi32, #tpu.memory_space<vmem>>
        %dma_start3A_81 = tpu.memref_squeeze %dma_start3A_80 : memref<1x128xi32, #tpu.memory_space<vmem>> -> memref<128xi32, #tpu.memory_space<vmem>>
        %dma_start3A_82 = arith.constant 0 : i32
        %dma_start3A_83 = tpu.memref_slice %arg12[%dma_start3A_82] : memref<10240xf32, #tpu.memory_space<vmem_shared>> -> memref<10240xf32, #tpu.memory_space<vmem_shared>>
        tpu.enqueue_indirect_dma source(%arg10 : memref<128xf32, #tpu.memory_space<vmem>>) target(%dma_start3A_83 : memref<10240xf32, #tpu.memory_space<vmem_shared>>) offsets(%dma_start3A_81 : memref<128xi32, #tpu.memory_space<vmem>>) semaphore(%run_scoped3A : memref<!tpu.dma_semaphore, #tpu.memory_space<semaphore_mem>>) {add = true}
        %dma_wait3A = arith.constant 0 : i32
        %dma_wait3A_84 = tpu.memref_slice %arg7[%scan3A_79, %dma_wait3A] : memref<86x128xi32, #tpu.memory_space<vmem>> -> memref<1x128xi32, #tpu.memory_space<vmem>>
        %dma_wait3A_85 = tpu.memref_squeeze %dma_wait3A_84 : memref<1x128xi32, #tpu.memory_space<vmem>> -> memref<128xi32, #tpu.memory_space<vmem>>
        %dma_wait3A_86 = arith.constant 0 : i32
        %dma_wait3A_87 = tpu.memref_slice %arg12[%dma_wait3A_86] : memref<10240xf32, #tpu.memory_space<vmem_shared>> -> memref<10240xf32, #tpu.memory_space<vmem_shared>>
        tpu.wait_indirect_dma semaphore(%run_scoped3A : memref<!tpu.dma_semaphore, #tpu.memory_space<semaphore_mem>>) src(%arg10 : memref<128xf32, #tpu.memory_space<vmem>>) dst(%dma_wait3A_87 : memref<10240xf32, #tpu.memory_space<vmem_shared>>)
        tpu.yield
      }) : () -> ()
    }
    %scan3A_61 = arith.constant 86 : i32
    %mul3A_62 = arith.constant 176128 : i32
    %mul3A_63 = arith.muli %arg0, %mul3A_62 : i32
    %scan3A_64 = arith.constant 0 : i32
    %scan3A_65 = arith.constant 172 : i32
    %scan3A_66 = arith.addi %scan3A_64, %scan3A_65 : i32
    %scan3A_67 = arith.constant 1 : i32
    scf.for %scan3A_79 = %scan3A_64 to %scan3A_66 step %scan3A_67  : i32 {
      %iota3A = tpu.iota {dimensions = array<i32: 0>} : vector<16xi32>
      %get3A = arith.index_cast %scan3A_79 : i32 to index
      %get3A_80 = arith.constant 0 : index
      %get3A_81 = tpu.vector_load %arg9[%get3A, %get3A_80] {strides = array<i32>} : memref<172x128xi32, #tpu.memory_space<vmem>>, vector<1x16xi32>,
      %get3A_82 = vector.shape_cast %get3A_81 : vector<1x16xi32> to vector<16xi32>
      %sub3A = vector.broadcast %mul3A_63 : i32 to vector<16xi32>
      %sub3A_83 = arith.subi %get3A_82, %sub3A : vector<16xi32>
      %ge3A = arith.constant 0 : i32
      %ge3A_84 = vector.broadcast %ge3A : i32 to vector<16xi32>
      %ge3A_85 = arith.cmpi sge, %sub3A_83, %ge3A_84 : vector<16xi32>
      %lt3A = arith.constant 176128 : i32
      %lt3A_86 = vector.broadcast %lt3A : i32 to vector<16xi32>
      %lt3A_87 = arith.cmpi slt, %sub3A_83, %lt3A_86 : vector<16xi32>
      %and3A = arith.andi %ge3A_85, %lt3A_87 : vector<16xi1>
      %add3A_88 = arith.constant 176128 : i32
      %add3A_89 = vector.broadcast %add3A_88 : i32 to vector<16xi32>
      %add3A_90 = arith.addi %add3A_89, %iota3A : vector<16xi32>
      %select_n3A = arith.select %and3A, %sub3A_83, %add3A_90 : vector<16xi1>, vector<16xi32>
      %swap3A_91 = arith.index_cast %scan3A_79 : i32 to index
      %swap3A_92 = arith.constant 0 : index
      %swap3A_93 = tpu.vector_load %arg9[%swap3A_91, %swap3A_92] {strides = array<i32>} : memref<172x128xi32, #tpu.memory_space<vmem>>, vector<1x16xi32>,
      %swap3A_94 = vector.shape_cast %swap3A_93 : vector<1x16xi32> to vector<16xi32>
      %swap3A_95 = vector.shape_cast %select_n3A : vector<16xi32> to vector<1x16xi32>
      tpu.vector_store %arg9[%swap3A_91, %swap3A_92], %swap3A_95 {strides = array<i32>} : memref<172x128xi32, #tpu.memory_space<vmem>>, vector<1x16xi32>,
      %iota3A_96 = tpu.iota {dimensions = array<i32: 0>} : vector<16xi32>
      %get3A_97 = arith.index_cast %scan3A_79 : i32 to index
      %get3A_98 = arith.constant 16 : index
      %get3A_99 = tpu.vector_load %arg9[%get3A_97, %get3A_98] {strides = array<i32>} : memref<172x128xi32, #tpu.memory_space<vmem>>, vector<1x16xi32>,
      %get3A_100 = vector.shape_cast %get3A_99 : vector<1x16xi32> to vector<16xi32>
      %sub3A_101 = vector.broadcast %mul3A_63 : i32 to vector<16xi32>
      %sub3A_102 = arith.subi %get3A_100, %sub3A_101 : vector<16xi32>
      %ge3A_103 = arith.constant 0 : i32
      %ge3A_104 = vector.broadcast %ge3A_103 : i32 to vector<16xi32>
      %ge3A_105 = arith.cmpi sge, %sub3A_102, %ge3A_104 : vector<16xi32>
      %lt3A_106 = arith.constant 176128 : i32
      %lt3A_107 = vector.broadcast %lt3A_106 : i32 to vector<16xi32>
      %lt3A_108 = arith.cmpi slt, %sub3A_102, %lt3A_107 : vector<16xi32>
      %and3A_109 = arith.andi %ge3A_105, %lt3A_108 : vector<16xi1>
      %add3A_110 = arith.constant 176128 : i32
      %add3A_111 = vector.broadcast %add3A_110 : i32 to vector<16xi32>
      %add3A_112 = arith.addi %add3A_111, %iota3A_96 : vector<16xi32>
      %select_n3A_113 = arith.select %and3A_109, %sub3A_102, %add3A_112 : vector<16xi1>, vector<16xi32>
      %swap3A_114 = arith.index_cast %scan3A_79 : i32 to index
      %swap3A_115 = arith.constant 16 : index
      %swap3A_116 = tpu.vector_load %arg9[%swap3A_114, %swap3A_115] {strides = array<i32>} : memref<172x128xi32, #tpu.memory_space<vmem>>, vector<1x16xi32>,
      %swap3A_117 = vector.shape_cast %swap3A_116 : vector<1x16xi32> to vector<16xi32>
      %swap3A_118 = vector.shape_cast %select_n3A_113 : vector<16xi32> to vector<1x16xi32>
      tpu.vector_store %arg9[%swap3A_114, %swap3A_115], %swap3A_118 {strides = array<i32>} : memref<172x128xi32, #tpu.memory_space<vmem>>, vector<1x16xi32>,
      %iota3A_119 = tpu.iota {dimensions = array<i32: 0>} : vector<16xi32>
      %get3A_120 = arith.index_cast %scan3A_79 : i32 to index
      %get3A_121 = arith.constant 32 : index
      %get3A_122 = tpu.vector_load %arg9[%get3A_120, %get3A_121] {strides = array<i32>} : memref<172x128xi32, #tpu.memory_space<vmem>>, vector<1x16xi32>,
      %get3A_123 = vector.shape_cast %get3A_122 : vector<1x16xi32> to vector<16xi32>
      %sub3A_124 = vector.broadcast %mul3A_63 : i32 to vector<16xi32>
      %sub3A_125 = arith.subi %get3A_123, %sub3A_124 : vector<16xi32>
      %ge3A_126 = arith.constant 0 : i32
      %ge3A_127 = vector.broadcast %ge3A_126 : i32 to vector<16xi32>
      %ge3A_128 = arith.cmpi sge, %sub3A_125, %ge3A_127 : vector<16xi32>
      %lt3A_129 = arith.constant 176128 : i32
      %lt3A_130 = vector.broadcast %lt3A_129 : i32 to vector<16xi32>
      %lt3A_131 = arith.cmpi slt, %sub3A_125, %lt3A_130 : vector<16xi32>
      %and3A_132 = arith.andi %ge3A_128, %lt3A_131 : vector<16xi1>
      %add3A_133 = arith.constant 176128 : i32
      %add3A_134 = vector.broadcast %add3A_133 : i32 to vector<16xi32>
      %add3A_135 = arith.addi %add3A_134, %iota3A_119 : vector<16xi32>
      %select_n3A_136 = arith.select %and3A_132, %sub3A_125, %add3A_135 : vector<16xi1>, vector<16xi32>
      %swap3A_137 = arith.index_cast %scan3A_79 : i32 to index
      %swap3A_138 = arith.constant 32 : index
      %swap3A_139 = tpu.vector_load %arg9[%swap3A_137, %swap3A_138] {strides = array<i32>} : memref<172x128xi32, #tpu.memory_space<vmem>>, vector<1x16xi32>,
      %swap3A_140 = vector.shape_cast %swap3A_139 : vector<1x16xi32> to vector<16xi32>
      %swap3A_141 = vector.shape_cast %select_n3A_136 : vector<16xi32> to vector<1x16xi32>
      tpu.vector_store %arg9[%swap3A_137, %swap3A_138], %swap3A_141 {strides = array<i32>} : memref<172x128xi32, #tpu.memory_space<vmem>>, vector<1x16xi32>,
      %iota3A_142 = tpu.iota {dimensions = array<i32: 0>} : vector<16xi32>
      %get3A_143 = arith.index_cast %scan3A_79 : i32 to index
      %get3A_144 = arith.constant 48 : index
      %get3A_145 = tpu.vector_load %arg9[%get3A_143, %get3A_144] {strides = array<i32>} : memref<172x128xi32, #tpu.memory_space<vmem>>, vector<1x16xi32>,
      %get3A_146 = vector.shape_cast %get3A_145 : vector<1x16xi32> to vector<16xi32>
      %sub3A_147 = vector.broadcast %mul3A_63 : i32 to vector<16xi32>
      %sub3A_148 = arith.subi %get3A_146, %sub3A_147 : vector<16xi32>
      %ge3A_149 = arith.constant 0 : i32
      %ge3A_150 = vector.broadcast %ge3A_149 : i32 to vector<16xi32>
      %ge3A_151 = arith.cmpi sge, %sub3A_148, %ge3A_150 : vector<16xi32>
      %lt3A_152 = arith.constant 176128 : i32
      %lt3A_153 = vector.broadcast %lt3A_152 : i32 to vector<16xi32>
      %lt3A_154 = arith.cmpi slt, %sub3A_148, %lt3A_153 : vector<16xi32>
      %and3A_155 = arith.andi %ge3A_151, %lt3A_154 : vector<16xi1>
      %add3A_156 = arith.constant 176128 : i32
      %add3A_157 = vector.broadcast %add3A_156 : i32 to vector<16xi32>
      %add3A_158 = arith.addi %add3A_157, %iota3A_142 : vector<16xi32>
      %select_n3A_159 = arith.select %and3A_155, %sub3A_148, %add3A_158 : vector<16xi1>, vector<16xi32>
      %swap3A_160 = arith.index_cast %scan3A_79 : i32 to index
      %swap3A_161 = arith.constant 48 : index
      %swap3A_162 = tpu.vector_load %arg9[%swap3A_160, %swap3A_161] {strides = array<i32>} : memref<172x128xi32, #tpu.memory_space<vmem>>, vector<1x16xi32>,
      %swap3A_163 = vector.shape_cast %swap3A_162 : vector<1x16xi32> to vector<16xi32>
      %swap3A_164 = vector.shape_cast %select_n3A_159 : vector<16xi32> to vector<1x16xi32>
      tpu.vector_store %arg9[%swap3A_160, %swap3A_161], %swap3A_164 {strides = array<i32>} : memref<172x128xi32, #tpu.memory_space<vmem>>, vector<1x16xi32>,
      %iota3A_165 = tpu.iota {dimensions = array<i32: 0>} : vector<16xi32>
      %get3A_166 = arith.index_cast %scan3A_79 : i32 to index
      %get3A_167 = arith.constant 64 : index
      %get3A_168 = tpu.vector_load %arg9[%get3A_166, %get3A_167] {strides = array<i32>} : memref<172x128xi32, #tpu.memory_space<vmem>>, vector<1x16xi32>,
      %get3A_169 = vector.shape_cast %get3A_168 : vector<1x16xi32> to vector<16xi32>
      %sub3A_170 = vector.broadcast %mul3A_63 : i32 to vector<16xi32>
      %sub3A_171 = arith.subi %get3A_169, %sub3A_170 : vector<16xi32>
      %ge3A_172 = arith.constant 0 : i32
      %ge3A_173 = vector.broadcast %ge3A_172 : i32 to vector<16xi32>
      %ge3A_174 = arith.cmpi sge, %sub3A_171, %ge3A_173 : vector<16xi32>
      %lt3A_175 = arith.constant 176128 : i32
      %lt3A_176 = vector.broadcast %lt3A_175 : i32 to vector<16xi32>
      %lt3A_177 = arith.cmpi slt, %sub3A_171, %lt3A_176 : vector<16xi32>
      %and3A_178 = arith.andi %ge3A_174, %lt3A_177 : vector<16xi1>
      %add3A_179 = arith.constant 176128 : i32
      %add3A_180 = vector.broadcast %add3A_179 : i32 to vector<16xi32>
      %add3A_181 = arith.addi %add3A_180, %iota3A_165 : vector<16xi32>
      %select_n3A_182 = arith.select %and3A_178, %sub3A_171, %add3A_181 : vector<16xi1>, vector<16xi32>
      %swap3A_183 = arith.index_cast %scan3A_79 : i32 to index
      %swap3A_184 = arith.constant 64 : index
      %swap3A_185 = tpu.vector_load %arg9[%swap3A_183, %swap3A_184] {strides = array<i32>} : memref<172x128xi32, #tpu.memory_space<vmem>>, vector<1x16xi32>,
      %swap3A_186 = vector.shape_cast %swap3A_185 : vector<1x16xi32> to vector<16xi32>
      %swap3A_187 = vector.shape_cast %select_n3A_182 : vector<16xi32> to vector<1x16xi32>
      tpu.vector_store %arg9[%swap3A_183, %swap3A_184], %swap3A_187 {strides = array<i32>} : memref<172x128xi32, #tpu.memory_space<vmem>>, vector<1x16xi32>,
      %iota3A_188 = tpu.iota {dimensions = array<i32: 0>} : vector<16xi32>
      %get3A_189 = arith.index_cast %scan3A_79 : i32 to index
      %get3A_190 = arith.constant 80 : index
      %get3A_191 = tpu.vector_load %arg9[%get3A_189, %get3A_190] {strides = array<i32>} : memref<172x128xi32, #tpu.memory_space<vmem>>, vector<1x16xi32>,
      %get3A_192 = vector.shape_cast %get3A_191 : vector<1x16xi32> to vector<16xi32>
      %sub3A_193 = vector.broadcast %mul3A_63 : i32 to vector<16xi32>
      %sub3A_194 = arith.subi %get3A_192, %sub3A_193 : vector<16xi32>
      %ge3A_195 = arith.constant 0 : i32
      %ge3A_196 = vector.broadcast %ge3A_195 : i32 to vector<16xi32>
      %ge3A_197 = arith.cmpi sge, %sub3A_194, %ge3A_196 : vector<16xi32>
      %lt3A_198 = arith.constant 176128 : i32
      %lt3A_199 = vector.broadcast %lt3A_198 : i32 to vector<16xi32>
      %lt3A_200 = arith.cmpi slt, %sub3A_194, %lt3A_199 : vector<16xi32>
      %and3A_201 = arith.andi %ge3A_197, %lt3A_200 : vector<16xi1>
      %add3A_202 = arith.constant 176128 : i32
      %add3A_203 = vector.broadcast %add3A_202 : i32 to vector<16xi32>
      %add3A_204 = arith.addi %add3A_203, %iota3A_188 : vector<16xi32>
      %select_n3A_205 = arith.select %and3A_201, %sub3A_194, %add3A_204 : vector<16xi1>, vector<16xi32>
      %swap3A_206 = arith.index_cast %scan3A_79 : i32 to index
      %swap3A_207 = arith.constant 80 : index
      %swap3A_208 = tpu.vector_load %arg9[%swap3A_206, %swap3A_207] {strides = array<i32>} : memref<172x128xi32, #tpu.memory_space<vmem>>, vector<1x16xi32>,
      %swap3A_209 = vector.shape_cast %swap3A_208 : vector<1x16xi32> to vector<16xi32>
      %swap3A_210 = vector.shape_cast %select_n3A_205 : vector<16xi32> to vector<1x16xi32>
      tpu.vector_store %arg9[%swap3A_206, %swap3A_207], %swap3A_210 {strides = array<i32>} : memref<172x128xi32, #tpu.memory_space<vmem>>, vector<1x16xi32>,
      %iota3A_211 = tpu.iota {dimensions = array<i32: 0>} : vector<16xi32>
      %get3A_212 = arith.index_cast %scan3A_79 : i32 to index
      %get3A_213 = arith.constant 96 : index
      %get3A_214 = tpu.vector_load %arg9[%get3A_212, %get3A_213] {strides = array<i32>} : memref<172x128xi32, #tpu.memory_space<vmem>>, vector<1x16xi32>,
      %get3A_215 = vector.shape_cast %get3A_214 : vector<1x16xi32> to vector<16xi32>
      %sub3A_216 = vector.broadcast %mul3A_63 : i32 to vector<16xi32>
      %sub3A_217 = arith.subi %get3A_215, %sub3A_216 : vector<16xi32>
      %ge3A_218 = arith.constant 0 : i32
      %ge3A_219 = vector.broadcast %ge3A_218 : i32 to vector<16xi32>
      %ge3A_220 = arith.cmpi sge, %sub3A_217, %ge3A_219 : vector<16xi32>
      %lt3A_221 = arith.constant 176128 : i32
      %lt3A_222 = vector.broadcast %lt3A_221 : i32 to vector<16xi32>
      %lt3A_223 = arith.cmpi slt, %sub3A_217, %lt3A_222 : vector<16xi32>
      %and3A_224 = arith.andi %ge3A_220, %lt3A_223 : vector<16xi1>
      %add3A_225 = arith.constant 176128 : i32
      %add3A_226 = vector.broadcast %add3A_225 : i32 to vector<16xi32>
      %add3A_227 = arith.addi %add3A_226, %iota3A_211 : vector<16xi32>
      %select_n3A_228 = arith.select %and3A_224, %sub3A_217, %add3A_227 : vector<16xi1>, vector<16xi32>
      %swap3A_229 = arith.index_cast %scan3A_79 : i32 to index
      %swap3A_230 = arith.constant 96 : index
      %swap3A_231 = tpu.vector_load %arg9[%swap3A_229, %swap3A_230] {strides = array<i32>} : memref<172x128xi32, #tpu.memory_space<vmem>>, vector<1x16xi32>,
      %swap3A_232 = vector.shape_cast %swap3A_231 : vector<1x16xi32> to vector<16xi32>
      %swap3A_233 = vector.shape_cast %select_n3A_228 : vector<16xi32> to vector<1x16xi32>
      tpu.vector_store %arg9[%swap3A_229, %swap3A_230], %swap3A_233 {strides = array<i32>} : memref<172x128xi32, #tpu.memory_space<vmem>>, vector<1x16xi32>,
      %iota3A_234 = tpu.iota {dimensions = array<i32: 0>} : vector<16xi32>
      %get3A_235 = arith.index_cast %scan3A_79 : i32 to index
      %get3A_236 = arith.constant 112 : index
      %get3A_237 = tpu.vector_load %arg9[%get3A_235, %get3A_236] {strides = array<i32>} : memref<172x128xi32, #tpu.memory_space<vmem>>, vector<1x16xi32>,
      %get3A_238 = vector.shape_cast %get3A_237 : vector<1x16xi32> to vector<16xi32>
      %sub3A_239 = vector.broadcast %mul3A_63 : i32 to vector<16xi32>
      %sub3A_240 = arith.subi %get3A_238, %sub3A_239 : vector<16xi32>
      %ge3A_241 = arith.constant 0 : i32
      %ge3A_242 = vector.broadcast %ge3A_241 : i32 to vector<16xi32>
      %ge3A_243 = arith.cmpi sge, %sub3A_240, %ge3A_242 : vector<16xi32>
      %lt3A_244 = arith.constant 176128 : i32
      %lt3A_245 = vector.broadcast %lt3A_244 : i32 to vector<16xi32>
      %lt3A_246 = arith.cmpi slt, %sub3A_240, %lt3A_245 : vector<16xi32>
      %and3A_247 = arith.andi %ge3A_243, %lt3A_246 : vector<16xi1>
      %add3A_248 = arith.constant 176128 : i32
      %add3A_249 = vector.broadcast %add3A_248 : i32 to vector<16xi32>
      %add3A_250 = arith.addi %add3A_249, %iota3A_234 : vector<16xi32>
      %select_n3A_251 = arith.select %and3A_247, %sub3A_240, %add3A_250 : vector<16xi1>, vector<16xi32>
      %swap3A_252 = arith.index_cast %scan3A_79 : i32 to index
      %swap3A_253 = arith.constant 112 : index
      %swap3A_254 = tpu.vector_load %arg9[%swap3A_252, %swap3A_253] {strides = array<i32>} : memref<172x128xi32, #tpu.memory_space<vmem>>, vector<1x16xi32>,
      %swap3A_255 = vector.shape_cast %swap3A_254 : vector<1x16xi32> to vector<16xi32>
      %swap3A_256 = vector.shape_cast %select_n3A_251 : vector<16xi32> to vector<1x16xi32>
      tpu.vector_store %arg9[%swap3A_252, %swap3A_253], %swap3A_256 {strides = array<i32>} : memref<172x128xi32, #tpu.memory_space<vmem>>, vector<1x16xi32>,
      "tpu.region"() ({
        %run_scoped3A = tpu.sem_alloc : memref<!tpu.dma_semaphore, #tpu.memory_space<semaphore_mem>>
        %dma_start3A = arith.constant 0 : i32
        %dma_start3A_257 = tpu.memref_slice %arg8[%scan3A_79, %dma_start3A] : memref<172x128xi32, #tpu.memory_space<vmem>> -> memref<1x128xi32, #tpu.memory_space<vmem>>
        %dma_start3A_258 = tpu.memref_squeeze %dma_start3A_257 : memref<1x128xi32, #tpu.memory_space<vmem>> -> memref<128xi32, #tpu.memory_space<vmem>>
        %dma_start3A_259 = arith.constant 0 : i32
        %dma_start3A_260 = tpu.memref_slice %arg9[%scan3A_79, %dma_start3A_259] : memref<172x128xi32, #tpu.memory_space<vmem>> -> memref<1x128xi32, #tpu.memory_space<vmem>>
        %dma_start3A_261 = tpu.memref_squeeze %dma_start3A_260 : memref<1x128xi32, #tpu.memory_space<vmem>> -> memref<128xi32, #tpu.memory_space<vmem>>
        %dma_start3A_262 = arith.constant 0 : i32
        %dma_start3A_263 = tpu.memref_slice %arg13[%dma_start3A_262] : memref<176144xi32, #tpu.memory_space<vmem_shared>> -> memref<176144xi32, #tpu.memory_space<vmem_shared>>
        tpu.enqueue_indirect_dma source(%dma_start3A_258 : memref<128xi32, #tpu.memory_space<vmem>>) target(%dma_start3A_263 : memref<176144xi32, #tpu.memory_space<vmem_shared>>) offsets(%dma_start3A_261 : memref<128xi32, #tpu.memory_space<vmem>>) semaphore(%run_scoped3A : memref<!tpu.dma_semaphore, #tpu.memory_space<semaphore_mem>>)
        %dma_wait3A = arith.constant 0 : i32
        %dma_wait3A_264 = tpu.memref_slice %arg8[%scan3A_79, %dma_wait3A] : memref<172x128xi32, #tpu.memory_space<vmem>> -> memref<1x128xi32, #tpu.memory_space<vmem>>
        %dma_wait3A_265 = tpu.memref_squeeze %dma_wait3A_264 : memref<1x128xi32, #tpu.memory_space<vmem>> -> memref<128xi32, #tpu.memory_space<vmem>>
        %dma_wait3A_266 = arith.constant 0 : i32
        %dma_wait3A_267 = tpu.memref_slice %arg9[%scan3A_79, %dma_wait3A_266] : memref<172x128xi32, #tpu.memory_space<vmem>> -> memref<1x128xi32, #tpu.memory_space<vmem>>
        %dma_wait3A_268 = tpu.memref_squeeze %dma_wait3A_267 : memref<1x128xi32, #tpu.memory_space<vmem>> -> memref<128xi32, #tpu.memory_space<vmem>>
        %dma_wait3A_269 = arith.constant 0 : i32
        %dma_wait3A_270 = tpu.memref_slice %arg13[%dma_wait3A_269] : memref<176144xi32, #tpu.memory_space<vmem_shared>> -> memref<176144xi32, #tpu.memory_space<vmem_shared>>
        tpu.wait_indirect_dma semaphore(%run_scoped3A : memref<!tpu.dma_semaphore, #tpu.memory_space<semaphore_mem>>) src(%dma_wait3A_265 : memref<128xi32, #tpu.memory_space<vmem>>) dst(%dma_wait3A_270 : memref<176144xi32, #tpu.memory_space<vmem_shared>>)
        tpu.yield
      }) : () -> ()
    }
    %scan3A_68 = arith.constant 172 : i32
    %barrier3A_69 = arith.constant 0 : index
    tpu.barrier barrier_id(%barrier3A_69)
    %mul3A_70 = arith.constant 640 : i32
    %mul3A_71 = arith.muli %arg1, %mul3A_70 : i32
    %mul3A_72 = arith.constant 640 : i32
    %mul3A_73 = arith.muli %arg1, %mul3A_72 : i32
    "tpu.region"() ({
      %run_scoped3A = tpu.sem_alloc : memref<!tpu.dma_semaphore, #tpu.memory_space<semaphore_mem>>
      %dma_start3A = tpu.memref_slice %arg5[%arg0, %mul3A_73] : memref<2x10240xf32, #tpu.memory_space<hbm>> -> memref<1x640xf32, #tpu.memory_space<hbm>>
      %dma_start3A_79 = tpu.memref_squeeze %dma_start3A : memref<1x640xf32, #tpu.memory_space<hbm>> -> memref<640xf32, #tpu.memory_space<hbm>>
      %dma_start3A_80 = tpu.memref_slice %arg12[%mul3A_71] : memref<10240xf32, #tpu.memory_space<vmem_shared>> -> memref<640xf32, #tpu.memory_space<vmem_shared>>
      tpu.enqueue_dma source(%dma_start3A_80 : memref<640xf32, #tpu.memory_space<vmem_shared>>) target(%dma_start3A_79 : memref<640xf32, #tpu.memory_space<hbm>>) target_semaphore(%run_scoped3A : memref<!tpu.dma_semaphore, #tpu.memory_space<semaphore_mem>>)
      %dma_wait3A = tpu.memref_slice %arg5[%arg0, %mul3A_73] : memref<2x10240xf32, #tpu.memory_space<hbm>> -> memref<1x640xf32, #tpu.memory_space<hbm>>
      %dma_wait3A_81 = tpu.memref_squeeze %dma_wait3A : memref<1x640xf32, #tpu.memory_space<hbm>> -> memref<640xf32, #tpu.memory_space<hbm>>
      %dma_wait3A_82 = tpu.memref_slice %arg12[%mul3A_71] : memref<10240xf32, #tpu.memory_space<vmem_shared>> -> memref<640xf32, #tpu.memory_space<vmem_shared>>
      tpu.wait_dma2 semaphore(%run_scoped3A : memref<!tpu.dma_semaphore, #tpu.memory_space<semaphore_mem>>) src(%dma_wait3A_82 : memref<640xf32, #tpu.memory_space<vmem_shared>>) dst(%dma_wait3A_81 : memref<640xf32, #tpu.memory_space<hbm>>)
      tpu.yield
    }) : () -> ()
    %mul3A_74 = arith.constant 11008 : i32
    %mul3A_75 = arith.muli %arg1, %mul3A_74 : i32
    %mul3A_76 = arith.constant 11008 : i32
    %mul3A_77 = arith.muli %arg1, %mul3A_76 : i32
    %add3A_78 = arith.addi %mul3A_63, %mul3A_77 : i32
    "tpu.region"() ({
      %run_scoped3A = tpu.sem_alloc : memref<!tpu.dma_semaphore, #tpu.memory_space<semaphore_mem>>
      %dma_start3A = tpu.memref_slice %arg6[%add3A_78] : memref<352256xi32, #tpu.memory_space<hbm>> -> memref<11008xi32, #tpu.memory_space<hbm>>
      %dma_start3A_79 = tpu.memref_slice %arg13[%mul3A_75] : memref<176144xi32, #tpu.memory_space<vmem_shared>> -> memref<11008xi32, #tpu.memory_space<vmem_shared>>
      tpu.enqueue_dma source(%dma_start3A_79 : memref<11008xi32, #tpu.memory_space<vmem_shared>>) target(%dma_start3A : memref<11008xi32, #tpu.memory_space<hbm>>) target_semaphore(%run_scoped3A : memref<!tpu.dma_semaphore, #tpu.memory_space<semaphore_mem>>)
      %dma_wait3A = tpu.memref_slice %arg6[%add3A_78] : memref<352256xi32, #tpu.memory_space<hbm>> -> memref<11008xi32, #tpu.memory_space<hbm>>
      %dma_wait3A_80 = tpu.memref_slice %arg13[%mul3A_75] : memref<176144xi32, #tpu.memory_space<vmem_shared>> -> memref<11008xi32, #tpu.memory_space<vmem_shared>>
      tpu.wait_dma2 semaphore(%run_scoped3A : memref<!tpu.dma_semaphore, #tpu.memory_space<semaphore_mem>>) src(%dma_wait3A_80 : memref<11008xi32, #tpu.memory_space<vmem_shared>>) dst(%dma_wait3A : memref<11008xi32, #tpu.memory_space<hbm>>)
      tpu.yield
    }) : () -> ()
    return
  }
}

#map = affine_map<(d0, d1) -> (0, 0)>
#map1 = affine_map<(d0, d1) -> (0)>
#map2 = affine_map<(d0, d1) -> (0, 0, 0)>
module attributes {stable_mosaic.version = 14 : i64} {
  func.func @_agg_body(%arg0: i32, %arg1: i32, %arg2: memref<10000x128xf32, #tpu.memory_space<hbm>>, %arg3: memref<352256xi32, #tpu.memory_space<hbm>>, %arg4: memref<2x10112x128xf32, #tpu.memory_space<hbm>>, %arg5: memref<32xi32, #tpu.memory_space<vmem>>, %arg6: memref<32xi32, #tpu.memory_space<vmem>>, %arg7: memref<32xi32, #tpu.memory_space<vmem>>, %arg8: memref<32xi32, #tpu.memory_space<vmem>>, %arg9: memref<32xi32, #tpu.memory_space<vmem>>, %arg10: memref<32xi32, #tpu.memory_space<vmem>>, %arg11: memref<32x128xf32, #tpu.memory_space<vmem>>, %arg12: memref<32x128xf32, #tpu.memory_space<vmem>>, %arg13: memref<5120x128xf32, #tpu.memory_space<vmem_shared>>, %arg14: memref<10112x128xf32, #tpu.memory_space<vmem_shared>>, %arg15: memref<!tpu.dma_semaphore, #tpu.memory_space<semaphore_mem>>, %arg16: memref<!tpu.dma_semaphore, #tpu.memory_space<semaphore_mem>>, %arg17: memref<!tpu.dma_semaphore, #tpu.memory_space<semaphore_mem>>, %arg18: memref<!tpu.dma_semaphore, #tpu.memory_space<semaphore_mem>>, %arg19: memref<!tpu.dma_semaphore, #tpu.memory_space<semaphore_mem>>, %arg20: memref<!tpu.dma_semaphore, #tpu.memory_space<semaphore_mem>>) attributes {dimension_semantics = [#tpu.dimension_semantics<core_parallel>, #tpu.dimension_semantics<subcore_parallel>], iteration_bounds = array<i64: 2, 16>, scalar_prefetch = 0 : i64, scratch_operands = 16 : i64, tpu.core_type = #tpu.core_type<sc_vector_subcore>, window_params = [{transform_indices = #map}, {transform_indices = #map1}, {transform_indices = #map2}]} {
    %mul3A = arith.constant 5120 : i32
    %mul3A_0 = arith.muli %arg0, %mul3A : i32
    %mul3A_1 = arith.constant 320 : i32
    %mul3A_2 = arith.muli %arg1, %mul3A_1 : i32
    %add3A = arith.addi %mul3A_0, %mul3A_2 : i32
    %multiple_of3A = tpu.assume_multiple %add3A, 8 : i32
    %mul3A_3 = arith.constant 320 : i32
    %mul3A_4 = arith.muli %arg1, %mul3A_3 : i32
    %multiple_of3A_5 = tpu.assume_multiple %mul3A_4, 8 : i32
    "tpu.region"() ({
      %run_scoped3A = tpu.sem_alloc : memref<!tpu.dma_semaphore, #tpu.memory_space<semaphore_mem>>
      %dma_start3A_177 = arith.constant 0 : i32
      %dma_start3A_178 = tpu.memref_slice %arg13[%multiple_of3A_5, %dma_start3A_177] : memref<5120x128xf32, #tpu.memory_space<vmem_shared>> -> memref<320x128xf32, #tpu.memory_space<vmem_shared>>
      %dma_start3A_179 = arith.constant 0 : i32
      %dma_start3A_180 = tpu.memref_slice %arg2[%multiple_of3A, %dma_start3A_179] : memref<10000x128xf32, #tpu.memory_space<hbm>> -> memref<320x128xf32, #tpu.memory_space<hbm>>
      tpu.enqueue_dma source(%dma_start3A_180 : memref<320x128xf32, #tpu.memory_space<hbm>>) target(%dma_start3A_178 : memref<320x128xf32, #tpu.memory_space<vmem_shared>>) target_semaphore(%run_scoped3A : memref<!tpu.dma_semaphore, #tpu.memory_space<semaphore_mem>>)
      %dma_wait3A_181 = arith.constant 0 : i32
      %dma_wait3A_182 = tpu.memref_slice %arg13[%multiple_of3A_5, %dma_wait3A_181] : memref<5120x128xf32, #tpu.memory_space<vmem_shared>> -> memref<320x128xf32, #tpu.memory_space<vmem_shared>>
      %dma_wait3A_183 = arith.constant 0 : i32
      %dma_wait3A_184 = tpu.memref_slice %arg2[%multiple_of3A, %dma_wait3A_183] : memref<10000x128xf32, #tpu.memory_space<hbm>> -> memref<320x128xf32, #tpu.memory_space<hbm>>
      tpu.wait_dma2 semaphore(%run_scoped3A : memref<!tpu.dma_semaphore, #tpu.memory_space<semaphore_mem>>) src(%dma_wait3A_184 : memref<320x128xf32, #tpu.memory_space<hbm>>) dst(%dma_wait3A_182 : memref<320x128xf32, #tpu.memory_space<vmem_shared>>)
      tpu.yield
    }) : () -> ()
    %scan3A = arith.constant 0 : i32
    %scan3A_6 = arith.constant 32 : i32
    %scan3A_7 = arith.addi %scan3A, %scan3A_6 : i32
    %scan3A_8 = arith.constant 1 : i32
    scf.for %scan3A_177 = %scan3A to %scan3A_7 step %scan3A_8  : i32 {
      %broadcast_in_dim3A = arith.constant 0.000000e+00 : f32
      %broadcast_in_dim3A_178 = vector.broadcast %broadcast_in_dim3A : f32 to vector<16xf32>
      %swap3A_179 = arith.index_cast %scan3A_177 : i32 to index
      %swap3A_180 = arith.constant 0 : index
      %swap3A_181 = tpu.vector_load %arg11[%swap3A_179, %swap3A_180] {strides = array<i32>} : memref<32x128xf32, #tpu.memory_space<vmem>>, vector<1x16xf32>,
      %swap3A_182 = vector.shape_cast %swap3A_181 : vector<1x16xf32> to vector<16xf32>
      %swap3A_183 = vector.shape_cast %broadcast_in_dim3A_178 : vector<16xf32> to vector<1x16xf32>
      tpu.vector_store %arg11[%swap3A_179, %swap3A_180], %swap3A_183 {strides = array<i32>} : memref<32x128xf32, #tpu.memory_space<vmem>>, vector<1x16xf32>,
      %broadcast_in_dim3A_184 = arith.constant 0.000000e+00 : f32
      %broadcast_in_dim3A_185 = vector.broadcast %broadcast_in_dim3A_184 : f32 to vector<16xf32>
      %swap3A_186 = arith.index_cast %scan3A_177 : i32 to index
      %swap3A_187 = arith.constant 16 : index
      %swap3A_188 = tpu.vector_load %arg11[%swap3A_186, %swap3A_187] {strides = array<i32>} : memref<32x128xf32, #tpu.memory_space<vmem>>, vector<1x16xf32>,
      %swap3A_189 = vector.shape_cast %swap3A_188 : vector<1x16xf32> to vector<16xf32>
      %swap3A_190 = vector.shape_cast %broadcast_in_dim3A_185 : vector<16xf32> to vector<1x16xf32>
      tpu.vector_store %arg11[%swap3A_186, %swap3A_187], %swap3A_190 {strides = array<i32>} : memref<32x128xf32, #tpu.memory_space<vmem>>, vector<1x16xf32>,
      %broadcast_in_dim3A_191 = arith.constant 0.000000e+00 : f32
      %broadcast_in_dim3A_192 = vector.broadcast %broadcast_in_dim3A_191 : f32 to vector<16xf32>
      %swap3A_193 = arith.index_cast %scan3A_177 : i32 to index
      %swap3A_194 = arith.constant 32 : index
      %swap3A_195 = tpu.vector_load %arg11[%swap3A_193, %swap3A_194] {strides = array<i32>} : memref<32x128xf32, #tpu.memory_space<vmem>>, vector<1x16xf32>,
      %swap3A_196 = vector.shape_cast %swap3A_195 : vector<1x16xf32> to vector<16xf32>
      %swap3A_197 = vector.shape_cast %broadcast_in_dim3A_192 : vector<16xf32> to vector<1x16xf32>
      tpu.vector_store %arg11[%swap3A_193, %swap3A_194], %swap3A_197 {strides = array<i32>} : memref<32x128xf32, #tpu.memory_space<vmem>>, vector<1x16xf32>,
      %broadcast_in_dim3A_198 = arith.constant 0.000000e+00 : f32
      %broadcast_in_dim3A_199 = vector.broadcast %broadcast_in_dim3A_198 : f32 to vector<16xf32>
      %swap3A_200 = arith.index_cast %scan3A_177 : i32 to index
      %swap3A_201 = arith.constant 48 : index
      %swap3A_202 = tpu.vector_load %arg11[%swap3A_200, %swap3A_201] {strides = array<i32>} : memref<32x128xf32, #tpu.memory_space<vmem>>, vector<1x16xf32>,
      %swap3A_203 = vector.shape_cast %swap3A_202 : vector<1x16xf32> to vector<16xf32>
      %swap3A_204 = vector.shape_cast %broadcast_in_dim3A_199 : vector<16xf32> to vector<1x16xf32>
      tpu.vector_store %arg11[%swap3A_200, %swap3A_201], %swap3A_204 {strides = array<i32>} : memref<32x128xf32, #tpu.memory_space<vmem>>, vector<1x16xf32>,
      %broadcast_in_dim3A_205 = arith.constant 0.000000e+00 : f32
      %broadcast_in_dim3A_206 = vector.broadcast %broadcast_in_dim3A_205 : f32 to vector<16xf32>
      %swap3A_207 = arith.index_cast %scan3A_177 : i32 to index
      %swap3A_208 = arith.constant 64 : index
      %swap3A_209 = tpu.vector_load %arg11[%swap3A_207, %swap3A_208] {strides = array<i32>} : memref<32x128xf32, #tpu.memory_space<vmem>>, vector<1x16xf32>,
      %swap3A_210 = vector.shape_cast %swap3A_209 : vector<1x16xf32> to vector<16xf32>
      %swap3A_211 = vector.shape_cast %broadcast_in_dim3A_206 : vector<16xf32> to vector<1x16xf32>
      tpu.vector_store %arg11[%swap3A_207, %swap3A_208], %swap3A_211 {strides = array<i32>} : memref<32x128xf32, #tpu.memory_space<vmem>>, vector<1x16xf32>,
      %broadcast_in_dim3A_212 = arith.constant 0.000000e+00 : f32
      %broadcast_in_dim3A_213 = vector.broadcast %broadcast_in_dim3A_212 : f32 to vector<16xf32>
      %swap3A_214 = arith.index_cast %scan3A_177 : i32 to index
      %swap3A_215 = arith.constant 80 : index
      %swap3A_216 = tpu.vector_load %arg11[%swap3A_214, %swap3A_215] {strides = array<i32>} : memref<32x128xf32, #tpu.memory_space<vmem>>, vector<1x16xf32>,
      %swap3A_217 = vector.shape_cast %swap3A_216 : vector<1x16xf32> to vector<16xf32>
      %swap3A_218 = vector.shape_cast %broadcast_in_dim3A_213 : vector<16xf32> to vector<1x16xf32>
      tpu.vector_store %arg11[%swap3A_214, %swap3A_215], %swap3A_218 {strides = array<i32>} : memref<32x128xf32, #tpu.memory_space<vmem>>, vector<1x16xf32>,
      %broadcast_in_dim3A_219 = arith.constant 0.000000e+00 : f32
      %broadcast_in_dim3A_220 = vector.broadcast %broadcast_in_dim3A_219 : f32 to vector<16xf32>
      %swap3A_221 = arith.index_cast %scan3A_177 : i32 to index
      %swap3A_222 = arith.constant 96 : index
      %swap3A_223 = tpu.vector_load %arg11[%swap3A_221, %swap3A_222] {strides = array<i32>} : memref<32x128xf32, #tpu.memory_space<vmem>>, vector<1x16xf32>,
      %swap3A_224 = vector.shape_cast %swap3A_223 : vector<1x16xf32> to vector<16xf32>
      %swap3A_225 = vector.shape_cast %broadcast_in_dim3A_220 : vector<16xf32> to vector<1x16xf32>
      tpu.vector_store %arg11[%swap3A_221, %swap3A_222], %swap3A_225 {strides = array<i32>} : memref<32x128xf32, #tpu.memory_space<vmem>>, vector<1x16xf32>,
      %broadcast_in_dim3A_226 = arith.constant 0.000000e+00 : f32
      %broadcast_in_dim3A_227 = vector.broadcast %broadcast_in_dim3A_226 : f32 to vector<16xf32>
      %swap3A_228 = arith.index_cast %scan3A_177 : i32 to index
      %swap3A_229 = arith.constant 112 : index
      %swap3A_230 = tpu.vector_load %arg11[%swap3A_228, %swap3A_229] {strides = array<i32>} : memref<32x128xf32, #tpu.memory_space<vmem>>, vector<1x16xf32>,
      %swap3A_231 = vector.shape_cast %swap3A_230 : vector<1x16xf32> to vector<16xf32>
      %swap3A_232 = vector.shape_cast %broadcast_in_dim3A_227 : vector<16xf32> to vector<1x16xf32>
      tpu.vector_store %arg11[%swap3A_228, %swap3A_229], %swap3A_232 {strides = array<i32>} : memref<32x128xf32, #tpu.memory_space<vmem>>, vector<1x16xf32>,
    }
    %scan3A_9 = arith.constant 32 : i32
    %mul3A_10 = arith.constant 632 : i32
    %mul3A_11 = arith.muli %arg1, %mul3A_10 : i32
    %add3A_12 = arith.constant 0 : i32
    %add3A_13 = arith.addi %mul3A_11, %add3A_12 : i32
    %multiple_of3A_14 = tpu.assume_multiple %add3A_13, 8 : i32
    "tpu.region"() ({
      %run_scoped3A = tpu.sem_alloc : memref<!tpu.dma_semaphore, #tpu.memory_space<semaphore_mem>>
      %dma_start3A_177 = arith.constant 0 : i32
      %dma_start3A_178 = tpu.memref_slice %arg14[%multiple_of3A_14, %dma_start3A_177] : memref<10112x128xf32, #tpu.memory_space<vmem_shared>> -> memref<32x128xf32, #tpu.memory_space<vmem_shared>>
      %dma_start3A_179 = arith.constant 0 : i32
      %dma_start3A_180 = tpu.memref_slice %arg14[%multiple_of3A_14, %dma_start3A_179] : memref<10112x128xf32, #tpu.memory_space<vmem_shared>> -> memref<32x128xf32, #tpu.memory_space<vmem_shared>>
      tpu.enqueue_dma source(%arg11 : memref<32x128xf32, #tpu.memory_space<vmem>>) target(%dma_start3A_180 : memref<32x128xf32, #tpu.memory_space<vmem_shared>>) target_semaphore(%run_scoped3A : memref<!tpu.dma_semaphore, #tpu.memory_space<semaphore_mem>>)
      %dma_wait3A_181 = arith.constant 0 : i32
      %dma_wait3A_182 = tpu.memref_slice %arg14[%multiple_of3A_14, %dma_wait3A_181] : memref<10112x128xf32, #tpu.memory_space<vmem_shared>> -> memref<32x128xf32, #tpu.memory_space<vmem_shared>>
      %dma_wait3A_183 = arith.constant 0 : i32
      %dma_wait3A_184 = tpu.memref_slice %arg14[%multiple_of3A_14, %dma_wait3A_183] : memref<10112x128xf32, #tpu.memory_space<vmem_shared>> -> memref<32x128xf32, #tpu.memory_space<vmem_shared>>
      tpu.wait_dma2 semaphore(%run_scoped3A : memref<!tpu.dma_semaphore, #tpu.memory_space<semaphore_mem>>) src(%arg11 : memref<32x128xf32, #tpu.memory_space<vmem>>) dst(%dma_wait3A_184 : memref<32x128xf32, #tpu.memory_space<vmem_shared>>)
      tpu.yield
    }) : () -> ()
    %mul3A_15 = arith.constant 632 : i32
    %mul3A_16 = arith.muli %arg1, %mul3A_15 : i32
    %add3A_17 = arith.constant 32 : i32
    %add3A_18 = arith.addi %mul3A_16, %add3A_17 : i32
    %multiple_of3A_19 = tpu.assume_multiple %add3A_18, 8 : i32
    "tpu.region"() ({
      %run_scoped3A = tpu.sem_alloc : memref<!tpu.dma_semaphore, #tpu.memory_space<semaphore_mem>>
      %dma_start3A_177 = arith.constant 0 : i32
      %dma_start3A_178 = tpu.memref_slice %arg14[%multiple_of3A_19, %dma_start3A_177] : memref<10112x128xf32, #tpu.memory_space<vmem_shared>> -> memref<32x128xf32, #tpu.memory_space<vmem_shared>>
      %dma_start3A_179 = arith.constant 0 : i32
      %dma_start3A_180 = tpu.memref_slice %arg14[%multiple_of3A_19, %dma_start3A_179] : memref<10112x128xf32, #tpu.memory_space<vmem_shared>> -> memref<32x128xf32, #tpu.memory_space<vmem_shared>>
      tpu.enqueue_dma source(%arg11 : memref<32x128xf32, #tpu.memory_space<vmem>>) target(%dma_start3A_180 : memref<32x128xf32, #tpu.memory_space<vmem_shared>>) target_semaphore(%run_scoped3A : memref<!tpu.dma_semaphore, #tpu.memory_space<semaphore_mem>>)
      %dma_wait3A_181 = arith.constant 0 : i32
      %dma_wait3A_182 = tpu.memref_slice %arg14[%multiple_of3A_19, %dma_wait3A_181] : memref<10112x128xf32, #tpu.memory_space<vmem_shared>> -> memref<32x128xf32, #tpu.memory_space<vmem_shared>>
      %dma_wait3A_183 = arith.constant 0 : i32
      %dma_wait3A_184 = tpu.memref_slice %arg14[%multiple_of3A_19, %dma_wait3A_183] : memref<10112x128xf32, #tpu.memory_space<vmem_shared>> -> memref<32x128xf32, #tpu.memory_space<vmem_shared>>
      tpu.wait_dma2 semaphore(%run_scoped3A : memref<!tpu.dma_semaphore, #tpu.memory_space<semaphore_mem>>) src(%arg11 : memref<32x128xf32, #tpu.memory_space<vmem>>) dst(%dma_wait3A_184 : memref<32x128xf32, #tpu.memory_space<vmem_shared>>)
      tpu.yield
    }) : () -> ()
    %mul3A_20 = arith.constant 632 : i32
    %mul3A_21 = arith.muli %arg1, %mul3A_20 : i32
    %add3A_22 = arith.constant 64 : i32
    %add3A_23 = arith.addi %mul3A_21, %add3A_22 : i32
    %multiple_of3A_24 = tpu.assume_multiple %add3A_23, 8 : i32
    "tpu.region"() ({
      %run_scoped3A = tpu.sem_alloc : memref<!tpu.dma_semaphore, #tpu.memory_space<semaphore_mem>>
      %dma_start3A_177 = arith.constant 0 : i32
      %dma_start3A_178 = tpu.memref_slice %arg14[%multiple_of3A_24, %dma_start3A_177] : memref<10112x128xf32, #tpu.memory_space<vmem_shared>> -> memref<32x128xf32, #tpu.memory_space<vmem_shared>>
      %dma_start3A_179 = arith.constant 0 : i32
      %dma_start3A_180 = tpu.memref_slice %arg14[%multiple_of3A_24, %dma_start3A_179] : memref<10112x128xf32, #tpu.memory_space<vmem_shared>> -> memref<32x128xf32, #tpu.memory_space<vmem_shared>>
      tpu.enqueue_dma source(%arg11 : memref<32x128xf32, #tpu.memory_space<vmem>>) target(%dma_start3A_180 : memref<32x128xf32, #tpu.memory_space<vmem_shared>>) target_semaphore(%run_scoped3A : memref<!tpu.dma_semaphore, #tpu.memory_space<semaphore_mem>>)
      %dma_wait3A_181 = arith.constant 0 : i32
      %dma_wait3A_182 = tpu.memref_slice %arg14[%multiple_of3A_24, %dma_wait3A_181] : memref<10112x128xf32, #tpu.memory_space<vmem_shared>> -> memref<32x128xf32, #tpu.memory_space<vmem_shared>>
      %dma_wait3A_183 = arith.constant 0 : i32
      %dma_wait3A_184 = tpu.memref_slice %arg14[%multiple_of3A_24, %dma_wait3A_183] : memref<10112x128xf32, #tpu.memory_space<vmem_shared>> -> memref<32x128xf32, #tpu.memory_space<vmem_shared>>
      tpu.wait_dma2 semaphore(%run_scoped3A : memref<!tpu.dma_semaphore, #tpu.memory_space<semaphore_mem>>) src(%arg11 : memref<32x128xf32, #tpu.memory_space<vmem>>) dst(%dma_wait3A_184 : memref<32x128xf32, #tpu.memory_space<vmem_shared>>)
      tpu.yield
    }) : () -> ()
    %mul3A_25 = arith.constant 632 : i32
    %mul3A_26 = arith.muli %arg1, %mul3A_25 : i32
    %add3A_27 = arith.constant 96 : i32
    %add3A_28 = arith.addi %mul3A_26, %add3A_27 : i32
    %multiple_of3A_29 = tpu.assume_multiple %add3A_28, 8 : i32
    "tpu.region"() ({
      %run_scoped3A = tpu.sem_alloc : memref<!tpu.dma_semaphore, #tpu.memory_space<semaphore_mem>>
      %dma_start3A_177 = arith.constant 0 : i32
      %dma_start3A_178 = tpu.memref_slice %arg14[%multiple_of3A_29, %dma_start3A_177] : memref<10112x128xf32, #tpu.memory_space<vmem_shared>> -> memref<32x128xf32, #tpu.memory_space<vmem_shared>>
      %dma_start3A_179 = arith.constant 0 : i32
      %dma_start3A_180 = tpu.memref_slice %arg14[%multiple_of3A_29, %dma_start3A_179] : memref<10112x128xf32, #tpu.memory_space<vmem_shared>> -> memref<32x128xf32, #tpu.memory_space<vmem_shared>>
      tpu.enqueue_dma source(%arg11 : memref<32x128xf32, #tpu.memory_space<vmem>>) target(%dma_start3A_180 : memref<32x128xf32, #tpu.memory_space<vmem_shared>>) target_semaphore(%run_scoped3A : memref<!tpu.dma_semaphore, #tpu.memory_space<semaphore_mem>>)
      %dma_wait3A_181 = arith.constant 0 : i32
      %dma_wait3A_182 = tpu.memref_slice %arg14[%multiple_of3A_29, %dma_wait3A_181] : memref<10112x128xf32, #tpu.memory_space<vmem_shared>> -> memref<32x128xf32, #tpu.memory_space<vmem_shared>>
      %dma_wait3A_183 = arith.constant 0 : i32
      %dma_wait3A_184 = tpu.memref_slice %arg14[%multiple_of3A_29, %dma_wait3A_183] : memref<10112x128xf32, #tpu.memory_space<vmem_shared>> -> memref<32x128xf32, #tpu.memory_space<vmem_shared>>
      tpu.wait_dma2 semaphore(%run_scoped3A : memref<!tpu.dma_semaphore, #tpu.memory_space<semaphore_mem>>) src(%arg11 : memref<32x128xf32, #tpu.memory_space<vmem>>) dst(%dma_wait3A_184 : memref<32x128xf32, #tpu.memory_space<vmem_shared>>)
      tpu.yield
    }) : () -> ()
    %mul3A_30 = arith.constant 632 : i32
    %mul3A_31 = arith.muli %arg1, %mul3A_30 : i32
    %add3A_32 = arith.constant 128 : i32
    %add3A_33 = arith.addi %mul3A_31, %add3A_32 : i32
    %multiple_of3A_34 = tpu.assume_multiple %add3A_33, 8 : i32
    "tpu.region"() ({
      %run_scoped3A = tpu.sem_alloc : memref<!tpu.dma_semaphore, #tpu.memory_space<semaphore_mem>>
      %dma_start3A_177 = arith.constant 0 : i32
      %dma_start3A_178 = tpu.memref_slice %arg14[%multiple_of3A_34, %dma_start3A_177] : memref<10112x128xf32, #tpu.memory_space<vmem_shared>> -> memref<32x128xf32, #tpu.memory_space<vmem_shared>>
      %dma_start3A_179 = arith.constant 0 : i32
      %dma_start3A_180 = tpu.memref_slice %arg14[%multiple_of3A_34, %dma_start3A_179] : memref<10112x128xf32, #tpu.memory_space<vmem_shared>> -> memref<32x128xf32, #tpu.memory_space<vmem_shared>>
      tpu.enqueue_dma source(%arg11 : memref<32x128xf32, #tpu.memory_space<vmem>>) target(%dma_start3A_180 : memref<32x128xf32, #tpu.memory_space<vmem_shared>>) target_semaphore(%run_scoped3A : memref<!tpu.dma_semaphore, #tpu.memory_space<semaphore_mem>>)
      %dma_wait3A_181 = arith.constant 0 : i32
      %dma_wait3A_182 = tpu.memref_slice %arg14[%multiple_of3A_34, %dma_wait3A_181] : memref<10112x128xf32, #tpu.memory_space<vmem_shared>> -> memref<32x128xf32, #tpu.memory_space<vmem_shared>>
      %dma_wait3A_183 = arith.constant 0 : i32
      %dma_wait3A_184 = tpu.memref_slice %arg14[%multiple_of3A_34, %dma_wait3A_183] : memref<10112x128xf32, #tpu.memory_space<vmem_shared>> -> memref<32x128xf32, #tpu.memory_space<vmem_shared>>
      tpu.wait_dma2 semaphore(%run_scoped3A : memref<!tpu.dma_semaphore, #tpu.memory_space<semaphore_mem>>) src(%arg11 : memref<32x128xf32, #tpu.memory_space<vmem>>) dst(%dma_wait3A_184 : memref<32x128xf32, #tpu.memory_space<vmem_shared>>)
      tpu.yield
    }) : () -> ()
    %mul3A_35 = arith.constant 632 : i32
    %mul3A_36 = arith.muli %arg1, %mul3A_35 : i32
    %add3A_37 = arith.constant 160 : i32
    %add3A_38 = arith.addi %mul3A_36, %add3A_37 : i32
    %multiple_of3A_39 = tpu.assume_multiple %add3A_38, 8 : i32
    "tpu.region"() ({
      %run_scoped3A = tpu.sem_alloc : memref<!tpu.dma_semaphore, #tpu.memory_space<semaphore_mem>>
      %dma_start3A_177 = arith.constant 0 : i32
      %dma_start3A_178 = tpu.memref_slice %arg14[%multiple_of3A_39, %dma_start3A_177] : memref<10112x128xf32, #tpu.memory_space<vmem_shared>> -> memref<32x128xf32, #tpu.memory_space<vmem_shared>>
      %dma_start3A_179 = arith.constant 0 : i32
      %dma_start3A_180 = tpu.memref_slice %arg14[%multiple_of3A_39, %dma_start3A_179] : memref<10112x128xf32, #tpu.memory_space<vmem_shared>> -> memref<32x128xf32, #tpu.memory_space<vmem_shared>>
      tpu.enqueue_dma source(%arg11 : memref<32x128xf32, #tpu.memory_space<vmem>>) target(%dma_start3A_180 : memref<32x128xf32, #tpu.memory_space<vmem_shared>>) target_semaphore(%run_scoped3A : memref<!tpu.dma_semaphore, #tpu.memory_space<semaphore_mem>>)
      %dma_wait3A_181 = arith.constant 0 : i32
      %dma_wait3A_182 = tpu.memref_slice %arg14[%multiple_of3A_39, %dma_wait3A_181] : memref<10112x128xf32, #tpu.memory_space<vmem_shared>> -> memref<32x128xf32, #tpu.memory_space<vmem_shared>>
      %dma_wait3A_183 = arith.constant 0 : i32
      %dma_wait3A_184 = tpu.memref_slice %arg14[%multiple_of3A_39, %dma_wait3A_183] : memref<10112x128xf32, #tpu.memory_space<vmem_shared>> -> memref<32x128xf32, #tpu.memory_space<vmem_shared>>
      tpu.wait_dma2 semaphore(%run_scoped3A : memref<!tpu.dma_semaphore, #tpu.memory_space<semaphore_mem>>) src(%arg11 : memref<32x128xf32, #tpu.memory_space<vmem>>) dst(%dma_wait3A_184 : memref<32x128xf32, #tpu.memory_space<vmem_shared>>)
      tpu.yield
    }) : () -> ()
    %mul3A_40 = arith.constant 632 : i32
    %mul3A_41 = arith.muli %arg1, %mul3A_40 : i32
    %add3A_42 = arith.constant 192 : i32
    %add3A_43 = arith.addi %mul3A_41, %add3A_42 : i32
    %multiple_of3A_44 = tpu.assume_multiple %add3A_43, 8 : i32
    "tpu.region"() ({
      %run_scoped3A = tpu.sem_alloc : memref<!tpu.dma_semaphore, #tpu.memory_space<semaphore_mem>>
      %dma_start3A_177 = arith.constant 0 : i32
      %dma_start3A_178 = tpu.memref_slice %arg14[%multiple_of3A_44, %dma_start3A_177] : memref<10112x128xf32, #tpu.memory_space<vmem_shared>> -> memref<32x128xf32, #tpu.memory_space<vmem_shared>>
      %dma_start3A_179 = arith.constant 0 : i32
      %dma_start3A_180 = tpu.memref_slice %arg14[%multiple_of3A_44, %dma_start3A_179] : memref<10112x128xf32, #tpu.memory_space<vmem_shared>> -> memref<32x128xf32, #tpu.memory_space<vmem_shared>>
      tpu.enqueue_dma source(%arg11 : memref<32x128xf32, #tpu.memory_space<vmem>>) target(%dma_start3A_180 : memref<32x128xf32, #tpu.memory_space<vmem_shared>>) target_semaphore(%run_scoped3A : memref<!tpu.dma_semaphore, #tpu.memory_space<semaphore_mem>>)
      %dma_wait3A_181 = arith.constant 0 : i32
      %dma_wait3A_182 = tpu.memref_slice %arg14[%multiple_of3A_44, %dma_wait3A_181] : memref<10112x128xf32, #tpu.memory_space<vmem_shared>> -> memref<32x128xf32, #tpu.memory_space<vmem_shared>>
      %dma_wait3A_183 = arith.constant 0 : i32
      %dma_wait3A_184 = tpu.memref_slice %arg14[%multiple_of3A_44, %dma_wait3A_183] : memref<10112x128xf32, #tpu.memory_space<vmem_shared>> -> memref<32x128xf32, #tpu.memory_space<vmem_shared>>
      tpu.wait_dma2 semaphore(%run_scoped3A : memref<!tpu.dma_semaphore, #tpu.memory_space<semaphore_mem>>) src(%arg11 : memref<32x128xf32, #tpu.memory_space<vmem>>) dst(%dma_wait3A_184 : memref<32x128xf32, #tpu.memory_space<vmem_shared>>)
      tpu.yield
    }) : () -> ()
    %mul3A_45 = arith.constant 632 : i32
    %mul3A_46 = arith.muli %arg1, %mul3A_45 : i32
    %add3A_47 = arith.constant 224 : i32
    %add3A_48 = arith.addi %mul3A_46, %add3A_47 : i32
    %multiple_of3A_49 = tpu.assume_multiple %add3A_48, 8 : i32
    "tpu.region"() ({
      %run_scoped3A = tpu.sem_alloc : memref<!tpu.dma_semaphore, #tpu.memory_space<semaphore_mem>>
      %dma_start3A_177 = arith.constant 0 : i32
      %dma_start3A_178 = tpu.memref_slice %arg14[%multiple_of3A_49, %dma_start3A_177] : memref<10112x128xf32, #tpu.memory_space<vmem_shared>> -> memref<32x128xf32, #tpu.memory_space<vmem_shared>>
      %dma_start3A_179 = arith.constant 0 : i32
      %dma_start3A_180 = tpu.memref_slice %arg14[%multiple_of3A_49, %dma_start3A_179] : memref<10112x128xf32, #tpu.memory_space<vmem_shared>> -> memref<32x128xf32, #tpu.memory_space<vmem_shared>>
      tpu.enqueue_dma source(%arg11 : memref<32x128xf32, #tpu.memory_space<vmem>>) target(%dma_start3A_180 : memref<32x128xf32, #tpu.memory_space<vmem_shared>>) target_semaphore(%run_scoped3A : memref<!tpu.dma_semaphore, #tpu.memory_space<semaphore_mem>>)
      %dma_wait3A_181 = arith.constant 0 : i32
      %dma_wait3A_182 = tpu.memref_slice %arg14[%multiple_of3A_49, %dma_wait3A_181] : memref<10112x128xf32, #tpu.memory_space<vmem_shared>> -> memref<32x128xf32, #tpu.memory_space<vmem_shared>>
      %dma_wait3A_183 = arith.constant 0 : i32
      %dma_wait3A_184 = tpu.memref_slice %arg14[%multiple_of3A_49, %dma_wait3A_183] : memref<10112x128xf32, #tpu.memory_space<vmem_shared>> -> memref<32x128xf32, #tpu.memory_space<vmem_shared>>
      tpu.wait_dma2 semaphore(%run_scoped3A : memref<!tpu.dma_semaphore, #tpu.memory_space<semaphore_mem>>) src(%arg11 : memref<32x128xf32, #tpu.memory_space<vmem>>) dst(%dma_wait3A_184 : memref<32x128xf32, #tpu.memory_space<vmem_shared>>)
      tpu.yield
    }) : () -> ()
    %mul3A_50 = arith.constant 632 : i32
    %mul3A_51 = arith.muli %arg1, %mul3A_50 : i32
    %add3A_52 = arith.constant 256 : i32
    %add3A_53 = arith.addi %mul3A_51, %add3A_52 : i32
    %multiple_of3A_54 = tpu.assume_multiple %add3A_53, 8 : i32
    "tpu.region"() ({
      %run_scoped3A = tpu.sem_alloc : memref<!tpu.dma_semaphore, #tpu.memory_space<semaphore_mem>>
      %dma_start3A_177 = arith.constant 0 : i32
      %dma_start3A_178 = tpu.memref_slice %arg14[%multiple_of3A_54, %dma_start3A_177] : memref<10112x128xf32, #tpu.memory_space<vmem_shared>> -> memref<32x128xf32, #tpu.memory_space<vmem_shared>>
      %dma_start3A_179 = arith.constant 0 : i32
      %dma_start3A_180 = tpu.memref_slice %arg14[%multiple_of3A_54, %dma_start3A_179] : memref<10112x128xf32, #tpu.memory_space<vmem_shared>> -> memref<32x128xf32, #tpu.memory_space<vmem_shared>>
      tpu.enqueue_dma source(%arg11 : memref<32x128xf32, #tpu.memory_space<vmem>>) target(%dma_start3A_180 : memref<32x128xf32, #tpu.memory_space<vmem_shared>>) target_semaphore(%run_scoped3A : memref<!tpu.dma_semaphore, #tpu.memory_space<semaphore_mem>>)
      %dma_wait3A_181 = arith.constant 0 : i32
      %dma_wait3A_182 = tpu.memref_slice %arg14[%multiple_of3A_54, %dma_wait3A_181] : memref<10112x128xf32, #tpu.memory_space<vmem_shared>> -> memref<32x128xf32, #tpu.memory_space<vmem_shared>>
      %dma_wait3A_183 = arith.constant 0 : i32
      %dma_wait3A_184 = tpu.memref_slice %arg14[%multiple_of3A_54, %dma_wait3A_183] : memref<10112x128xf32, #tpu.memory_space<vmem_shared>> -> memref<32x128xf32, #tpu.memory_space<vmem_shared>>
      tpu.wait_dma2 semaphore(%run_scoped3A : memref<!tpu.dma_semaphore, #tpu.memory_space<semaphore_mem>>) src(%arg11 : memref<32x128xf32, #tpu.memory_space<vmem>>) dst(%dma_wait3A_184 : memref<32x128xf32, #tpu.memory_space<vmem_shared>>)
      tpu.yield
    }) : () -> ()
    %mul3A_55 = arith.constant 632 : i32
    %mul3A_56 = arith.muli %arg1, %mul3A_55 : i32
    %add3A_57 = arith.constant 288 : i32
    %add3A_58 = arith.addi %mul3A_56, %add3A_57 : i32
    %multiple_of3A_59 = tpu.assume_multiple %add3A_58, 8 : i32
    "tpu.region"() ({
      %run_scoped3A = tpu.sem_alloc : memref<!tpu.dma_semaphore, #tpu.memory_space<semaphore_mem>>
      %dma_start3A_177 = arith.constant 0 : i32
      %dma_start3A_178 = tpu.memref_slice %arg14[%multiple_of3A_59, %dma_start3A_177] : memref<10112x128xf32, #tpu.memory_space<vmem_shared>> -> memref<32x128xf32, #tpu.memory_space<vmem_shared>>
      %dma_start3A_179 = arith.constant 0 : i32
      %dma_start3A_180 = tpu.memref_slice %arg14[%multiple_of3A_59, %dma_start3A_179] : memref<10112x128xf32, #tpu.memory_space<vmem_shared>> -> memref<32x128xf32, #tpu.memory_space<vmem_shared>>
      tpu.enqueue_dma source(%arg11 : memref<32x128xf32, #tpu.memory_space<vmem>>) target(%dma_start3A_180 : memref<32x128xf32, #tpu.memory_space<vmem_shared>>) target_semaphore(%run_scoped3A : memref<!tpu.dma_semaphore, #tpu.memory_space<semaphore_mem>>)
      %dma_wait3A_181 = arith.constant 0 : i32
      %dma_wait3A_182 = tpu.memref_slice %arg14[%multiple_of3A_59, %dma_wait3A_181] : memref<10112x128xf32, #tpu.memory_space<vmem_shared>> -> memref<32x128xf32, #tpu.memory_space<vmem_shared>>
      %dma_wait3A_183 = arith.constant 0 : i32
      %dma_wait3A_184 = tpu.memref_slice %arg14[%multiple_of3A_59, %dma_wait3A_183] : memref<10112x128xf32, #tpu.memory_space<vmem_shared>> -> memref<32x128xf32, #tpu.memory_space<vmem_shared>>
      tpu.wait_dma2 semaphore(%run_scoped3A : memref<!tpu.dma_semaphore, #tpu.memory_space<semaphore_mem>>) src(%arg11 : memref<32x128xf32, #tpu.memory_space<vmem>>) dst(%dma_wait3A_184 : memref<32x128xf32, #tpu.memory_space<vmem_shared>>)
      tpu.yield
    }) : () -> ()
    %mul3A_60 = arith.constant 632 : i32
    %mul3A_61 = arith.muli %arg1, %mul3A_60 : i32
    %add3A_62 = arith.constant 320 : i32
    %add3A_63 = arith.addi %mul3A_61, %add3A_62 : i32
    %multiple_of3A_64 = tpu.assume_multiple %add3A_63, 8 : i32
    "tpu.region"() ({
      %run_scoped3A = tpu.sem_alloc : memref<!tpu.dma_semaphore, #tpu.memory_space<semaphore_mem>>
      %dma_start3A_177 = arith.constant 0 : i32
      %dma_start3A_178 = tpu.memref_slice %arg14[%multiple_of3A_64, %dma_start3A_177] : memref<10112x128xf32, #tpu.memory_space<vmem_shared>> -> memref<32x128xf32, #tpu.memory_space<vmem_shared>>
      %dma_start3A_179 = arith.constant 0 : i32
      %dma_start3A_180 = tpu.memref_slice %arg14[%multiple_of3A_64, %dma_start3A_179] : memref<10112x128xf32, #tpu.memory_space<vmem_shared>> -> memref<32x128xf32, #tpu.memory_space<vmem_shared>>
      tpu.enqueue_dma source(%arg11 : memref<32x128xf32, #tpu.memory_space<vmem>>) target(%dma_start3A_180 : memref<32x128xf32, #tpu.memory_space<vmem_shared>>) target_semaphore(%run_scoped3A : memref<!tpu.dma_semaphore, #tpu.memory_space<semaphore_mem>>)
      %dma_wait3A_181 = arith.constant 0 : i32
      %dma_wait3A_182 = tpu.memref_slice %arg14[%multiple_of3A_64, %dma_wait3A_181] : memref<10112x128xf32, #tpu.memory_space<vmem_shared>> -> memref<32x128xf32, #tpu.memory_space<vmem_shared>>
      %dma_wait3A_183 = arith.constant 0 : i32
      %dma_wait3A_184 = tpu.memref_slice %arg14[%multiple_of3A_64, %dma_wait3A_183] : memref<10112x128xf32, #tpu.memory_space<vmem_shared>> -> memref<32x128xf32, #tpu.memory_space<vmem_shared>>
      tpu.wait_dma2 semaphore(%run_scoped3A : memref<!tpu.dma_semaphore, #tpu.memory_space<semaphore_mem>>) src(%arg11 : memref<32x128xf32, #tpu.memory_space<vmem>>) dst(%dma_wait3A_184 : memref<32x128xf32, #tpu.memory_space<vmem_shared>>)
      tpu.yield
    }) : () -> ()
    %mul3A_65 = arith.constant 632 : i32
    %mul3A_66 = arith.muli %arg1, %mul3A_65 : i32
    %add3A_67 = arith.constant 352 : i32
    %add3A_68 = arith.addi %mul3A_66, %add3A_67 : i32
    %multiple_of3A_69 = tpu.assume_multiple %add3A_68, 8 : i32
    "tpu.region"() ({
      %run_scoped3A = tpu.sem_alloc : memref<!tpu.dma_semaphore, #tpu.memory_space<semaphore_mem>>
      %dma_start3A_177 = arith.constant 0 : i32
      %dma_start3A_178 = tpu.memref_slice %arg14[%multiple_of3A_69, %dma_start3A_177] : memref<10112x128xf32, #tpu.memory_space<vmem_shared>> -> memref<32x128xf32, #tpu.memory_space<vmem_shared>>
      %dma_start3A_179 = arith.constant 0 : i32
      %dma_start3A_180 = tpu.memref_slice %arg14[%multiple_of3A_69, %dma_start3A_179] : memref<10112x128xf32, #tpu.memory_space<vmem_shared>> -> memref<32x128xf32, #tpu.memory_space<vmem_shared>>
      tpu.enqueue_dma source(%arg11 : memref<32x128xf32, #tpu.memory_space<vmem>>) target(%dma_start3A_180 : memref<32x128xf32, #tpu.memory_space<vmem_shared>>) target_semaphore(%run_scoped3A : memref<!tpu.dma_semaphore, #tpu.memory_space<semaphore_mem>>)
      %dma_wait3A_181 = arith.constant 0 : i32
      %dma_wait3A_182 = tpu.memref_slice %arg14[%multiple_of3A_69, %dma_wait3A_181] : memref<10112x128xf32, #tpu.memory_space<vmem_shared>> -> memref<32x128xf32, #tpu.memory_space<vmem_shared>>
      %dma_wait3A_183 = arith.constant 0 : i32
      %dma_wait3A_184 = tpu.memref_slice %arg14[%multiple_of3A_69, %dma_wait3A_183] : memref<10112x128xf32, #tpu.memory_space<vmem_shared>> -> memref<32x128xf32, #tpu.memory_space<vmem_shared>>
      tpu.wait_dma2 semaphore(%run_scoped3A : memref<!tpu.dma_semaphore, #tpu.memory_space<semaphore_mem>>) src(%arg11 : memref<32x128xf32, #tpu.memory_space<vmem>>) dst(%dma_wait3A_184 : memref<32x128xf32, #tpu.memory_space<vmem_shared>>)
      tpu.yield
    }) : () -> ()
    %mul3A_70 = arith.constant 632 : i32
    %mul3A_71 = arith.muli %arg1, %mul3A_70 : i32
    %add3A_72 = arith.constant 384 : i32
    %add3A_73 = arith.addi %mul3A_71, %add3A_72 : i32
    %multiple_of3A_74 = tpu.assume_multiple %add3A_73, 8 : i32
    "tpu.region"() ({
      %run_scoped3A = tpu.sem_alloc : memref<!tpu.dma_semaphore, #tpu.memory_space<semaphore_mem>>
      %dma_start3A_177 = arith.constant 0 : i32
      %dma_start3A_178 = tpu.memref_slice %arg14[%multiple_of3A_74, %dma_start3A_177] : memref<10112x128xf32, #tpu.memory_space<vmem_shared>> -> memref<32x128xf32, #tpu.memory_space<vmem_shared>>
      %dma_start3A_179 = arith.constant 0 : i32
      %dma_start3A_180 = tpu.memref_slice %arg14[%multiple_of3A_74, %dma_start3A_179] : memref<10112x128xf32, #tpu.memory_space<vmem_shared>> -> memref<32x128xf32, #tpu.memory_space<vmem_shared>>
      tpu.enqueue_dma source(%arg11 : memref<32x128xf32, #tpu.memory_space<vmem>>) target(%dma_start3A_180 : memref<32x128xf32, #tpu.memory_space<vmem_shared>>) target_semaphore(%run_scoped3A : memref<!tpu.dma_semaphore, #tpu.memory_space<semaphore_mem>>)
      %dma_wait3A_181 = arith.constant 0 : i32
      %dma_wait3A_182 = tpu.memref_slice %arg14[%multiple_of3A_74, %dma_wait3A_181] : memref<10112x128xf32, #tpu.memory_space<vmem_shared>> -> memref<32x128xf32, #tpu.memory_space<vmem_shared>>
      %dma_wait3A_183 = arith.constant 0 : i32
      %dma_wait3A_184 = tpu.memref_slice %arg14[%multiple_of3A_74, %dma_wait3A_183] : memref<10112x128xf32, #tpu.memory_space<vmem_shared>> -> memref<32x128xf32, #tpu.memory_space<vmem_shared>>
      tpu.wait_dma2 semaphore(%run_scoped3A : memref<!tpu.dma_semaphore, #tpu.memory_space<semaphore_mem>>) src(%arg11 : memref<32x128xf32, #tpu.memory_space<vmem>>) dst(%dma_wait3A_184 : memref<32x128xf32, #tpu.memory_space<vmem_shared>>)
      tpu.yield
    }) : () -> ()
    %mul3A_75 = arith.constant 632 : i32
    %mul3A_76 = arith.muli %arg1, %mul3A_75 : i32
    %add3A_77 = arith.constant 416 : i32
    %add3A_78 = arith.addi %mul3A_76, %add3A_77 : i32
    %multiple_of3A_79 = tpu.assume_multiple %add3A_78, 8 : i32
    "tpu.region"() ({
      %run_scoped3A = tpu.sem_alloc : memref<!tpu.dma_semaphore, #tpu.memory_space<semaphore_mem>>
      %dma_start3A_177 = arith.constant 0 : i32
      %dma_start3A_178 = tpu.memref_slice %arg14[%multiple_of3A_79, %dma_start3A_177] : memref<10112x128xf32, #tpu.memory_space<vmem_shared>> -> memref<32x128xf32, #tpu.memory_space<vmem_shared>>
      %dma_start3A_179 = arith.constant 0 : i32
      %dma_start3A_180 = tpu.memref_slice %arg14[%multiple_of3A_79, %dma_start3A_179] : memref<10112x128xf32, #tpu.memory_space<vmem_shared>> -> memref<32x128xf32, #tpu.memory_space<vmem_shared>>
      tpu.enqueue_dma source(%arg11 : memref<32x128xf32, #tpu.memory_space<vmem>>) target(%dma_start3A_180 : memref<32x128xf32, #tpu.memory_space<vmem_shared>>) target_semaphore(%run_scoped3A : memref<!tpu.dma_semaphore, #tpu.memory_space<semaphore_mem>>)
      %dma_wait3A_181 = arith.constant 0 : i32
      %dma_wait3A_182 = tpu.memref_slice %arg14[%multiple_of3A_79, %dma_wait3A_181] : memref<10112x128xf32, #tpu.memory_space<vmem_shared>> -> memref<32x128xf32, #tpu.memory_space<vmem_shared>>
      %dma_wait3A_183 = arith.constant 0 : i32
      %dma_wait3A_184 = tpu.memref_slice %arg14[%multiple_of3A_79, %dma_wait3A_183] : memref<10112x128xf32, #tpu.memory_space<vmem_shared>> -> memref<32x128xf32, #tpu.memory_space<vmem_shared>>
      tpu.wait_dma2 semaphore(%run_scoped3A : memref<!tpu.dma_semaphore, #tpu.memory_space<semaphore_mem>>) src(%arg11 : memref<32x128xf32, #tpu.memory_space<vmem>>) dst(%dma_wait3A_184 : memref<32x128xf32, #tpu.memory_space<vmem_shared>>)
      tpu.yield
    }) : () -> ()
    %mul3A_80 = arith.constant 632 : i32
    %mul3A_81 = arith.muli %arg1, %mul3A_80 : i32
    %add3A_82 = arith.constant 448 : i32
    %add3A_83 = arith.addi %mul3A_81, %add3A_82 : i32
    %multiple_of3A_84 = tpu.assume_multiple %add3A_83, 8 : i32
    "tpu.region"() ({
      %run_scoped3A = tpu.sem_alloc : memref<!tpu.dma_semaphore, #tpu.memory_space<semaphore_mem>>
      %dma_start3A_177 = arith.constant 0 : i32
      %dma_start3A_178 = tpu.memref_slice %arg14[%multiple_of3A_84, %dma_start3A_177] : memref<10112x128xf32, #tpu.memory_space<vmem_shared>> -> memref<32x128xf32, #tpu.memory_space<vmem_shared>>
      %dma_start3A_179 = arith.constant 0 : i32
      %dma_start3A_180 = tpu.memref_slice %arg14[%multiple_of3A_84, %dma_start3A_179] : memref<10112x128xf32, #tpu.memory_space<vmem_shared>> -> memref<32x128xf32, #tpu.memory_space<vmem_shared>>
      tpu.enqueue_dma source(%arg11 : memref<32x128xf32, #tpu.memory_space<vmem>>) target(%dma_start3A_180 : memref<32x128xf32, #tpu.memory_space<vmem_shared>>) target_semaphore(%run_scoped3A : memref<!tpu.dma_semaphore, #tpu.memory_space<semaphore_mem>>)
      %dma_wait3A_181 = arith.constant 0 : i32
      %dma_wait3A_182 = tpu.memref_slice %arg14[%multiple_of3A_84, %dma_wait3A_181] : memref<10112x128xf32, #tpu.memory_space<vmem_shared>> -> memref<32x128xf32, #tpu.memory_space<vmem_shared>>
      %dma_wait3A_183 = arith.constant 0 : i32
      %dma_wait3A_184 = tpu.memref_slice %arg14[%multiple_of3A_84, %dma_wait3A_183] : memref<10112x128xf32, #tpu.memory_space<vmem_shared>> -> memref<32x128xf32, #tpu.memory_space<vmem_shared>>
      tpu.wait_dma2 semaphore(%run_scoped3A : memref<!tpu.dma_semaphore, #tpu.memory_space<semaphore_mem>>) src(%arg11 : memref<32x128xf32, #tpu.memory_space<vmem>>) dst(%dma_wait3A_184 : memref<32x128xf32, #tpu.memory_space<vmem_shared>>)
      tpu.yield
    }) : () -> ()
    %mul3A_85 = arith.constant 632 : i32
    %mul3A_86 = arith.muli %arg1, %mul3A_85 : i32
    %add3A_87 = arith.constant 480 : i32
    %add3A_88 = arith.addi %mul3A_86, %add3A_87 : i32
    %multiple_of3A_89 = tpu.assume_multiple %add3A_88, 8 : i32
    "tpu.region"() ({
      %run_scoped3A = tpu.sem_alloc : memref<!tpu.dma_semaphore, #tpu.memory_space<semaphore_mem>>
      %dma_start3A_177 = arith.constant 0 : i32
      %dma_start3A_178 = tpu.memref_slice %arg14[%multiple_of3A_89, %dma_start3A_177] : memref<10112x128xf32, #tpu.memory_space<vmem_shared>> -> memref<32x128xf32, #tpu.memory_space<vmem_shared>>
      %dma_start3A_179 = arith.constant 0 : i32
      %dma_start3A_180 = tpu.memref_slice %arg14[%multiple_of3A_89, %dma_start3A_179] : memref<10112x128xf32, #tpu.memory_space<vmem_shared>> -> memref<32x128xf32, #tpu.memory_space<vmem_shared>>
      tpu.enqueue_dma source(%arg11 : memref<32x128xf32, #tpu.memory_space<vmem>>) target(%dma_start3A_180 : memref<32x128xf32, #tpu.memory_space<vmem_shared>>) target_semaphore(%run_scoped3A : memref<!tpu.dma_semaphore, #tpu.memory_space<semaphore_mem>>)
      %dma_wait3A_181 = arith.constant 0 : i32
      %dma_wait3A_182 = tpu.memref_slice %arg14[%multiple_of3A_89, %dma_wait3A_181] : memref<10112x128xf32, #tpu.memory_space<vmem_shared>> -> memref<32x128xf32, #tpu.memory_space<vmem_shared>>
      %dma_wait3A_183 = arith.constant 0 : i32
      %dma_wait3A_184 = tpu.memref_slice %arg14[%multiple_of3A_89, %dma_wait3A_183] : memref<10112x128xf32, #tpu.memory_space<vmem_shared>> -> memref<32x128xf32, #tpu.memory_space<vmem_shared>>
      tpu.wait_dma2 semaphore(%run_scoped3A : memref<!tpu.dma_semaphore, #tpu.memory_space<semaphore_mem>>) src(%arg11 : memref<32x128xf32, #tpu.memory_space<vmem>>) dst(%dma_wait3A_184 : memref<32x128xf32, #tpu.memory_space<vmem_shared>>)
      tpu.yield
    }) : () -> ()
    %mul3A_90 = arith.constant 632 : i32
    %mul3A_91 = arith.muli %arg1, %mul3A_90 : i32
    %add3A_92 = arith.constant 512 : i32
    %add3A_93 = arith.addi %mul3A_91, %add3A_92 : i32
    %multiple_of3A_94 = tpu.assume_multiple %add3A_93, 8 : i32
    "tpu.region"() ({
      %run_scoped3A = tpu.sem_alloc : memref<!tpu.dma_semaphore, #tpu.memory_space<semaphore_mem>>
      %dma_start3A_177 = arith.constant 0 : i32
      %dma_start3A_178 = tpu.memref_slice %arg14[%multiple_of3A_94, %dma_start3A_177] : memref<10112x128xf32, #tpu.memory_space<vmem_shared>> -> memref<32x128xf32, #tpu.memory_space<vmem_shared>>
      %dma_start3A_179 = arith.constant 0 : i32
      %dma_start3A_180 = tpu.memref_slice %arg14[%multiple_of3A_94, %dma_start3A_179] : memref<10112x128xf32, #tpu.memory_space<vmem_shared>> -> memref<32x128xf32, #tpu.memory_space<vmem_shared>>
      tpu.enqueue_dma source(%arg11 : memref<32x128xf32, #tpu.memory_space<vmem>>) target(%dma_start3A_180 : memref<32x128xf32, #tpu.memory_space<vmem_shared>>) target_semaphore(%run_scoped3A : memref<!tpu.dma_semaphore, #tpu.memory_space<semaphore_mem>>)
      %dma_wait3A_181 = arith.constant 0 : i32
      %dma_wait3A_182 = tpu.memref_slice %arg14[%multiple_of3A_94, %dma_wait3A_181] : memref<10112x128xf32, #tpu.memory_space<vmem_shared>> -> memref<32x128xf32, #tpu.memory_space<vmem_shared>>
      %dma_wait3A_183 = arith.constant 0 : i32
      %dma_wait3A_184 = tpu.memref_slice %arg14[%multiple_of3A_94, %dma_wait3A_183] : memref<10112x128xf32, #tpu.memory_space<vmem_shared>> -> memref<32x128xf32, #tpu.memory_space<vmem_shared>>
      tpu.wait_dma2 semaphore(%run_scoped3A : memref<!tpu.dma_semaphore, #tpu.memory_space<semaphore_mem>>) src(%arg11 : memref<32x128xf32, #tpu.memory_space<vmem>>) dst(%dma_wait3A_184 : memref<32x128xf32, #tpu.memory_space<vmem_shared>>)
      tpu.yield
    }) : () -> ()
    %mul3A_95 = arith.constant 632 : i32
    %mul3A_96 = arith.muli %arg1, %mul3A_95 : i32
    %add3A_97 = arith.constant 544 : i32
    %add3A_98 = arith.addi %mul3A_96, %add3A_97 : i32
    %multiple_of3A_99 = tpu.assume_multiple %add3A_98, 8 : i32
    "tpu.region"() ({
      %run_scoped3A = tpu.sem_alloc : memref<!tpu.dma_semaphore, #tpu.memory_space<semaphore_mem>>
      %dma_start3A_177 = arith.constant 0 : i32
      %dma_start3A_178 = tpu.memref_slice %arg14[%multiple_of3A_99, %dma_start3A_177] : memref<10112x128xf32, #tpu.memory_space<vmem_shared>> -> memref<32x128xf32, #tpu.memory_space<vmem_shared>>
      %dma_start3A_179 = arith.constant 0 : i32
      %dma_start3A_180 = tpu.memref_slice %arg14[%multiple_of3A_99, %dma_start3A_179] : memref<10112x128xf32, #tpu.memory_space<vmem_shared>> -> memref<32x128xf32, #tpu.memory_space<vmem_shared>>
      tpu.enqueue_dma source(%arg11 : memref<32x128xf32, #tpu.memory_space<vmem>>) target(%dma_start3A_180 : memref<32x128xf32, #tpu.memory_space<vmem_shared>>) target_semaphore(%run_scoped3A : memref<!tpu.dma_semaphore, #tpu.memory_space<semaphore_mem>>)
      %dma_wait3A_181 = arith.constant 0 : i32
      %dma_wait3A_182 = tpu.memref_slice %arg14[%multiple_of3A_99, %dma_wait3A_181] : memref<10112x128xf32, #tpu.memory_space<vmem_shared>> -> memref<32x128xf32, #tpu.memory_space<vmem_shared>>
      %dma_wait3A_183 = arith.constant 0 : i32
      %dma_wait3A_184 = tpu.memref_slice %arg14[%multiple_of3A_99, %dma_wait3A_183] : memref<10112x128xf32, #tpu.memory_space<vmem_shared>> -> memref<32x128xf32, #tpu.memory_space<vmem_shared>>
      tpu.wait_dma2 semaphore(%run_scoped3A : memref<!tpu.dma_semaphore, #tpu.memory_space<semaphore_mem>>) src(%arg11 : memref<32x128xf32, #tpu.memory_space<vmem>>) dst(%dma_wait3A_184 : memref<32x128xf32, #tpu.memory_space<vmem_shared>>)
      tpu.yield
    }) : () -> ()
    %mul3A_100 = arith.constant 632 : i32
    %mul3A_101 = arith.muli %arg1, %mul3A_100 : i32
    %add3A_102 = arith.constant 576 : i32
    %add3A_103 = arith.addi %mul3A_101, %add3A_102 : i32
    %multiple_of3A_104 = tpu.assume_multiple %add3A_103, 8 : i32
    "tpu.region"() ({
      %run_scoped3A = tpu.sem_alloc : memref<!tpu.dma_semaphore, #tpu.memory_space<semaphore_mem>>
      %dma_start3A_177 = arith.constant 0 : i32
      %dma_start3A_178 = tpu.memref_slice %arg14[%multiple_of3A_104, %dma_start3A_177] : memref<10112x128xf32, #tpu.memory_space<vmem_shared>> -> memref<32x128xf32, #tpu.memory_space<vmem_shared>>
      %dma_start3A_179 = arith.constant 0 : i32
      %dma_start3A_180 = tpu.memref_slice %arg14[%multiple_of3A_104, %dma_start3A_179] : memref<10112x128xf32, #tpu.memory_space<vmem_shared>> -> memref<32x128xf32, #tpu.memory_space<vmem_shared>>
      tpu.enqueue_dma source(%arg11 : memref<32x128xf32, #tpu.memory_space<vmem>>) target(%dma_start3A_180 : memref<32x128xf32, #tpu.memory_space<vmem_shared>>) target_semaphore(%run_scoped3A : memref<!tpu.dma_semaphore, #tpu.memory_space<semaphore_mem>>)
      %dma_wait3A_181 = arith.constant 0 : i32
      %dma_wait3A_182 = tpu.memref_slice %arg14[%multiple_of3A_104, %dma_wait3A_181] : memref<10112x128xf32, #tpu.memory_space<vmem_shared>> -> memref<32x128xf32, #tpu.memory_space<vmem_shared>>
      %dma_wait3A_183 = arith.constant 0 : i32
      %dma_wait3A_184 = tpu.memref_slice %arg14[%multiple_of3A_104, %dma_wait3A_183] : memref<10112x128xf32, #tpu.memory_space<vmem_shared>> -> memref<32x128xf32, #tpu.memory_space<vmem_shared>>
      tpu.wait_dma2 semaphore(%run_scoped3A : memref<!tpu.dma_semaphore, #tpu.memory_space<semaphore_mem>>) src(%arg11 : memref<32x128xf32, #tpu.memory_space<vmem>>) dst(%dma_wait3A_184 : memref<32x128xf32, #tpu.memory_space<vmem_shared>>)
      tpu.yield
    }) : () -> ()
    %mul3A_105 = arith.constant 632 : i32
    %mul3A_106 = arith.muli %arg1, %mul3A_105 : i32
    %add3A_107 = arith.constant 600 : i32
    %add3A_108 = arith.addi %mul3A_106, %add3A_107 : i32
    %multiple_of3A_109 = tpu.assume_multiple %add3A_108, 8 : i32
    "tpu.region"() ({
      %run_scoped3A = tpu.sem_alloc : memref<!tpu.dma_semaphore, #tpu.memory_space<semaphore_mem>>
      %dma_start3A_177 = arith.constant 0 : i32
      %dma_start3A_178 = tpu.memref_slice %arg14[%multiple_of3A_109, %dma_start3A_177] : memref<10112x128xf32, #tpu.memory_space<vmem_shared>> -> memref<32x128xf32, #tpu.memory_space<vmem_shared>>
      %dma_start3A_179 = arith.constant 0 : i32
      %dma_start3A_180 = tpu.memref_slice %arg14[%multiple_of3A_109, %dma_start3A_179] : memref<10112x128xf32, #tpu.memory_space<vmem_shared>> -> memref<32x128xf32, #tpu.memory_space<vmem_shared>>
      tpu.enqueue_dma source(%arg11 : memref<32x128xf32, #tpu.memory_space<vmem>>) target(%dma_start3A_180 : memref<32x128xf32, #tpu.memory_space<vmem_shared>>) target_semaphore(%run_scoped3A : memref<!tpu.dma_semaphore, #tpu.memory_space<semaphore_mem>>)
      %dma_wait3A_181 = arith.constant 0 : i32
      %dma_wait3A_182 = tpu.memref_slice %arg14[%multiple_of3A_109, %dma_wait3A_181] : memref<10112x128xf32, #tpu.memory_space<vmem_shared>> -> memref<32x128xf32, #tpu.memory_space<vmem_shared>>
      %dma_wait3A_183 = arith.constant 0 : i32
      %dma_wait3A_184 = tpu.memref_slice %arg14[%multiple_of3A_109, %dma_wait3A_183] : memref<10112x128xf32, #tpu.memory_space<vmem_shared>> -> memref<32x128xf32, #tpu.memory_space<vmem_shared>>
      tpu.wait_dma2 semaphore(%run_scoped3A : memref<!tpu.dma_semaphore, #tpu.memory_space<semaphore_mem>>) src(%arg11 : memref<32x128xf32, #tpu.memory_space<vmem>>) dst(%dma_wait3A_184 : memref<32x128xf32, #tpu.memory_space<vmem_shared>>)
      tpu.yield
    }) : () -> ()
    %barrier3A = arith.constant 0 : index
    tpu.barrier barrier_id(%barrier3A)
    %mul3A_110 = arith.constant 176128 : i32
    %mul3A_111 = arith.muli %arg0, %mul3A_110 : i32
    %mul3A_112 = arith.constant 11008 : i32
    %mul3A_113 = arith.muli %arg1, %mul3A_112 : i32
    %add3A_114 = arith.addi %mul3A_111, %mul3A_113 : i32
    %add3A_115 = arith.constant 0 : i32
    %add3A_116 = arith.addi %add3A_114, %add3A_115 : i32
    %multiple_of3A_117 = tpu.assume_multiple %add3A_116, 8 : i32
    "tpu.region"() ({
      %run_scoped3A = tpu.sem_alloc : memref<!tpu.dma_semaphore, #tpu.memory_space<semaphore_mem>>
      %dma_start3A_177 = tpu.memref_slice %arg3[%multiple_of3A_117] : memref<352256xi32, #tpu.memory_space<hbm>> -> memref<32xi32, #tpu.memory_space<hbm>>
      %dma_start3A_178 = tpu.memref_slice %arg3[%multiple_of3A_117] : memref<352256xi32, #tpu.memory_space<hbm>> -> memref<32xi32, #tpu.memory_space<hbm>>
      tpu.enqueue_dma source(%dma_start3A_178 : memref<32xi32, #tpu.memory_space<hbm>>) target(%arg5 : memref<32xi32, #tpu.memory_space<vmem>>) target_semaphore(%run_scoped3A : memref<!tpu.dma_semaphore, #tpu.memory_space<semaphore_mem>>)
      %dma_wait3A_179 = tpu.memref_slice %arg3[%multiple_of3A_117] : memref<352256xi32, #tpu.memory_space<hbm>> -> memref<32xi32, #tpu.memory_space<hbm>>
      %dma_wait3A_180 = tpu.memref_slice %arg3[%multiple_of3A_117] : memref<352256xi32, #tpu.memory_space<hbm>> -> memref<32xi32, #tpu.memory_space<hbm>>
      tpu.wait_dma2 semaphore(%run_scoped3A : memref<!tpu.dma_semaphore, #tpu.memory_space<semaphore_mem>>) src(%dma_wait3A_180 : memref<32xi32, #tpu.memory_space<hbm>>) dst(%arg5 : memref<32xi32, #tpu.memory_space<vmem>>)
      tpu.yield
    }) : () -> ()
    %get3A = arith.constant 0 : index
    %get3A_118 = tpu.vector_load %arg5[%get3A] {strides = array<i32>} : memref<32xi32, #tpu.memory_space<vmem>>, vector<16xi32>,
    %get3A_119 = vector.shape_cast %get3A_118 : vector<16xi32> to vector<16xi32>
    %and3A = arith.constant 8191 : i32
    %and3A_120 = vector.broadcast %and3A : i32 to vector<16xi32>
    %and3A_121 = arith.andi %get3A_119, %and3A_120 : vector<16xi32>
    %swap3A = arith.constant 0 : index
    %swap3A_122 = tpu.vector_load %arg7[%swap3A] {strides = array<i32>} : memref<32xi32, #tpu.memory_space<vmem>>, vector<16xi32>,
    %swap3A_123 = vector.shape_cast %swap3A_122 : vector<16xi32> to vector<16xi32>
    %swap3A_124 = vector.shape_cast %and3A_121 : vector<16xi32> to vector<16xi32>
    tpu.vector_store %arg7[%swap3A], %swap3A_124 {strides = array<i32>} : memref<32xi32, #tpu.memory_space<vmem>>, vector<16xi32>,
    %shift_right_logical3A = arith.constant 13 : i32
    %shift_right_logical3A_125 = vector.broadcast %shift_right_logical3A : i32 to vector<16xi32>
    %shift_right_logical3A_126 = arith.shrui %get3A_119, %shift_right_logical3A_125 : vector<16xi32>
    %swap3A_127 = arith.constant 0 : index
    %swap3A_128 = tpu.vector_load %arg9[%swap3A_127] {strides = array<i32>} : memref<32xi32, #tpu.memory_space<vmem>>, vector<16xi32>,
    %swap3A_129 = vector.shape_cast %swap3A_128 : vector<16xi32> to vector<16xi32>
    %swap3A_130 = vector.shape_cast %shift_right_logical3A_126 : vector<16xi32> to vector<16xi32>
    tpu.vector_store %arg9[%swap3A_127], %swap3A_130 {strides = array<i32>} : memref<32xi32, #tpu.memory_space<vmem>>, vector<16xi32>,
    %get3A_131 = arith.constant 16 : index
    %get3A_132 = tpu.vector_load %arg5[%get3A_131] {strides = array<i32>} : memref<32xi32, #tpu.memory_space<vmem>>, vector<16xi32>,
    %get3A_133 = vector.shape_cast %get3A_132 : vector<16xi32> to vector<16xi32>
    %and3A_134 = arith.constant 8191 : i32
    %and3A_135 = vector.broadcast %and3A_134 : i32 to vector<16xi32>
    %and3A_136 = arith.andi %get3A_133, %and3A_135 : vector<16xi32>
    %swap3A_137 = arith.constant 16 : index
    %swap3A_138 = tpu.vector_load %arg7[%swap3A_137] {strides = array<i32>} : memref<32xi32, #tpu.memory_space<vmem>>, vector<16xi32>,
    %swap3A_139 = vector.shape_cast %swap3A_138 : vector<16xi32> to vector<16xi32>
    %swap3A_140 = vector.shape_cast %and3A_136 : vector<16xi32> to vector<16xi32>
    tpu.vector_store %arg7[%swap3A_137], %swap3A_140 {strides = array<i32>} : memref<32xi32, #tpu.memory_space<vmem>>, vector<16xi32>,
    %shift_right_logical3A_141 = arith.constant 13 : i32
    %shift_right_logical3A_142 = vector.broadcast %shift_right_logical3A_141 : i32 to vector<16xi32>
    %shift_right_logical3A_143 = arith.shrui %get3A_133, %shift_right_logical3A_142 : vector<16xi32>
    %swap3A_144 = arith.constant 16 : index
    %swap3A_145 = tpu.vector_load %arg9[%swap3A_144] {strides = array<i32>} : memref<32xi32, #tpu.memory_space<vmem>>, vector<16xi32>,
    %swap3A_146 = vector.shape_cast %swap3A_145 : vector<16xi32> to vector<16xi32>
    %swap3A_147 = vector.shape_cast %shift_right_logical3A_143 : vector<16xi32> to vector<16xi32>
    tpu.vector_store %arg9[%swap3A_144], %swap3A_147 {strides = array<i32>} : memref<32xi32, #tpu.memory_space<vmem>>, vector<16xi32>,
    %dma_start3A = arith.constant 0 : i32
    %dma_start3A_148 = arith.constant 0 : i32
    %dma_start3A_149 = tpu.memref_slice %arg13[%dma_start3A, %dma_start3A_148] : memref<5120x128xf32, #tpu.memory_space<vmem_shared>> -> memref<5120x128xf32, #tpu.memory_space<vmem_shared>>
    tpu.enqueue_indirect_dma source(%dma_start3A_149 : memref<5120x128xf32, #tpu.memory_space<vmem_shared>>) target(%arg11 : memref<32x128xf32, #tpu.memory_space<vmem>>) offsets(%arg7 : memref<32xi32, #tpu.memory_space<vmem>>) semaphore(%arg17 : memref<!tpu.dma_semaphore, #tpu.memory_space<semaphore_mem>>)
    %mul3A_150 = arith.constant 176128 : i32
    %mul3A_151 = arith.muli %arg0, %mul3A_150 : i32
    %mul3A_152 = arith.constant 11008 : i32
    %mul3A_153 = arith.muli %arg1, %mul3A_152 : i32
    %add3A_154 = arith.addi %mul3A_151, %mul3A_153 : i32
    %add3A_155 = arith.constant 32 : i32
    %add3A_156 = arith.addi %add3A_154, %add3A_155 : i32
    %multiple_of3A_157 = tpu.assume_multiple %add3A_156, 8 : i32
    %dma_start3A_158 = tpu.memref_slice %arg3[%multiple_of3A_157] : memref<352256xi32, #tpu.memory_space<hbm>> -> memref<32xi32, #tpu.memory_space<hbm>>
    %dma_start3A_159 = tpu.memref_slice %arg3[%multiple_of3A_157] : memref<352256xi32, #tpu.memory_space<hbm>> -> memref<32xi32, #tpu.memory_space<hbm>>
    tpu.enqueue_dma source(%dma_start3A_159 : memref<32xi32, #tpu.memory_space<hbm>>) target(%arg6 : memref<32xi32, #tpu.memory_space<vmem>>) target_semaphore(%arg16 : memref<!tpu.dma_semaphore, #tpu.memory_space<semaphore_mem>>)
    %scan3A_160 = arith.constant 0 : i32
    %scan3A_161 = arith.constant 172 : i32
    %scan3A_162 = arith.addi %scan3A_160, %scan3A_161 : i32
    %scan3A_163 = arith.constant 1 : i32
    scf.for %scan3A_177 = %scan3A_160 to %scan3A_162 step %scan3A_163  : i32 {
      %mul3A_178 = arith.constant 2 : i32
      %mul3A_179 = arith.muli %mul3A_178, %scan3A_177 : i32
      %add3A_180 = arith.constant 1 : i32
      %add3A_181 = arith.addi %mul3A_179, %add3A_180 : i32
      %lt3A = arith.constant 344 : i32
      %lt3A_182 = arith.cmpi slt, %add3A_181, %lt3A : i32
      %convert_element_type3A = arith.extui %lt3A_182 : i1 to i32
      %cond3A = arith.constant 0 : i32
      %cond3A_183 = arith.cmpi ne, %convert_element_type3A, %cond3A : i32
      scf.if %cond3A_183 {
        %mul3A_221 = arith.constant 176128 : i32
        %mul3A_222 = arith.muli %arg0, %mul3A_221 : i32
        %mul3A_223 = arith.constant 11008 : i32
        %mul3A_224 = arith.muli %arg1, %mul3A_223 : i32
        %add3A_225 = arith.addi %mul3A_222, %mul3A_224 : i32
        %mul3A_226 = arith.constant 32 : i32
        %mul3A_227 = arith.muli %mul3A_179, %mul3A_226 : i32
        %add3A_228 = arith.addi %add3A_225, %mul3A_227 : i32
        %multiple_of3A_229 = tpu.assume_multiple %add3A_228, 8 : i32
        %dma_wait3A_230 = tpu.memref_slice %arg3[%multiple_of3A_229] : memref<352256xi32, #tpu.memory_space<hbm>> -> memref<32xi32, #tpu.memory_space<hbm>>
        %dma_wait3A_231 = tpu.memref_slice %arg3[%multiple_of3A_229] : memref<352256xi32, #tpu.memory_space<hbm>> -> memref<32xi32, #tpu.memory_space<hbm>>
        tpu.wait_dma2 semaphore(%arg16 : memref<!tpu.dma_semaphore, #tpu.memory_space<semaphore_mem>>) src(%dma_wait3A_231 : memref<32xi32, #tpu.memory_space<hbm>>) dst(%arg6 : memref<32xi32, #tpu.memory_space<vmem>>)
        %ge3A = arith.constant 1 : i32
        %ge3A_232 = arith.cmpi sge, %mul3A_179, %ge3A : i32
        %convert_element_type3A_233 = arith.extui %ge3A_232 : i1 to i32
        %cond3A_234 = arith.constant 0 : i32
        %cond3A_235 = arith.cmpi ne, %convert_element_type3A_233, %cond3A_234 : i32
        scf.if %cond3A_235 {
          %dma_wait3A_273 = arith.constant 0 : i32
          %dma_wait3A_274 = arith.constant 0 : i32
          %dma_wait3A_275 = tpu.memref_slice %arg14[%dma_wait3A_273, %dma_wait3A_274] : memref<10112x128xf32, #tpu.memory_space<vmem_shared>> -> memref<10112x128xf32, #tpu.memory_space<vmem_shared>>
          tpu.wait_indirect_dma semaphore(%arg20 : memref<!tpu.dma_semaphore, #tpu.memory_space<semaphore_mem>>) src(%arg12 : memref<32x128xf32, #tpu.memory_space<vmem>>) dst(%dma_wait3A_275 : memref<10112x128xf32, #tpu.memory_space<vmem_shared>>)
        } else {
        }
        %get3A_236 = arith.constant 0 : index
        %get3A_237 = tpu.vector_load %arg6[%get3A_236] {strides = array<i32>} : memref<32xi32, #tpu.memory_space<vmem>>, vector<16xi32>,
        %get3A_238 = vector.shape_cast %get3A_237 : vector<16xi32> to vector<16xi32>
        %and3A_239 = arith.constant 8191 : i32
        %and3A_240 = vector.broadcast %and3A_239 : i32 to vector<16xi32>
        %and3A_241 = arith.andi %get3A_238, %and3A_240 : vector<16xi32>
        %swap3A_242 = arith.constant 0 : index
        %swap3A_243 = tpu.vector_load %arg8[%swap3A_242] {strides = array<i32>} : memref<32xi32, #tpu.memory_space<vmem>>, vector<16xi32>,
        %swap3A_244 = vector.shape_cast %swap3A_243 : vector<16xi32> to vector<16xi32>
        %swap3A_245 = vector.shape_cast %and3A_241 : vector<16xi32> to vector<16xi32>
        tpu.vector_store %arg8[%swap3A_242], %swap3A_245 {strides = array<i32>} : memref<32xi32, #tpu.memory_space<vmem>>, vector<16xi32>,
        %shift_right_logical3A_246 = arith.constant 13 : i32
        %shift_right_logical3A_247 = vector.broadcast %shift_right_logical3A_246 : i32 to vector<16xi32>
        %shift_right_logical3A_248 = arith.shrui %get3A_238, %shift_right_logical3A_247 : vector<16xi32>
        %swap3A_249 = arith.constant 0 : index
        %swap3A_250 = tpu.vector_load %arg10[%swap3A_249] {strides = array<i32>} : memref<32xi32, #tpu.memory_space<vmem>>, vector<16xi32>,
        %swap3A_251 = vector.shape_cast %swap3A_250 : vector<16xi32> to vector<16xi32>
        %swap3A_252 = vector.shape_cast %shift_right_logical3A_248 : vector<16xi32> to vector<16xi32>
        tpu.vector_store %arg10[%swap3A_249], %swap3A_252 {strides = array<i32>} : memref<32xi32, #tpu.memory_space<vmem>>, vector<16xi32>,
        %get3A_253 = arith.constant 16 : index
        %get3A_254 = tpu.vector_load %arg6[%get3A_253] {strides = array<i32>} : memref<32xi32, #tpu.memory_space<vmem>>, vector<16xi32>,
        %get3A_255 = vector.shape_cast %get3A_254 : vector<16xi32> to vector<16xi32>
        %and3A_256 = arith.constant 8191 : i32
        %and3A_257 = vector.broadcast %and3A_256 : i32 to vector<16xi32>
        %and3A_258 = arith.andi %get3A_255, %and3A_257 : vector<16xi32>
        %swap3A_259 = arith.constant 16 : index
        %swap3A_260 = tpu.vector_load %arg8[%swap3A_259] {strides = array<i32>} : memref<32xi32, #tpu.memory_space<vmem>>, vector<16xi32>,
        %swap3A_261 = vector.shape_cast %swap3A_260 : vector<16xi32> to vector<16xi32>
        %swap3A_262 = vector.shape_cast %and3A_258 : vector<16xi32> to vector<16xi32>
        tpu.vector_store %arg8[%swap3A_259], %swap3A_262 {strides = array<i32>} : memref<32xi32, #tpu.memory_space<vmem>>, vector<16xi32>,
        %shift_right_logical3A_263 = arith.constant 13 : i32
        %shift_right_logical3A_264 = vector.broadcast %shift_right_logical3A_263 : i32 to vector<16xi32>
        %shift_right_logical3A_265 = arith.shrui %get3A_255, %shift_right_logical3A_264 : vector<16xi32>
        %swap3A_266 = arith.constant 16 : index
        %swap3A_267 = tpu.vector_load %arg10[%swap3A_266] {strides = array<i32>} : memref<32xi32, #tpu.memory_space<vmem>>, vector<16xi32>,
        %swap3A_268 = vector.shape_cast %swap3A_267 : vector<16xi32> to vector<16xi32>
        %swap3A_269 = vector.shape_cast %shift_right_logical3A_265 : vector<16xi32> to vector<16xi32>
        tpu.vector_store %arg10[%swap3A_266], %swap3A_269 {strides = array<i32>} : memref<32xi32, #tpu.memory_space<vmem>>, vector<16xi32>,
        %dma_start3A_270 = arith.constant 0 : i32
        %dma_start3A_271 = arith.constant 0 : i32
        %dma_start3A_272 = tpu.memref_slice %arg13[%dma_start3A_270, %dma_start3A_271] : memref<5120x128xf32, #tpu.memory_space<vmem_shared>> -> memref<5120x128xf32, #tpu.memory_space<vmem_shared>>
        tpu.enqueue_indirect_dma source(%dma_start3A_272 : memref<5120x128xf32, #tpu.memory_space<vmem_shared>>) target(%arg12 : memref<32x128xf32, #tpu.memory_space<vmem>>) offsets(%arg8 : memref<32xi32, #tpu.memory_space<vmem>>) semaphore(%arg18 : memref<!tpu.dma_semaphore, #tpu.memory_space<semaphore_mem>>)
      } else {
      }
      %dma_wait3A_184 = arith.constant 0 : i32
      %dma_wait3A_185 = arith.constant 0 : i32
      %dma_wait3A_186 = tpu.memref_slice %arg13[%dma_wait3A_184, %dma_wait3A_185] : memref<5120x128xf32, #tpu.memory_space<vmem_shared>> -> memref<5120x128xf32, #tpu.memory_space<vmem_shared>>
      tpu.wait_indirect_dma semaphore(%arg17 : memref<!tpu.dma_semaphore, #tpu.memory_space<semaphore_mem>>) src(%dma_wait3A_186 : memref<5120x128xf32, #tpu.memory_space<vmem_shared>>) dst(%arg11 : memref<32x128xf32, #tpu.memory_space<vmem>>)
      %dma_start3A_187 = arith.constant 0 : i32
      %dma_start3A_188 = arith.constant 0 : i32
      %dma_start3A_189 = tpu.memref_slice %arg14[%dma_start3A_187, %dma_start3A_188] : memref<10112x128xf32, #tpu.memory_space<vmem_shared>> -> memref<10112x128xf32, #tpu.memory_space<vmem_shared>>
      tpu.enqueue_indirect_dma source(%arg11 : memref<32x128xf32, #tpu.memory_space<vmem>>) target(%dma_start3A_189 : memref<10112x128xf32, #tpu.memory_space<vmem_shared>>) offsets(%arg9 : memref<32xi32, #tpu.memory_space<vmem>>) semaphore(%arg19 : memref<!tpu.dma_semaphore, #tpu.memory_space<semaphore_mem>>) {add = true}
      %add3A_190 = arith.constant 2 : i32
      %add3A_191 = arith.addi %mul3A_179, %add3A_190 : i32
      %lt3A_192 = arith.constant 344 : i32
      %lt3A_193 = arith.cmpi slt, %add3A_191, %lt3A_192 : i32
      %convert_element_type3A_194 = arith.extui %lt3A_193 : i1 to i32
      %cond3A_195 = arith.constant 0 : i32
      %cond3A_196 = arith.cmpi ne, %convert_element_type3A_194, %cond3A_195 : i32
      scf.if %cond3A_196 {
        %add3A_221 = arith.constant 2 : i32
        %add3A_222 = arith.addi %mul3A_179, %add3A_221 : i32
        %mul3A_223 = arith.constant 176128 : i32
        %mul3A_224 = arith.muli %arg0, %mul3A_223 : i32
        %mul3A_225 = arith.constant 11008 : i32
        %mul3A_226 = arith.muli %arg1, %mul3A_225 : i32
        %add3A_227 = arith.addi %mul3A_224, %mul3A_226 : i32
        %mul3A_228 = arith.constant 32 : i32
        %mul3A_229 = arith.muli %add3A_222, %mul3A_228 : i32
        %add3A_230 = arith.addi %add3A_227, %mul3A_229 : i32
        %multiple_of3A_231 = tpu.assume_multiple %add3A_230, 8 : i32
        %dma_start3A_232 = tpu.memref_slice %arg3[%multiple_of3A_231] : memref<352256xi32, #tpu.memory_space<hbm>> -> memref<32xi32, #tpu.memory_space<hbm>>
        %dma_start3A_233 = tpu.memref_slice %arg3[%multiple_of3A_231] : memref<352256xi32, #tpu.memory_space<hbm>> -> memref<32xi32, #tpu.memory_space<hbm>>
        tpu.enqueue_dma source(%dma_start3A_233 : memref<32xi32, #tpu.memory_space<hbm>>) target(%arg5 : memref<32xi32, #tpu.memory_space<vmem>>) target_semaphore(%arg15 : memref<!tpu.dma_semaphore, #tpu.memory_space<semaphore_mem>>)
      } else {
      }
      %mul3A_197 = arith.constant 2 : i32
      %mul3A_198 = arith.muli %mul3A_197, %scan3A_177 : i32
      %add3A_199 = arith.constant 1 : i32
      %add3A_200 = arith.addi %mul3A_198, %add3A_199 : i32
      %add3A_201 = arith.constant 1 : i32
      %add3A_202 = arith.addi %add3A_200, %add3A_201 : i32
      %lt3A_203 = arith.constant 344 : i32
      %lt3A_204 = arith.cmpi slt, %add3A_202, %lt3A_203 : i32
      %convert_element_type3A_205 = arith.extui %lt3A_204 : i1 to i32
      %cond3A_206 = arith.constant 0 : i32
      %cond3A_207 = arith.cmpi ne, %convert_element_type3A_205, %cond3A_206 : i32
      scf.if %cond3A_207 {
        %mul3A_221 = arith.constant 176128 : i32
        %mul3A_222 = arith.muli %arg0, %mul3A_221 : i32
        %mul3A_223 = arith.constant 11008 : i32
        %mul3A_224 = arith.muli %arg1, %mul3A_223 : i32
        %add3A_225 = arith.addi %mul3A_222, %mul3A_224 : i32
        %mul3A_226 = arith.constant 32 : i32
        %mul3A_227 = arith.muli %add3A_200, %mul3A_226 : i32
        %add3A_228 = arith.addi %add3A_225, %mul3A_227 : i32
        %multiple_of3A_229 = tpu.assume_multiple %add3A_228, 8 : i32
        %dma_wait3A_230 = tpu.memref_slice %arg3[%multiple_of3A_229] : memref<352256xi32, #tpu.memory_space<hbm>> -> memref<32xi32, #tpu.memory_space<hbm>>
        %dma_wait3A_231 = tpu.memref_slice %arg3[%multiple_of3A_229] : memref<352256xi32, #tpu.memory_space<hbm>> -> memref<32xi32, #tpu.memory_space<hbm>>
        tpu.wait_dma2 semaphore(%arg15 : memref<!tpu.dma_semaphore, #tpu.memory_space<semaphore_mem>>) src(%dma_wait3A_231 : memref<32xi32, #tpu.memory_space<hbm>>) dst(%arg5 : memref<32xi32, #tpu.memory_space<vmem>>)
        %ge3A = arith.constant 1 : i32
        %ge3A_232 = arith.cmpi sge, %add3A_200, %ge3A : i32
        %convert_element_type3A_233 = arith.extui %ge3A_232 : i1 to i32
        %cond3A_234 = arith.constant 0 : i32
        %cond3A_235 = arith.cmpi ne, %convert_element_type3A_233, %cond3A_234 : i32
        scf.if %cond3A_235 {
          %dma_wait3A_273 = arith.constant 0 : i32
          %dma_wait3A_274 = arith.constant 0 : i32
          %dma_wait3A_275 = tpu.memref_slice %arg14[%dma_wait3A_273, %dma_wait3A_274] : memref<10112x128xf32, #tpu.memory_space<vmem_shared>> -> memref<10112x128xf32, #tpu.memory_space<vmem_shared>>
          tpu.wait_indirect_dma semaphore(%arg19 : memref<!tpu.dma_semaphore, #tpu.memory_space<semaphore_mem>>) src(%arg11 : memref<32x128xf32, #tpu.memory_space<vmem>>) dst(%dma_wait3A_275 : memref<10112x128xf32, #tpu.memory_space<vmem_shared>>)
        } else {
        }
        %get3A_236 = arith.constant 0 : index
        %get3A_237 = tpu.vector_load %arg5[%get3A_236] {strides = array<i32>} : memref<32xi32, #tpu.memory_space<vmem>>, vector<16xi32>,
        %get3A_238 = vector.shape_cast %get3A_237 : vector<16xi32> to vector<16xi32>
        %and3A_239 = arith.constant 8191 : i32
        %and3A_240 = vector.broadcast %and3A_239 : i32 to vector<16xi32>
        %and3A_241 = arith.andi %get3A_238, %and3A_240 : vector<16xi32>
        %swap3A_242 = arith.constant 0 : index
        %swap3A_243 = tpu.vector_load %arg7[%swap3A_242] {strides = array<i32>} : memref<32xi32, #tpu.memory_space<vmem>>, vector<16xi32>,
        %swap3A_244 = vector.shape_cast %swap3A_243 : vector<16xi32> to vector<16xi32>
        %swap3A_245 = vector.shape_cast %and3A_241 : vector<16xi32> to vector<16xi32>
        tpu.vector_store %arg7[%swap3A_242], %swap3A_245 {strides = array<i32>} : memref<32xi32, #tpu.memory_space<vmem>>, vector<16xi32>,
        %shift_right_logical3A_246 = arith.constant 13 : i32
        %shift_right_logical3A_247 = vector.broadcast %shift_right_logical3A_246 : i32 to vector<16xi32>
        %shift_right_logical3A_248 = arith.shrui %get3A_238, %shift_right_logical3A_247 : vector<16xi32>
        %swap3A_249 = arith.constant 0 : index
        %swap3A_250 = tpu.vector_load %arg9[%swap3A_249] {strides = array<i32>} : memref<32xi32, #tpu.memory_space<vmem>>, vector<16xi32>,
        %swap3A_251 = vector.shape_cast %swap3A_250 : vector<16xi32> to vector<16xi32>
        %swap3A_252 = vector.shape_cast %shift_right_logical3A_248 : vector<16xi32> to vector<16xi32>
        tpu.vector_store %arg9[%swap3A_249], %swap3A_252 {strides = array<i32>} : memref<32xi32, #tpu.memory_space<vmem>>, vector<16xi32>,
        %get3A_253 = arith.constant 16 : index
        %get3A_254 = tpu.vector_load %arg5[%get3A_253] {strides = array<i32>} : memref<32xi32, #tpu.memory_space<vmem>>, vector<16xi32>,
        %get3A_255 = vector.shape_cast %get3A_254 : vector<16xi32> to vector<16xi32>
        %and3A_256 = arith.constant 8191 : i32
        %and3A_257 = vector.broadcast %and3A_256 : i32 to vector<16xi32>
        %and3A_258 = arith.andi %get3A_255, %and3A_257 : vector<16xi32>
        %swap3A_259 = arith.constant 16 : index
        %swap3A_260 = tpu.vector_load %arg7[%swap3A_259] {strides = array<i32>} : memref<32xi32, #tpu.memory_space<vmem>>, vector<16xi32>,
        %swap3A_261 = vector.shape_cast %swap3A_260 : vector<16xi32> to vector<16xi32>
        %swap3A_262 = vector.shape_cast %and3A_258 : vector<16xi32> to vector<16xi32>
        tpu.vector_store %arg7[%swap3A_259], %swap3A_262 {strides = array<i32>} : memref<32xi32, #tpu.memory_space<vmem>>, vector<16xi32>,
        %shift_right_logical3A_263 = arith.constant 13 : i32
        %shift_right_logical3A_264 = vector.broadcast %shift_right_logical3A_263 : i32 to vector<16xi32>
        %shift_right_logical3A_265 = arith.shrui %get3A_255, %shift_right_logical3A_264 : vector<16xi32>
        %swap3A_266 = arith.constant 16 : index
        %swap3A_267 = tpu.vector_load %arg9[%swap3A_266] {strides = array<i32>} : memref<32xi32, #tpu.memory_space<vmem>>, vector<16xi32>,
        %swap3A_268 = vector.shape_cast %swap3A_267 : vector<16xi32> to vector<16xi32>
        %swap3A_269 = vector.shape_cast %shift_right_logical3A_265 : vector<16xi32> to vector<16xi32>
        tpu.vector_store %arg9[%swap3A_266], %swap3A_269 {strides = array<i32>} : memref<32xi32, #tpu.memory_space<vmem>>, vector<16xi32>,
        %dma_start3A_270 = arith.constant 0 : i32
        %dma_start3A_271 = arith.constant 0 : i32
        %dma_start3A_272 = tpu.memref_slice %arg13[%dma_start3A_270, %dma_start3A_271] : memref<5120x128xf32, #tpu.memory_space<vmem_shared>> -> memref<5120x128xf32, #tpu.memory_space<vmem_shared>>
        tpu.enqueue_indirect_dma source(%dma_start3A_272 : memref<5120x128xf32, #tpu.memory_space<vmem_shared>>) target(%arg11 : memref<32x128xf32, #tpu.memory_space<vmem>>) offsets(%arg7 : memref<32xi32, #tpu.memory_space<vmem>>) semaphore(%arg17 : memref<!tpu.dma_semaphore, #tpu.memory_space<semaphore_mem>>)
      } else {
      }
      %dma_wait3A_208 = arith.constant 0 : i32
      %dma_wait3A_209 = arith.constant 0 : i32
      %dma_wait3A_210 = tpu.memref_slice %arg13[%dma_wait3A_208, %dma_wait3A_209] : memref<5120x128xf32, #tpu.memory_space<vmem_shared>> -> memref<5120x128xf32, #tpu.memory_space<vmem_shared>>
      tpu.wait_indirect_dma semaphore(%arg18 : memref<!tpu.dma_semaphore, #tpu.memory_space<semaphore_mem>>) src(%dma_wait3A_210 : memref<5120x128xf32, #tpu.memory_space<vmem_shared>>) dst(%arg12 : memref<32x128xf32, #tpu.memory_space<vmem>>)
      %dma_start3A_211 = arith.constant 0 : i32
      %dma_start3A_212 = arith.constant 0 : i32
      %dma_start3A_213 = tpu.memref_slice %arg14[%dma_start3A_211, %dma_start3A_212] : memref<10112x128xf32, #tpu.memory_space<vmem_shared>> -> memref<10112x128xf32, #tpu.memory_space<vmem_shared>>
      tpu.enqueue_indirect_dma source(%arg12 : memref<32x128xf32, #tpu.memory_space<vmem>>) target(%dma_start3A_213 : memref<10112x128xf32, #tpu.memory_space<vmem_shared>>) offsets(%arg10 : memref<32xi32, #tpu.memory_space<vmem>>) semaphore(%arg20 : memref<!tpu.dma_semaphore, #tpu.memory_space<semaphore_mem>>) {add = true}
      %add3A_214 = arith.constant 2 : i32
      %add3A_215 = arith.addi %add3A_200, %add3A_214 : i32
      %lt3A_216 = arith.constant 344 : i32
      %lt3A_217 = arith.cmpi slt, %add3A_215, %lt3A_216 : i32
      %convert_element_type3A_218 = arith.extui %lt3A_217 : i1 to i32
      %cond3A_219 = arith.constant 0 : i32
      %cond3A_220 = arith.cmpi ne, %convert_element_type3A_218, %cond3A_219 : i32
      scf.if %cond3A_220 {
        %add3A_221 = arith.constant 2 : i32
        %add3A_222 = arith.addi %add3A_200, %add3A_221 : i32
        %mul3A_223 = arith.constant 176128 : i32
        %mul3A_224 = arith.muli %arg0, %mul3A_223 : i32
        %mul3A_225 = arith.constant 11008 : i32
        %mul3A_226 = arith.muli %arg1, %mul3A_225 : i32
        %add3A_227 = arith.addi %mul3A_224, %mul3A_226 : i32
        %mul3A_228 = arith.constant 32 : i32
        %mul3A_229 = arith.muli %add3A_222, %mul3A_228 : i32
        %add3A_230 = arith.addi %add3A_227, %mul3A_229 : i32
        %multiple_of3A_231 = tpu.assume_multiple %add3A_230, 8 : i32
        %dma_start3A_232 = tpu.memref_slice %arg3[%multiple_of3A_231] : memref<352256xi32, #tpu.memory_space<hbm>> -> memref<32xi32, #tpu.memory_space<hbm>>
        %dma_start3A_233 = tpu.memref_slice %arg3[%multiple_of3A_231] : memref<352256xi32, #tpu.memory_space<hbm>> -> memref<32xi32, #tpu.memory_space<hbm>>
        tpu.enqueue_dma source(%dma_start3A_233 : memref<32xi32, #tpu.memory_space<hbm>>) target(%arg6 : memref<32xi32, #tpu.memory_space<vmem>>) target_semaphore(%arg16 : memref<!tpu.dma_semaphore, #tpu.memory_space<semaphore_mem>>)
      } else {
      }
    }
    %scan3A_164 = arith.constant 172 : i32
    %dma_wait3A = arith.constant 0 : i32
    %dma_wait3A_165 = arith.constant 0 : i32
    %dma_wait3A_166 = tpu.memref_slice %arg14[%dma_wait3A, %dma_wait3A_165] : memref<10112x128xf32, #tpu.memory_space<vmem_shared>> -> memref<10112x128xf32, #tpu.memory_space<vmem_shared>>
    tpu.wait_indirect_dma semaphore(%arg19 : memref<!tpu.dma_semaphore, #tpu.memory_space<semaphore_mem>>) src(%arg11 : memref<32x128xf32, #tpu.memory_space<vmem>>) dst(%dma_wait3A_166 : memref<10112x128xf32, #tpu.memory_space<vmem_shared>>)
    %dma_wait3A_167 = arith.constant 0 : i32
    %dma_wait3A_168 = arith.constant 0 : i32
    %dma_wait3A_169 = tpu.memref_slice %arg14[%dma_wait3A_167, %dma_wait3A_168] : memref<10112x128xf32, #tpu.memory_space<vmem_shared>> -> memref<10112x128xf32, #tpu.memory_space<vmem_shared>>
    tpu.wait_indirect_dma semaphore(%arg20 : memref<!tpu.dma_semaphore, #tpu.memory_space<semaphore_mem>>) src(%arg12 : memref<32x128xf32, #tpu.memory_space<vmem>>) dst(%dma_wait3A_169 : memref<10112x128xf32, #tpu.memory_space<vmem_shared>>)
    %barrier3A_170 = arith.constant 0 : index
    tpu.barrier barrier_id(%barrier3A_170)
    %mul3A_171 = arith.constant 632 : i32
    %mul3A_172 = arith.muli %arg1, %mul3A_171 : i32
    %multiple_of3A_173 = tpu.assume_multiple %mul3A_172, 8 : i32
    %mul3A_174 = arith.constant 632 : i32
    %mul3A_175 = arith.muli %arg1, %mul3A_174 : i32
    %multiple_of3A_176 = tpu.assume_multiple %mul3A_175, 8 : i32
    "tpu.region"() ({
      %run_scoped3A = tpu.sem_alloc : memref<!tpu.dma_semaphore, #tpu.memory_space<semaphore_mem>>
      %dma_start3A_177 = arith.constant 0 : i32
      %dma_start3A_178 = tpu.memref_slice %arg4[%arg0, %multiple_of3A_176, %dma_start3A_177] : memref<2x10112x128xf32, #tpu.memory_space<hbm>> -> memref<1x632x128xf32, #tpu.memory_space<hbm>>
      %dma_start3A_179 = tpu.memref_squeeze %dma_start3A_178 : memref<1x632x128xf32, #tpu.memory_space<hbm>> -> memref<632x128xf32, #tpu.memory_space<hbm>>
      %dma_start3A_180 = arith.constant 0 : i32
      %dma_start3A_181 = tpu.memref_slice %arg14[%multiple_of3A_173, %dma_start3A_180] : memref<10112x128xf32, #tpu.memory_space<vmem_shared>> -> memref<632x128xf32, #tpu.memory_space<vmem_shared>>
      tpu.enqueue_dma source(%dma_start3A_181 : memref<632x128xf32, #tpu.memory_space<vmem_shared>>) target(%dma_start3A_179 : memref<632x128xf32, #tpu.memory_space<hbm>>) target_semaphore(%run_scoped3A : memref<!tpu.dma_semaphore, #tpu.memory_space<semaphore_mem>>)
      %dma_wait3A_182 = arith.constant 0 : i32
      %dma_wait3A_183 = tpu.memref_slice %arg4[%arg0, %multiple_of3A_176, %dma_wait3A_182] : memref<2x10112x128xf32, #tpu.memory_space<hbm>> -> memref<1x632x128xf32, #tpu.memory_space<hbm>>
      %dma_wait3A_184 = tpu.memref_squeeze %dma_wait3A_183 : memref<1x632x128xf32, #tpu.memory_space<hbm>> -> memref<632x128xf32, #tpu.memory_space<hbm>>
      %dma_wait3A_185 = arith.constant 0 : i32
      %dma_wait3A_186 = tpu.memref_slice %arg14[%multiple_of3A_173, %dma_wait3A_185] : memref<10112x128xf32, #tpu.memory_space<vmem_shared>> -> memref<632x128xf32, #tpu.memory_space<vmem_shared>>
      tpu.wait_dma2 semaphore(%run_scoped3A : memref<!tpu.dma_semaphore, #tpu.memory_space<semaphore_mem>>) src(%dma_wait3A_186 : memref<632x128xf32, #tpu.memory_space<vmem_shared>>) dst(%dma_wait3A_184 : memref<632x128xf32, #tpu.memory_space<hbm>>)
      tpu.yield
    }) : () -> ()
    return
  }
}

module attributes {stable_mosaic.version = 14 : i64} {
  func.func @_tc1_body(%arg0: i32, %arg1: memref<1000x128xf32, #tpu.memory_space<vmem>>, %arg2: memref<128x128xf32, #tpu.memory_space<vmem>>, %arg3: memref<1000x2xf32, #tpu.memory_space<vmem>>, %arg4: memref<1000x128xf32, #tpu.memory_space<vmem>>) attributes {dimension_semantics = [#tpu.dimension_semantics<arbitrary>], iteration_bounds = array<i64: 10>, scalar_prefetch = 0 : i64, scratch_operands = 0 : i64, tpu.core_type = #tpu.core_type<tc>, window_params = [{transform_indices = @transform_0, window_bounds = array<i64: 1000, 128>}, {pipeline_mode = #tpu.pipeline_mode<synchronous>, transform_indices = @transform_1, window_bounds = array<i64: 128, 128>}, {transform_indices = @transform_2, window_bounds = array<i64: 1000, 2>}, {transform_indices = @transform_3, window_bounds = array<i64: 1000, 128>}]} {
    %get3A = arith.constant 0 : index
    %get3A_0 = arith.constant 0 : index
    %get3A_1 = vector.load %arg1[%get3A, %get3A_0] : memref<1000x128xf32, #tpu.memory_space<vmem>>, vector<1000x128xf32>
    %get3A_2 = arith.constant 0 : index
    %get3A_3 = arith.constant 0 : index
    %get3A_4 = vector.load %arg2[%get3A_2, %get3A_3] : memref<128x128xf32, #tpu.memory_space<vmem>>, vector<128x128xf32>
    %dot_general3A = arith.constant dense<0.000000e+00> : vector<1000x128xf32>
    %dot_general3A_5 = tpu.matmul %get3A_1, %get3A_4, %dot_general3A {dimension_numbers = #tpu.dot_dimension_numbers<[1], [0], [0], [1], [0, 0, 1, 1], [], []>, precision = #tpu.contract_precision<fp32>, transpose_lhs_hint = false} : vector<1000x128xf32>, vector<128x128xf32>, vector<1000x128xf32> -> vector<1000x128xf32>
    %get3A_6 = arith.constant 0 : index
    %get3A_7 = arith.constant 0 : index
    %get3A_8 = vector.load %arg3[%get3A_6, %get3A_7] : memref<1000x2xf32, #tpu.memory_space<vmem>>, vector<1000x1xf32>
    %get3A_9 = vector.shape_cast %get3A_8 : vector<1000x1xf32> to vector<1000xf32>
    %get3A_10 = arith.constant 0 : index
    %get3A_11 = arith.constant 1 : index
    %get3A_12 = vector.load %arg3[%get3A_10, %get3A_11] : memref<1000x2xf32, #tpu.memory_space<vmem>>, vector<1000x1xf32>
    %get3A_13 = vector.shape_cast %get3A_12 : vector<1000x1xf32> to vector<1000xf32>
    %add3A = arith.addf %get3A_9, %get3A_13 : vector<1000xf32>
    %add3A_14 = arith.constant 1.000000e+00 : f32
    %add3A_15 = vector.broadcast %add3A_14 : f32 to vector<1000xf32>
    %add3A_16 = arith.addf %add3A, %add3A_15 : vector<1000xf32>
    %rsqrt3A = math.rsqrt %add3A_16 : vector<1000xf32>
    %broadcast_in_dim3A = vector.shape_cast %rsqrt3A : vector<1000xf32> to vector<1000x1xf32>
    %mul3A = vector.broadcast %broadcast_in_dim3A : vector<1000x1xf32> to vector<1000x128xf32>
    %mul3A_17 = arith.mulf %dot_general3A_5, %mul3A : vector<1000x128xf32>
    %swap3A = arith.constant 0 : index
    %swap3A_18 = arith.constant 0 : index
    %swap3A_19 = vector.load %arg4[%swap3A, %swap3A_18] : memref<1000x128xf32, #tpu.memory_space<vmem>>, vector<1000x128xf32>
    tpu.vector_store %arg4[%swap3A, %swap3A_18], %mul3A_17 {strides = array<i32>} : memref<1000x128xf32, #tpu.memory_space<vmem>>, vector<1000x128xf32>,
    return
  }
  func.func @transform_0(%arg0: i32) -> (i32, i32) {
    %c0_i32 = arith.constant 0 : i32
    %c0_i32_0 = arith.constant 0 : i32
    return %arg0, %c0_i32 : i32, i32
  }
  func.func @transform_1(%arg0: i32) -> (i32, i32) {
    %c0_i32 = arith.constant 0 : i32
    %c0_i32_0 = arith.constant 0 : i32
    %c0_i32_1 = arith.constant 0 : i32
    return %c0_i32, %c0_i32_0 : i32, i32
  }
  func.func @transform_2(%arg0: i32) -> (i32, i32) {
    %c0_i32 = arith.constant 0 : i32
    %c0_i32_0 = arith.constant 0 : i32
    return %arg0, %c0_i32 : i32, i32
  }
  func.func @transform_3(%arg0: i32) -> (i32, i32) {
    %c0_i32 = arith.constant 0 : i32
    %c0_i32_0 = arith.constant 0 : i32
    return %arg0, %c0_i32 : i32, i32
  }
}

module attributes {stable_mosaic.version = 14 : i64} {
  func.func @_tc2_body(%arg0: i32, %arg1: memref<2x1000x128xf32, #tpu.memory_space<vmem>>, %arg2: memref<1000x128xf32, #tpu.memory_space<vmem>>, %arg3: memref<1000x2xf32, #tpu.memory_space<vmem>>, %arg4: memref<128xf32, #tpu.memory_space<vmem>>, %arg5: memref<128x128xf32, #tpu.memory_space<vmem>>, %arg6: memref<1000x128xf32, #tpu.memory_space<vmem>>) attributes {dimension_semantics = [#tpu.dimension_semantics<arbitrary>], iteration_bounds = array<i64: 10>, scalar_prefetch = 0 : i64, scratch_operands = 0 : i64, tpu.core_type = #tpu.core_type<tc>, window_params = [{transform_indices = @transform_0, window_bounds = array<i64: 2, 1000, 128>}, {transform_indices = @transform_1, window_bounds = array<i64: 1000, 128>}, {transform_indices = @transform_2, window_bounds = array<i64: 1000, 2>}, {pipeline_mode = #tpu.pipeline_mode<synchronous>, transform_indices = @transform_3, window_bounds = array<i64: 128>}, {pipeline_mode = #tpu.pipeline_mode<synchronous>, transform_indices = @transform_4, window_bounds = array<i64: 128, 128>}, {transform_indices = @transform_5, window_bounds = array<i64: 1000, 128>}]} {
    %get3A = arith.constant 0 : index
    %get3A_0 = arith.constant 0 : index
    %get3A_1 = vector.load %arg3[%get3A, %get3A_0] : memref<1000x2xf32, #tpu.memory_space<vmem>>, vector<1000x1xf32>
    %get3A_2 = vector.shape_cast %get3A_1 : vector<1000x1xf32> to vector<1000xf32>
    %get3A_3 = arith.constant 0 : index
    %get3A_4 = arith.constant 1 : index
    %get3A_5 = vector.load %arg3[%get3A_3, %get3A_4] : memref<1000x2xf32, #tpu.memory_space<vmem>>, vector<1000x1xf32>
    %get3A_6 = vector.shape_cast %get3A_5 : vector<1000x1xf32> to vector<1000xf32>
    %add3A = arith.addf %get3A_2, %get3A_6 : vector<1000xf32>
    %add3A_7 = arith.constant 1.000000e+00 : f32
    %add3A_8 = vector.broadcast %add3A_7 : f32 to vector<1000xf32>
    %add3A_9 = arith.addf %add3A, %add3A_8 : vector<1000xf32>
    %rsqrt3A = math.rsqrt %add3A_9 : vector<1000xf32>
    %broadcast_in_dim3A = vector.shape_cast %rsqrt3A : vector<1000xf32> to vector<1000x1xf32>
    %get3A_10 = arith.constant 0 : index
    %get3A_11 = arith.constant 0 : index
    %get3A_12 = arith.constant 0 : index
    %get3A_13 = vector.load %arg1[%get3A_10, %get3A_11, %get3A_12] : memref<2x1000x128xf32, #tpu.memory_space<vmem>>, vector<1x1000x128xf32>
    %get3A_14 = vector.shape_cast %get3A_13 : vector<1x1000x128xf32> to vector<1000x128xf32>
    %get3A_15 = arith.constant 1 : index
    %get3A_16 = arith.constant 0 : index
    %get3A_17 = arith.constant 0 : index
    %get3A_18 = vector.load %arg1[%get3A_15, %get3A_16, %get3A_17] : memref<2x1000x128xf32, #tpu.memory_space<vmem>>, vector<1x1000x128xf32>
    %get3A_19 = vector.shape_cast %get3A_18 : vector<1x1000x128xf32> to vector<1000x128xf32>
    %add3A_20 = arith.addf %get3A_14, %get3A_19 : vector<1000x128xf32>
    %get3A_21 = arith.constant 0 : index
    %get3A_22 = arith.constant 0 : index
    %get3A_23 = vector.load %arg2[%get3A_21, %get3A_22] : memref<1000x128xf32, #tpu.memory_space<vmem>>, vector<1000x128xf32>
    %add3A_24 = arith.addf %add3A_20, %get3A_23 : vector<1000x128xf32>
    %mul3A = vector.broadcast %broadcast_in_dim3A : vector<1000x1xf32> to vector<1000x128xf32>
    %mul3A_25 = arith.mulf %add3A_24, %mul3A : vector<1000x128xf32>
    %get3A_26 = arith.constant 0 : index
    %get3A_27 = vector.load %arg4[%get3A_26] : memref<128xf32, #tpu.memory_space<vmem>>, vector<128xf32>
    %broadcast_in_dim3A_28 = vector.shape_cast %get3A_27 : vector<128xf32> to vector<1x128xf32>
    %add3A_29 = vector.broadcast %broadcast_in_dim3A_28 : vector<1x128xf32> to vector<1000x128xf32>
    %add3A_30 = arith.addf %mul3A_25, %add3A_29 : vector<1000x128xf32>
    %max3A = arith.constant 0.000000e+00 : f32
    %max3A_31 = vector.broadcast %max3A : f32 to vector<1000x128xf32>
    %max3A_32 = arith.maximumf %add3A_30, %max3A_31 : vector<1000x128xf32>
    %get3A_33 = arith.constant 0 : index
    %get3A_34 = arith.constant 0 : index
    %get3A_35 = vector.load %arg5[%get3A_33, %get3A_34] : memref<128x128xf32, #tpu.memory_space<vmem>>, vector<128x128xf32>
    %dot_general3A = arith.constant dense<0.000000e+00> : vector<1000x128xf32>
    %dot_general3A_36 = tpu.matmul %max3A_32, %get3A_35, %dot_general3A {dimension_numbers = #tpu.dot_dimension_numbers<[1], [0], [0], [1], [0, 0, 1, 1], [], []>, precision = #tpu.contract_precision<fp32>, transpose_lhs_hint = false} : vector<1000x128xf32>, vector<128x128xf32>, vector<1000x128xf32> -> vector<1000x128xf32>
    %mul3A_37 = vector.broadcast %broadcast_in_dim3A : vector<1000x1xf32> to vector<1000x128xf32>
    %mul3A_38 = arith.mulf %dot_general3A_36, %mul3A_37 : vector<1000x128xf32>
    %swap3A = arith.constant 0 : index
    %swap3A_39 = arith.constant 0 : index
    %swap3A_40 = vector.load %arg6[%swap3A, %swap3A_39] : memref<1000x128xf32, #tpu.memory_space<vmem>>, vector<1000x128xf32>
    tpu.vector_store %arg6[%swap3A, %swap3A_39], %mul3A_38 {strides = array<i32>} : memref<1000x128xf32, #tpu.memory_space<vmem>>, vector<1000x128xf32>,
    return
  }
  func.func @transform_0(%arg0: i32) -> (i32, i32, i32) {
    %c0_i32 = arith.constant 0 : i32
    %c0_i32_0 = arith.constant 0 : i32
    %c0_i32_1 = arith.constant 0 : i32
    return %c0_i32, %arg0, %c0_i32_0 : i32, i32, i32
  }
  func.func @transform_1(%arg0: i32) -> (i32, i32) {
    %c0_i32 = arith.constant 0 : i32
    %c0_i32_0 = arith.constant 0 : i32
    return %arg0, %c0_i32 : i32, i32
  }
  func.func @transform_2(%arg0: i32) -> (i32, i32) {
    %c0_i32 = arith.constant 0 : i32
    %c0_i32_0 = arith.constant 0 : i32
    return %arg0, %c0_i32 : i32, i32
  }
  func.func @transform_3(%arg0: i32) -> i32 {
    %c0_i32 = arith.constant 0 : i32
    %c0_i32_0 = arith.constant 0 : i32
    return %c0_i32 : i32
  }
  func.func @transform_4(%arg0: i32) -> (i32, i32) {
    %c0_i32 = arith.constant 0 : i32
    %c0_i32_0 = arith.constant 0 : i32
    %c0_i32_1 = arith.constant 0 : i32
    return %c0_i32, %c0_i32_0 : i32, i32
  }
  func.func @transform_5(%arg0: i32) -> (i32, i32) {
    %c0_i32 = arith.constant 0 : i32
    %c0_i32_0 = arith.constant 0 : i32
    return %arg0, %c0_i32 : i32, i32
  }
}

module attributes {stable_mosaic.version = 14 : i64} {
  func.func @_tc3_body(%arg0: i32, %arg1: memref<2x1000x128xf32, #tpu.memory_space<vmem>>, %arg2: memref<1000x128xf32, #tpu.memory_space<vmem>>, %arg3: memref<1000x2xf32, #tpu.memory_space<vmem>>, %arg4: memref<128xf32, #tpu.memory_space<vmem>>, %arg5: memref<1000x128xf32, #tpu.memory_space<vmem>>) attributes {dimension_semantics = [#tpu.dimension_semantics<arbitrary>], iteration_bounds = array<i64: 10>, scalar_prefetch = 0 : i64, scratch_operands = 0 : i64, tpu.core_type = #tpu.core_type<tc>, window_params = [{transform_indices = @transform_0, window_bounds = array<i64: 2, 1000, 128>}, {transform_indices = @transform_1, window_bounds = array<i64: 1000, 128>}, {transform_indices = @transform_2, window_bounds = array<i64: 1000, 2>}, {pipeline_mode = #tpu.pipeline_mode<synchronous>, transform_indices = @transform_3, window_bounds = array<i64: 128>}, {transform_indices = @transform_4, window_bounds = array<i64: 1000, 128>}]} {
    %get3A = arith.constant 0 : index
    %get3A_0 = arith.constant 0 : index
    %get3A_1 = vector.load %arg3[%get3A, %get3A_0] : memref<1000x2xf32, #tpu.memory_space<vmem>>, vector<1000x1xf32>
    %get3A_2 = vector.shape_cast %get3A_1 : vector<1000x1xf32> to vector<1000xf32>
    %get3A_3 = arith.constant 0 : index
    %get3A_4 = arith.constant 1 : index
    %get3A_5 = vector.load %arg3[%get3A_3, %get3A_4] : memref<1000x2xf32, #tpu.memory_space<vmem>>, vector<1000x1xf32>
    %get3A_6 = vector.shape_cast %get3A_5 : vector<1000x1xf32> to vector<1000xf32>
    %add3A = arith.addf %get3A_2, %get3A_6 : vector<1000xf32>
    %add3A_7 = arith.constant 1.000000e+00 : f32
    %add3A_8 = vector.broadcast %add3A_7 : f32 to vector<1000xf32>
    %add3A_9 = arith.addf %add3A, %add3A_8 : vector<1000xf32>
    %rsqrt3A = math.rsqrt %add3A_9 : vector<1000xf32>
    %broadcast_in_dim3A = vector.shape_cast %rsqrt3A : vector<1000xf32> to vector<1000x1xf32>
    %get3A_10 = arith.constant 0 : index
    %get3A_11 = arith.constant 0 : index
    %get3A_12 = arith.constant 0 : index
    %get3A_13 = vector.load %arg1[%get3A_10, %get3A_11, %get3A_12] : memref<2x1000x128xf32, #tpu.memory_space<vmem>>, vector<1x1000x128xf32>
    %get3A_14 = vector.shape_cast %get3A_13 : vector<1x1000x128xf32> to vector<1000x128xf32>
    %get3A_15 = arith.constant 1 : index
    %get3A_16 = arith.constant 0 : index
    %get3A_17 = arith.constant 0 : index
    %get3A_18 = vector.load %arg1[%get3A_15, %get3A_16, %get3A_17] : memref<2x1000x128xf32, #tpu.memory_space<vmem>>, vector<1x1000x128xf32>
    %get3A_19 = vector.shape_cast %get3A_18 : vector<1x1000x128xf32> to vector<1000x128xf32>
    %add3A_20 = arith.addf %get3A_14, %get3A_19 : vector<1000x128xf32>
    %get3A_21 = arith.constant 0 : index
    %get3A_22 = arith.constant 0 : index
    %get3A_23 = vector.load %arg2[%get3A_21, %get3A_22] : memref<1000x128xf32, #tpu.memory_space<vmem>>, vector<1000x128xf32>
    %add3A_24 = arith.addf %add3A_20, %get3A_23 : vector<1000x128xf32>
    %mul3A = vector.broadcast %broadcast_in_dim3A : vector<1000x1xf32> to vector<1000x128xf32>
    %mul3A_25 = arith.mulf %add3A_24, %mul3A : vector<1000x128xf32>
    %get3A_26 = arith.constant 0 : index
    %get3A_27 = vector.load %arg4[%get3A_26] : memref<128xf32, #tpu.memory_space<vmem>>, vector<128xf32>
    %broadcast_in_dim3A_28 = vector.shape_cast %get3A_27 : vector<128xf32> to vector<1x128xf32>
    %add3A_29 = vector.broadcast %broadcast_in_dim3A_28 : vector<1x128xf32> to vector<1000x128xf32>
    %add3A_30 = arith.addf %mul3A_25, %add3A_29 : vector<1000x128xf32>
    %reduce_max3A = arith.constant dense<0xFF800000> : vector<1000xf32>
    %reduce_max3A_31 = vector.multi_reduction <maximumf>, %add3A_30, %reduce_max3A [1] : vector<1000x128xf32> to vector<1000xf32>
    %broadcast_in_dim3A_32 = vector.shape_cast %reduce_max3A_31 : vector<1000xf32> to vector<1000x1xf32>
    %sub3A = vector.broadcast %broadcast_in_dim3A_32 : vector<1000x1xf32> to vector<1000x128xf32>
    %sub3A_33 = arith.subf %add3A_30, %sub3A : vector<1000x128xf32>
    %exp3A = math.exp %sub3A_33 : vector<1000x128xf32>
    %reduce_sum3A = arith.constant dense<0.000000e+00> : vector<1000xf32>
    %reduce_sum3A_34 = vector.multi_reduction <add>, %exp3A, %reduce_sum3A [1] : vector<1000x128xf32> to vector<1000xf32>
    %broadcast_in_dim3A_35 = vector.shape_cast %reduce_sum3A_34 : vector<1000xf32> to vector<1000x1xf32>
    %log3A = math.log %broadcast_in_dim3A_35 : vector<1000x1xf32>
    %sub3A_36 = vector.broadcast %log3A : vector<1000x1xf32> to vector<1000x128xf32>
    %sub3A_37 = arith.subf %sub3A_33, %sub3A_36 : vector<1000x128xf32>
    %swap3A = arith.constant 0 : index
    %swap3A_38 = arith.constant 0 : index
    %swap3A_39 = vector.load %arg5[%swap3A, %swap3A_38] : memref<1000x128xf32, #tpu.memory_space<vmem>>, vector<1000x128xf32>
    tpu.vector_store %arg5[%swap3A, %swap3A_38], %sub3A_37 {strides = array<i32>} : memref<1000x128xf32, #tpu.memory_space<vmem>>, vector<1000x128xf32>,
    return
  }
  func.func @transform_0(%arg0: i32) -> (i32, i32, i32) {
    %c0_i32 = arith.constant 0 : i32
    %c0_i32_0 = arith.constant 0 : i32
    %c0_i32_1 = arith.constant 0 : i32
    return %c0_i32, %arg0, %c0_i32_0 : i32, i32, i32
  }
  func.func @transform_1(%arg0: i32) -> (i32, i32) {
    %c0_i32 = arith.constant 0 : i32
    %c0_i32_0 = arith.constant 0 : i32
    return %arg0, %c0_i32 : i32, i32
  }
  func.func @transform_2(%arg0: i32) -> (i32, i32) {
    %c0_i32 = arith.constant 0 : i32
    %c0_i32_0 = arith.constant 0 : i32
    return %arg0, %c0_i32 : i32, i32
  }
  func.func @transform_3(%arg0: i32) -> i32 {
    %c0_i32 = arith.constant 0 : i32
    %c0_i32_0 = arith.constant 0 : i32
    return %c0_i32 : i32
  }
  func.func @transform_4(%arg0: i32) -> (i32, i32) {
    %c0_i32 = arith.constant 0 : i32
    %c0_i32_0 = arith.constant 0 : i32
    return %arg0, %c0_i32 : i32, i32
  }
}

</mosaic_0001>

<sc_bundles>
// kernel: kernel.11.cloned.1.call-start
scs
__scs_entry_jumppad:
0x0: {  	(pc) =	sbr.rel $0x88, $3  }
0x1: {  	(tag) =	ssettag $0x0;
	lr =	simm.s32 $0x1  }
0x2: {  	[smem:$0x3F9B] =	sst lr;
	_ =	strace $0xD0000000  }
0x3: {  	_ = 	snop  }
0x4: {  	_ = 	snop  }
0x5: {  	_ = 	snop  }
0x6: {  	_ = 	snop  }
0x7: {  	_ = 	snop  }
__scs_overlays_trampoline_lowered:
0x8: {  	[smem:$0x3FAA] =	sst s0  }
0x9: {  	[smem:$0x3FAB] =	sst s1  }
0xa: {  	[smem:$0x3FAC] =	sst s2  }
0xb: {  	[smem:$0x3FAD] =	sst s3  }
0xc: {  	[smem:$0x3FAE] =	sst s4  }
0xd: {  	[smem:$0x3FAF] =	sst s5  }
0xe: {  	[smem:$0x3FB0] =	sst s6  }
0xf: {  	[smem:$0x3FB1] =	sst s7  }
0x10: {  	[smem:$0x3FB2] =	sst s8  }
0x11: {  	[smem:$0x3FB3] =	sst s9;
	s0 =	simm.s32 @!p0 $0x0  }
0x12: {  	s1 =	sld [smem:$0x3F99];
	s0 =	simm.s32 @p0 $0x1  }
0x13: {  	[smem:$0x3FB4] =	sst s0;
	s0 =	simm.s32 @!p1 $0x0  }
0x14: {  	s2 =	sld [smem:$0x3F98];
	s0 =	simm.s32 @p1 $0x1  }
0x15: {  	[smem:$0x3FB5] =	sst s0;
	s0 =	simm.s32 @!p2 $0x0  }
0x16: {  	s3 =	sld [smem:$0x3FDB];
	s0 =	simm.s32 @p2 $0x1  }
0x17: {  	s4 =	simm.s32 $0x1BF5;
	[smem:$0x3FB7] =	sst s0  }
0x18: {  	s0 =	sld [smem:$0x3F9A];
	_ =	swait.ge [sflag:s4], $0x0  }
0x19: {  	s7 =	sld [smem:$0x3F9B]  }
0x1a: {  	s8 =	sadd.s32 $0xFFFFE003, lr  }
0x1b: {  	s9 =	sadd.s32 $0xFFFFFEF7, lr;
	s5 =	simm.s32 $0xFFFFFFFF;
	p2 =	slt.u32 s8, $0xFFFFF086  }
0x1c: {  	p1 =	slt.u32 s9, $0xF7A;
	s5 =	simm.s32 @!p2 $0x0  }
0x1d: {  	s5 =	simm.s32 @p1 $0x1;
	p0 =	seq.s32 s7, s2  }
0x1e: {  	s7 =	smul.u32 @!p0 $0xF7A, s2;
	p2 =	seq.s32 @!p0 s5, $0x0  }
0x1f: {  	s9 =	smul.u32 $0xF7A, s1;
	s8 =	simm.s32 @!p0 $0x1BF5;
	p2 =	por !p2, p0  }
0x20: {  	[sflag:s8] =	ssyncset.s32 @!p0 $0xFFFFF086;
	s6 =	sadd.s32 @!p0 s3, s7;
	s7 =	simm.s32 @!p0 $0x108  }
0x21: {  	s3 =	sadd.s32 s3, s9;
	s6 =	sadd.s32 @!p0 $0x88, s6;
	s7 =	simm.s32 @p2 $0x1082  }
0x22: {  	[simem:s7], [sflag:s8] =	dma.local @!p0 [hbm:s6], $0xF7A  }
0x23: {  	s9 =	sor.u32 $0xD0000000, s2;
	s6 =	simm.s32 $0x108;
	_ =	swait.ge @!p0 [sflag:s8], $0x0  }
0x24: {  	s3 =	sadd.s32 $0x88, s3;
	s6 =	simm.s32 @!p1 $0x1082;
	[sflag:s4] =	ssyncset.s32 $0xFFFFF086  }
0x25: {  	[simem:s6], [sflag:s4] =	dma.local [hbm:s3], $0xF7A  }
0x26: {  	[smem:$0x3F9B] =	sst s1;
	(tag) =	ssettag s2;
	_ =	strace s9  }
0x27: {  	s1 =	sld [smem:$0x3FAB]  }
0x28: {  	s2 =	sld [smem:$0x3FAC]  }
0x29: {  	s4 =	sld [smem:$0x3FAE]  }
0x2a: {  	p0 =	seq.s32 s5, $0x0;
	s5 =	sld [smem:$0x3FAF]  }
0x2b: {  	s6 =	sld [smem:$0x3FB0]  }
0x2c: {  	s7 =	sld [smem:$0x3FB1]  }
0x2d: {  	s3 =	simm.s32 $0x108;
	s8 =	sld [smem:$0x3FB2]  }
0x2e: {  	s3 =	simm.s32 @!p0 $0x1082;
	s9 =	sld [smem:$0x3FB3]  }
0x2f: {  	lr =	sadd.s32 s0, s3;
	s0 =	sld [smem:$0x3FAA]  }
0x30: {  	s3 =	sld [smem:$0x3FAD]  }
0x31: {  	[smem:$0x3FB6] =	sst s10  }
0x32: {  	s10 =	sld [smem:$0x3FB4];
	_ =	sdelay $0x3  }
0x33: {  	p0 =	seq.s32 s10, $0x1;
	s10 =	sld [smem:$0x3FB6];
	_ =	sdelay $0x3  }
0x34: {  	[smem:$0x3FB6] =	sst s10  }
0x35: {  	s10 =	sld [smem:$0x3FB5];
	_ =	sdelay $0x3  }
0x36: {  	p1 =	seq.s32 s10, $0x1;
	s10 =	sld [smem:$0x3FB6];
	_ =	sdelay $0x3  }
0x37: {  	[smem:$0x3FB6] =	sst s10  }
0x38: {  	s10 =	sld [smem:$0x3FB7]  }
0x39: {  	_ = 	snop;
	(pc) =	sbr.ind lr, $3  }
0x3a: {  	_ = 	snop  }
0x3b: {  	_ = 	snop  }
0x3c: {  	p2 =	seq.s32 s10, $0x1;
	s10 =	sld [smem:$0x3FB6]  }
0x3d: {  	_ =	shalt  }
0x3e: {  	_ =	shalt  }
0x3f: {  	_ =	shalt  }
0x40: {  	_ =	shalt  }
0x41: {  	_ =	shalt  }
0x42: {  	_ =	shalt  }
0x43: {  	_ =	shalt  }
0x44: {  	_ =	shalt  }
0x45: {  	_ =	shalt  }
0x46: {  	_ =	shalt  }
0x47: {  	_ =	shalt  }
0x48: {  	_ =	shalt  }
0x49: {  	_ =	shalt  }
0x4a: {  	_ =	shalt  }
0x4b: {  	_ =	shalt  }
0x4c: {  	_ =	shalt  }
0x4d: {  	_ =	shalt  }
0x4e: {  	_ =	shalt  }
0x4f: {  	_ =	shalt  }
0x50: {  	_ =	shalt  }
0x51: {  	_ =	shalt  }
0x52: {  	_ =	shalt  }
0x53: {  	_ =	shalt  }
0x54: {  	_ =	shalt  }
0x55: {  	_ =	shalt  }
0x56: {  	_ =	shalt  }
0x57: {  	_ =	shalt  }
0x58: {  	_ =	shalt  }
0x59: {  	_ =	shalt  }
0x5a: {  	_ =	shalt  }
0x5b: {  	_ =	shalt  }
0x5c: {  	_ =	shalt  }
0x5d: {  	_ =	shalt  }
0x5e: {  	_ =	shalt  }
0x5f: {  	_ =	shalt  }
0x60: {  	_ =	shalt  }
0x61: {  	_ =	shalt  }
0x62: {  	_ =	shalt  }
0x63: {  	_ =	shalt  }
0x64: {  	_ =	shalt  }
0x65: {  	_ =	shalt  }
0x66: {  	_ =	shalt  }
0x67: {  	_ =	shalt  }
0x68: {  	_ =	shalt  }
0x69: {  	_ =	shalt  }
0x6a: {  	_ =	shalt  }
0x6b: {  	_ =	shalt  }
0x6c: {  	_ =	shalt  }
0x6d: {  	_ =	shalt  }
0x6e: {  	_ =	shalt  }
0x6f: {  	_ =	shalt  }
0x70: {  	_ =	shalt  }
0x71: {  	_ =	shalt  }
0x72: {  	_ =	shalt  }
0x73: {  	_ =	shalt  }
0x74: {  	_ =	shalt  }
0x75: {  	_ =	shalt  }
0x76: {  	_ =	shalt  }
0x77: {  	_ =	shalt  }
0x78: {  	_ =	shalt  }
0x79: {  	_ =	shalt  }
0x7a: {  	_ =	shalt  }
0x7b: {  	_ =	shalt  }
0x7c: {  	_ =	shalt  }
0x7d: {  	_ =	shalt  }
0x7e: {  	_ =	shalt  }
0x7f: {  	_ =	shalt  }
0x80: {  	_ =	shalt  }
0x81: {  	_ =	shalt  }
0x82: {  	_ =	shalt  }
0x83: {  	_ =	shalt  }
0x84: {  	_ =	shalt  }
0x85: {  	_ =	shalt  }
0x86: {  	_ =	shalt  }
0x87: {  	_ =	shalt  }
.Lfunc_end0:
.L_simem_size_0:
called_computation.1_lowered:
.L_overlay_start_0:
0x88: {  	s2 =	sld [smem:$0x3FD9]  }
0x89: {  	s3 =	sld [smem:$0x3FFE];
	_ =	sdelay $0x1  }
0x8a: {  	s1 =	srdreg.scid  }
0x8b: {  	s0 =	sand.u32 $0x1, s1  }
0x8c: {  	s17 =	sshll.u32 s0, $0xA;
	s2 =	sadd.s32 s3, s2  }
0x8d: {  	s2 =	sadd.s32 s2, s17  }
0x8e: {  	[smem:$0x3FC2] =	sst s2  }
0x8f: {  	_ = 	snop  }
0x90: {  	s2 =	sld [smem:$0x3FD0];
	(tm) =	ssettm $0x1  }
0x91: {  	s18 =	sld [smem:$0x3FFB];
	_ =	sdelay $0x3  }
0x92: {  	_ =	strace s18  }
0x93: {  	s3 =	sld [smem:$0x3FFC];
	_ =	sdelay $0x3  }
0x94: {  	_ =	strace s3  }
0x95: {  	s3 =	sld [smem:$0x3FFD];
	_ =	sdelay $0x3  }
0x96: {  	_ =	strace s3  }
0x97: {  	_ =	strace $0x8FFFFFFF  }
0x98: {  	s19 =	sld [smem:$0x3FDB];
	_ =	sdelay $0x1  }
0x99: {  	s4 =	simm.s32 $_scs_section_size  }
0x9a: {  	s5 =	simm.s32 $_size__tile_overlayer_lowered;
	s6 =	simm.s32 $_tile_overlayer_lowered  }
0x9b: {  	s22 =	simm.s32 $0x1BFF;
	s21 =	sshll.u32 s6, $0x1;
	s3 =	sadd.s32 s4, s19  }
0x9c: {  	s7 =	simm.s32 $0x0;
	s20 =	sshll.u32 s5, $0x1;
	s5 =	sadd.s32 s21, s3  }
0x9d: {  	[timem:s7], [sflag:s22] =	dma.local [hbm:s5], s20  }
0x9e: {  	_ =	swait.ge [sflag:s22], s20  }
0x9f: {  	s4 =	ssub.s32 $0x0, s20;
	[sflag:s22] =	ssyncset.done $0x0  }
0xa0: {  	[sflag:s22] =	ssyncadd.s32 s4;
	_ =	sdelay $0x1  }
0xa1: {  	s23 =	simm.s32 $0x1B8B  }
0xa2: {  	_ =	swait.ge [sflag:s23], $0x1  }
0xa3: {  	[sflag:s23] =	ssyncset.done $0x0  }
0xa4: {  	s25 =	simm.s32 $0x1B8E;
	s24 =	sld [smem:$0x3FFE];
	[sflag:s23] =	ssyncadd.s32 $0xFFFFFFFF  }
0xa5: {  	s26 =	simm.s32 $execute0_lowered;
	[smem:$0x3FD2] =	sst s25  }
0xa6: {  	s5 =	sshll.u32 s26, $0x1;
	_ =	strace $0x80000049;
	[dreg:$0x1] =	wrdreg $0xFFFFFFFF  }
0xa7: {  	s28 =	simm.s32 $_size_execute0_lowered;
	s3 =	sadd.s32 s3, s5;
	[dreg:$0x0] =	wrdreg $0x0  }
0xa8: {  	s5 =	sshll.u32 s28, $0x1;
	[dreg:$0x2] =	wrdreg s3  }
0xa9: {  	[dreg:$0x3] =	wrdreg s5  }
0xaa: {  	[dreg:$0x4] =	wrdreg $0xC0  }
0xab: {  	_ =	task [dreg:s7], $0x5FFFF  }
0xac: {  	[dreg:$0x1] =	wrdreg $0xFFFFFFFF  }
0xad: {  	[dreg:$0x0] =	wrdreg $0x60  }
0xae: {  	[dreg:$0x2] =	wrdreg s2  }
0xaf: {  	[dreg:$0x3] =	wrdreg s24  }
0xb0: {  	[dreg:$0x4] =	wrdreg $0x23000  }
0xb1: {  	[dreg:$0x5] =	wrdreg $0xC3000  }
0xb2: {  	[dreg:$0x6] =	wrdreg $0x9  }
0xb3: {  	_ =	task.clear_ibuf [dreg:s7], $0x7FFFF;
	_ =	strace $0x90000049  }
0xb4: {  	s29 =	simm.s32 $0x9;
	_ =	strace $0x8000004B  }
0xb5: {  	_ =	swait.ge [sflag:s29], $0x1  }
0xb6: {  	[sflag:s29] =	ssyncadd.s32 $0xFFFFFFFF  }
0xb7: {  	_ =	strace $0x9000004B  }
0xb8: {  	_ =	sfence  }
0xb9: {  	s30 =	sld [smem:$0x0];
	_ =	sdelay $0x2  }
0xba: {  	s31 =	sshll.u32 s1, $0xD;
	s1 =	sshrl.u32 s1, $0x2  }
0xbb: {  	s3 =	sand.u32 $0x4000, s31;
	s1 =	sadd.s32 s1, s30  }
0xbc: {  	s0 =	sor.u32 s3, s0;
	s1 =	sshll.u32 s1, $0x11  }
0xbd: {  	s0 =	sor.u32 s1, s0  }
0xbe: {  	s0 =	sadd.s32 $0x8F2B, s0  }
0xbf: {  	[sflag:s0] =	ssyncadd.remote.s32 $0x1  }
0xc0: {  	_ =	sfence.sel $0xFFFF  }
0xc1: {  	[dreg:$0x0] =	wrdreg $0xFFFFFFFF;
	(pc) =	sbr.abs _section_cstart, $3  }
0xc2: {  	[dreg:$0x1] =	wrdreg $0xFFFFFFFF  }
0xc3: {  	_ =	task.clear_ibuf [dreg:s7], $0x2FFFF;
	_ =	strace $0x9FFFFFFF  }
0xc4: {  	(tm) =	ssettm $0x7FFFFFFF  }
0xc5: {  	_ =	shalt  }
tec
execute0_lowered:
.L_overlay_start_1:
0x0: {  	(tag) =	ssettag $0x1  }
0x1: {  	s0 =	rddreg [dreg:$0x0];
	s14 =	stileid.u32  }
0x2: {  	s1 =	rddreg [dreg:$0x1];
	s7 =	smul.u32 $0x13C00, s14  }
0x3: {  	s2 =	rddreg [dreg:$0x2];
	s8 =	smul.u32 $0x28000, s14  }
0x4: {  	s4 =	srdreg.scid;
	s11 =	smul.u32 $0x1400, s14  }
0x5: {  	s3 =	rddreg [dreg:$0x3];
	s28 =	simm.s32 $0x0;
	s13 =	smul.u32 $0x4F000, s14  }
0x6: {  	s5 =	sand.u32 $0x1, s4;
	s4 =	simm.s32 $0x0;
	s23 =	smul.u32 $0x2B00, s14  }
0x7: {  	s9 =	sadd.s32 $0x16A00, s1;
	s18 =	sshll.u32 s14, $0x6;
	s6 =	smul.u32 $0x13C000, s5  }
0x8: {  	[smem:$0x7FF] =	sst s4;
	s10 =	smul.u32 $0x14000, s5;
	s30 =	ssub.s32 $0x2, s5  }
0x9: {  	s20 =	smul.u32 $0x2B000, s5;
	_ =	strace $0x8000004A;
	s12 =	sshrl.u32 s30, $0x1  }
0xa: {  	s15 =	sshrl.u32 s8, $0x2;
	s6 =	sadd.s32 s7, s6;
	s16 =	sadd.s32 s11, s10  }
0xb: {  	s17 =	sshrl.u32 s13, $0x2;
	s6 =	sshrl.u32 s6, $0x3;
	s0 =	sadd.s32 s0, s16  }
0xc: {  	s8 =	sadd.s32 s15, s2;
	s1 =	sadd.s32 s6, s1;
	[dreg:$0x5] =	wrdreg s0  }
0xd: {  	s6 =	sadd.s32 s17, s3;
	s0 =	sadd.s32 s23, s20;
	s23 =	sshrl.u32 s8, $0x3  }
0xe: {  	s12 =	ssub.s32 s30, s12;
	s19 =	sadd.s32 $0x1000, s6;
	[dreg:$0x14] =	wrdreg s23  }
0xf: {  	s7 =	sor.u32 $0x1C07, s18;
	s21 =	sadd.s32 $0x2000, s6;
	[dreg:$0x6] =	wrdreg s19  }
0x10: {  	s22 =	sadd.s32 $0x3000, s6;
	s24 =	sadd.s32 $0x4000, s6;
	[dreg:$0x7] =	wrdreg s21  }
0x11: {  	s25 =	sadd.s32 $0x5000, s6;
	s26 =	sadd.s32 $0x6000, s6;
	[dreg:$0x8] =	wrdreg s22  }
0x12: {  	s29 =	sadd.s32 $0x7000, s6;
	s30 =	sadd.s32 $0x8000, s6;
	[dreg:$0x9] =	wrdreg s24  }
0x13: {  	s11 =	sadd.s32 $0x9000, s6;
	s13 =	sshrl.u32 s0, $0x3;
	[dreg:$0xa] =	wrdreg s25  }
0x14: {  	s14 =	sor.u32 $0x40, s0;
	s16 =	sor.u32 $0x60, s0;
	[dreg:$0xb] =	wrdreg s26  }
0x15: {  	s17 =	sor.u32 $0xA0, s0;
	s0 =	sor.u32 $0x80, s0;
	[dreg:$0xc] =	wrdreg s29  }
0x16: {  	s18 =	sadd.s32 $0xA000, s6;
	s8 =	sadd.s32 $0x12C00, s6;
	[dreg:$0xd] =	wrdreg s30  }
0x17: {  	s23 =	simm.s32 $0x5;
	[dreg:$0xe] =	wrdreg s11;
	s15 =	sadd.s32 s9, s13  }
0x18: {  	s10 =	sshrl.u32 s14, $0x3;
	s5 =	sshrl.u32 s16, $0x3;
	s0 =	sshrl.u32 s0, $0x3  }
0x19: {  	[dreg:$0x11] =	wrdreg s18;
	s19 =	sadd.s32 $0x21600, s1;
	s22 =	smax.u32 s12, $0x1  }
0x1a: {  	s24 =	sadd.s32 $0xB000, s6;
	s25 =	sadd.s32 $0xC000, s6;
	s26 =	sadd.s32 $0xD000, s6  }
0x1b: {  	s29 =	sadd.s32 $0xE000, s6;
	s30 =	sadd.s32 $0xF000, s6;
	[dreg:$0x12] =	wrdreg s19  }
0x1c: {  	s1 =	sadd.s32 $0x11000, s6;
	s11 =	simm.s32 $0x300;
	[dreg:$0x13] =	wrdreg s22  }
0x1d: {  	s12 =	simm.s32 $0x20;
	s13 =	simm.s32 $0x100;
	[dreg:$0x15] =	wrdreg s24  }
0x1e: {  	s14 =	simm.s32 $0x80;
	s16 =	simm.s32 $0x180;
	[dreg:$0x16] =	wrdreg s25  }
0x1f: {  	s18 =	simm.s32 $0x1300;
	s10 =	sadd.s32 s9, s10;
	[dreg:$0x17] =	wrdreg s26  }
0x20: {  	s5 =	sadd.s32 s9, s5;
	s21 =	sadd.s32 s0, s9;
	[dreg:$0x18] =	wrdreg s29  }
0x21: {  	[dreg:$0x19] =	wrdreg s30;
	s0 =	sadd.s32 $0x10000, s6;
	s31 =	smov.u32 s15  }
.Ltmp0:
0x22: {  	s19 =	simm.s32 $0x3;
	s22 =	simm.s32 $0x1;
	(pc) =	sbr.rel .LBB2_1-.Ltmp0, $4  }
0x23: {  	s24 =	simm.s32 $0x4;
	s25 =	simm.s32 $0x280;
	[dreg:$0xf] =	wrdreg s10  }
0x24: {  	s26 =	simm.s32 $0x6;
	s10 =	sshrl.u32 s17, $0x3;
	[dreg:$0x10] =	wrdreg s5  }
0x25: {  	s5 =	sadd.s32 $0x12000, s6;
	s17 =	simm.s32 $0x200;
	s20 =	sadd.s32 s10, s9  }
0x26: {  	v0 =	vimm.f32 $0.0e+00;
	s9 =	sadd.s32 $0x4, s15;
	s10 =	simm.s32 $0x7;
	s15 =	simm.s32 $0x2  }
.LBB2_6:
0x27: {  	_ =	swait.ge [sflag:s24], $0x1000  }
0x28: {  	[sflag:s24] =	ssyncset.done $0x0  }
0x29: {  	[sflag:s24] =	ssyncadd.s32 $0xFFFFF000  }
0x2a: {  	[spmem:s3] =	stream.indirect.scatter.add.f32 [tilespmem:s18], [sflag:$0x6], $0x80, s25, s12, $0xb8;
	[tilespmem:$0x1FF00] =	vst v63  }
0x2b: {  	_ =	swait.ge [sflag:s23], $0x1000  }
0x2c: {  	[sflag:s23] =	ssyncset.done $0x0  }
0x2d: {  	[sflag:s23] =	ssyncadd.s32 $0xFFFFF000  }
0x2e: {  	_ =	swait.ge [sflag:s26], $0x1000  }
0x2f: {  	[sflag:s26] =	ssyncset.done $0x0  }
0x30: {  	[sflag:s26] =	ssyncadd.s32 $0xFFFFF000  }
0x31: {  	[bflag:$0x0] =	sbarrier.arrive $0xFFFF  }
0x32: {  	s29 =	sshrl.u32 s6, $0x3;
	s30 =	rddreg [dreg:$0x12]  }
0x33: {  	[hbm:s30], [sflag:s7] =	dma.local [spmem:s29], $0x2780  }
0x34: {  	_ =	swait.ge [sflag:s10], $0x2780  }
0x35: {  	s28 =	sadd.s32 $0x1, s28;
	s30 =	rddreg [dreg:$0x13]  }
0x36: {  	p0 =	sne.s32 s28, s30  }
.Ltmp1:
0x37: {  	_ = 	snop;
	(pc) =	sbr.rel @!p0 .LBB2_7-.Ltmp1, $3  }
0x38: {  	_ =	sdelay $0x1  }
0x39: {  	[sflag:s10] =	ssyncset.done $0x0  }
0x3a: {  	[sflag:s10] =	ssyncadd.s32 $0xFFFFD880  }
.LBB2_1:
0x3b: {  	s29 =	rddreg [dreg:$0x5]  }
0x3c: {  	s30 =	rddreg [dreg:$0x14]  }
0x3d: {  	[spmem:s30], [sflag:s7] =	dma.local [hbm:s29], $0x1400  }
0x3e: {  	_ =	swait.ge [sflag:s10], $0x1400  }
0x3f: {  	[sflag:s10] =	ssyncset.done $0x0  }
0x40: {  	s29 =	simm.s32 $0x0;
	s30 =	simm.s32 $0x200;
	[sflag:s10] =	ssyncadd.s32 $0xFFFFEC00  }
.LBB2_2:
0x41: {  	p0 =	sne.s32 s30, $0x3E00;
	[tilespmem:s29+$0x370] =	vst v0  }
0x42: {  	[tilespmem:s29+$0x300] =	vst v0  }
0x43: {  	[tilespmem:s29+$0x310] =	vst v0  }
.Ltmp2:
0x44: {  	[tilespmem:s29+$0x320] =	vst v0;
	(pc) =	sbr.rel @p0 .LBB2_2-.Ltmp2, $4  }
0x45: {  	[tilespmem:s29+$0x330] =	vst v0  }
0x46: {  	[tilespmem:s29+$0x340] =	vst v0  }
0x47: {  	[tilespmem:s29+$0x350] =	vst v0  }
0x48: {  	[tilespmem:s29+$0x360] =	vst v0;
	s29 =	sshra.s32 s30, $0x2;
	s30 =	sadd.s32 $0x200, s30  }
0x49: {  	[tilespmem:s29+$0x370] =	vst v0  }
0x4a: {  	[tilespmem:s29+$0x300] =	vst v0  }
0x4b: {  	[tilespmem:s29+$0x310] =	vst v0  }
0x4c: {  	[tilespmem:s29+$0x320] =	vst v0  }
0x4d: {  	[tilespmem:s29+$0x330] =	vst v0  }
0x4e: {  	[tilespmem:s29+$0x340] =	vst v0  }
0x4f: {  	[tilespmem:s29+$0x350] =	vst v0  }
0x50: {  	[tilespmem:s29+$0x360] =	vst v0  }
0x51: {  	[spmem:s6] =	stream.linear.scatter [tilespmem:s11], [sflag:$0x7], $0x1000, $0x38;
	[tilespmem:$0x1FF00] =	vst v63  }
0x52: {  	_ =	swait.ge [sflag:s10], $0x1000  }
0x53: {  	[sflag:s10] =	ssyncset.done $0x0  }
0x54: {  	s29 =	rddreg [dreg:$0x6];
	[sflag:s10] =	ssyncadd.s32 $0xFFFFF000  }
0x55: {  	[spmem:s29] =	stream.linear.scatter [tilespmem:s11], [sflag:$0x7], $0x1000, $0x38;
	[tilespmem:$0x1FF00] =	vst v63  }
0x56: {  	_ =	swait.ge [sflag:s10], $0x1000  }
0x57: {  	[sflag:s10] =	ssyncset.done $0x0  }
0x58: {  	s29 =	rddreg [dreg:$0x7];
	[sflag:s10] =	ssyncadd.s32 $0xFFFFF000  }
0x59: {  	[spmem:s29] =	stream.linear.scatter [tilespmem:s11], [sflag:$0x7], $0x1000, $0x38;
	[tilespmem:$0x1FF00] =	vst v63  }
0x5a: {  	_ =	swait.ge [sflag:s10], $0x1000  }
0x5b: {  	[sflag:s10] =	ssyncset.done $0x0  }
0x5c: {  	s29 =	rddreg [dreg:$0x8];
	[sflag:s10] =	ssyncadd.s32 $0xFFFFF000  }
0x5d: {  	[spmem:s29] =	stream.linear.scatter [tilespmem:s11], [sflag:$0x7], $0x1000, $0x38;
	[tilespmem:$0x1FF00] =	vst v63  }
0x5e: {  	_ =	swait.ge [sflag:s10], $0x1000  }
0x5f: {  	[sflag:s10] =	ssyncset.done $0x0  }
0x60: {  	s29 =	rddreg [dreg:$0x9];
	[sflag:s10] =	ssyncadd.s32 $0xFFFFF000  }
0x61: {  	[spmem:s29] =	stream.linear.scatter [tilespmem:s11], [sflag:$0x7], $0x1000, $0x38;
	[tilespmem:$0x1FF00] =	vst v63  }
0x62: {  	_ =	swait.ge [sflag:s10], $0x1000  }
0x63: {  	[sflag:s10] =	ssyncset.done $0x0  }
0x64: {  	s29 =	rddreg [dreg:$0xa];
	[sflag:s10] =	ssyncadd.s32 $0xFFFFF000  }
0x65: {  	[spmem:s29] =	stream.linear.scatter [tilespmem:s11], [sflag:$0x7], $0x1000, $0x38;
	[tilespmem:$0x1FF00] =	vst v63  }
0x66: {  	_ =	swait.ge [sflag:s10], $0x1000  }
0x67: {  	[sflag:s10] =	ssyncset.done $0x0  }
0x68: {  	s29 =	rddreg [dreg:$0xb];
	[sflag:s10] =	ssyncadd.s32 $0xFFFFF000  }
0x69: {  	[spmem:s29] =	stream.linear.scatter [tilespmem:s11], [sflag:$0x7], $0x1000, $0x38;
	[tilespmem:$0x1FF00] =	vst v63  }
0x6a: {  	_ =	swait.ge [sflag:s10], $0x1000  }
0x6b: {  	[sflag:s10] =	ssyncset.done $0x0  }
0x6c: {  	s29 =	rddreg [dreg:$0xc];
	[sflag:s10] =	ssyncadd.s32 $0xFFFFF000  }
0x6d: {  	[spmem:s29] =	stream.linear.scatter [tilespmem:s11], [sflag:$0x7], $0x1000, $0x38;
	[tilespmem:$0x1FF00] =	vst v63  }
0x6e: {  	_ =	swait.ge [sflag:s10], $0x1000  }
0x6f: {  	[sflag:s10] =	ssyncset.done $0x0  }
0x70: {  	s29 =	rddreg [dreg:$0xd];
	[sflag:s10] =	ssyncadd.s32 $0xFFFFF000  }
0x71: {  	[spmem:s29] =	stream.linear.scatter [tilespmem:s11], [sflag:$0x7], $0x1000, $0x38;
	[tilespmem:$0x1FF00] =	vst v63  }
0x72: {  	_ =	swait.ge [sflag:s10], $0x1000  }
0x73: {  	[sflag:s10] =	ssyncset.done $0x0  }
0x74: {  	s29 =	rddreg [dreg:$0xe];
	[sflag:s10] =	ssyncadd.s32 $0xFFFFF000  }
0x75: {  	[spmem:s29] =	stream.linear.scatter [tilespmem:s11], [sflag:$0x7], $0x1000, $0x38;
	[tilespmem:$0x1FF00] =	vst v63  }
0x76: {  	_ =	swait.ge [sflag:s10], $0x1000  }
0x77: {  	[sflag:s10] =	ssyncset.done $0x0  }
0x78: {  	s29 =	rddreg [dreg:$0x11];
	[sflag:s10] =	ssyncadd.s32 $0xFFFFF000  }
0x79: {  	[spmem:s29] =	stream.linear.scatter [tilespmem:s11], [sflag:$0x7], $0x1000, $0x38;
	[tilespmem:$0x1FF00] =	vst v63  }
0x7a: {  	_ =	swait.ge [sflag:s10], $0x1000  }
0x7b: {  	[sflag:s10] =	ssyncset.done $0x0  }
0x7c: {  	s29 =	rddreg [dreg:$0x15];
	[sflag:s10] =	ssyncadd.s32 $0xFFFFF000  }
0x7d: {  	[spmem:s29] =	stream.linear.scatter [tilespmem:s11], [sflag:$0x7], $0x1000, $0x38;
	[tilespmem:$0x1FF00] =	vst v63  }
0x7e: {  	_ =	swait.ge [sflag:s10], $0x1000  }
0x7f: {  	[sflag:s10] =	ssyncset.done $0x0  }
0x80: {  	s29 =	rddreg [dreg:$0x16];
	[sflag:s10] =	ssyncadd.s32 $0xFFFFF000  }
0x81: {  	[spmem:s29] =	stream.linear.scatter [tilespmem:s11], [sflag:$0x7], $0x1000, $0x38;
	[tilespmem:$0x1FF00] =	vst v63  }
0x82: {  	_ =	swait.ge [sflag:s10], $0x1000  }
0x83: {  	[sflag:s10] =	ssyncset.done $0x0  }
0x84: {  	s29 =	rddreg [dreg:$0x17];
	[sflag:s10] =	ssyncadd.s32 $0xFFFFF000  }
0x85: {  	[spmem:s29] =	stream.linear.scatter [tilespmem:s11], [sflag:$0x7], $0x1000, $0x38;
	[tilespmem:$0x1FF00] =	vst v63  }
0x86: {  	_ =	swait.ge [sflag:s10], $0x1000  }
0x87: {  	[sflag:s10] =	ssyncset.done $0x0  }
0x88: {  	s29 =	rddreg [dreg:$0x18];
	[sflag:s10] =	ssyncadd.s32 $0xFFFFF000  }
0x89: {  	[spmem:s29] =	stream.linear.scatter [tilespmem:s11], [sflag:$0x7], $0x1000, $0x38;
	[tilespmem:$0x1FF00] =	vst v63  }
0x8a: {  	_ =	swait.ge [sflag:s10], $0x1000  }
0x8b: {  	[sflag:s10] =	ssyncset.done $0x0  }
0x8c: {  	s29 =	rddreg [dreg:$0x19];
	[sflag:s10] =	ssyncadd.s32 $0xFFFFF000  }
0x8d: {  	[spmem:s29] =	stream.linear.scatter [tilespmem:s11], [sflag:$0x7], $0x1000, $0x38;
	[tilespmem:$0x1FF00] =	vst v63  }
0x8e: {  	_ =	swait.ge [sflag:s10], $0x1000  }
0x8f: {  	[sflag:s10] =	ssyncset.done $0x0  }
0x90: {  	[sflag:s10] =	ssyncadd.s32 $0xFFFFF000  }
0x91: {  	[spmem:s0] =	stream.linear.scatter [tilespmem:s11], [sflag:$0x7], $0x1000, $0x38;
	[tilespmem:$0x1FF00] =	vst v63  }
0x92: {  	_ =	swait.ge [sflag:s10], $0x1000  }
0x93: {  	[sflag:s10] =	ssyncset.done $0x0  }
0x94: {  	[sflag:s10] =	ssyncadd.s32 $0xFFFFF000  }
0x95: {  	[spmem:s1] =	stream.linear.scatter [tilespmem:s11], [sflag:$0x7], $0x1000, $0x38;
	[tilespmem:$0x1FF00] =	vst v63  }
0x96: {  	_ =	swait.ge [sflag:s10], $0x1000  }
0x97: {  	[sflag:s10] =	ssyncset.done $0x0  }
0x98: {  	[sflag:s10] =	ssyncadd.s32 $0xFFFFF000  }
0x99: {  	[spmem:s5] =	stream.linear.scatter [tilespmem:s11], [sflag:$0x7], $0x1000, $0x38;
	[tilespmem:$0x1FF00] =	vst v63  }
0x9a: {  	_ =	swait.ge [sflag:s10], $0x1000  }
0x9b: {  	[sflag:s10] =	ssyncset.done $0x0  }
0x9c: {  	[sflag:s10] =	ssyncadd.s32 $0xFFFFF000  }
0x9d: {  	[spmem:s8] =	stream.linear.scatter [tilespmem:s11], [sflag:$0x7], $0x1000, $0x38;
	[tilespmem:$0x1FF00] =	vst v63  }
0x9e: {  	_ =	swait.ge [sflag:s10], $0x1000  }
0x9f: {  	[sflag:s10] =	ssyncset.done $0x0  }
0xa0: {  	[sflag:s10] =	ssyncadd.s32 $0xFFFFF000  }
0xa1: {  	s29 =	simm.s32 $0x0;
	[bflag:$0x0] =	sbarrier.arrive $0xFFFF  }
0xa2: {  	[tilespmem:s29], [sflag:$0x7] =	stream.linear.gather [hbm4b:s31+s29], $0x20, $0x38;
	[tilespmem:$0x1FF00] =	vst v63  }
0xa3: {  	_ =	swait.ge [sflag:s10], $0x20  }
0xa4: {  	[sflag:s10] =	ssyncset.done $0x0  }
0xa5: {  	[sflag:s10] =	ssyncadd.s32 $0xFFFFFFE0  }
0xa6: {  	v1 =	vld [tilespmem:$0x0];
	_ =	sdelay $0x1  }
0xa7: {  	v2 =	vld [tilespmem:$0x10];
	_ =	sdelay $0x2  }
0xa8: {  	v3 =	vand.u32 $0x1FFF, v1  }
0xa9: {  	v1 =	vshrl.u32 v1, $0xD;
	[tilespmem:$0x100] =	vst v3  }
0xaa: {  	[tilespmem:$0x200] =	vst v1;
	v1 =	vand.u32 $0x1FFF, v2  }
0xab: {  	[tilespmem:$0x110] =	vst v1;
	v1 =	vshrl.u32 v2, $0xD  }
0xac: {  	[tilespmem:$0x210] =	vst v1  }
0xad: {  	[tilespmem:s11], [sflag:$0x3] =	stream.indirect.gather [spmem:s2], $0x80, s13, s12, $0xb8;
	[tilespmem:$0x1FF00] =	vst v63  }
0xae: {  	_ = 	snop  }
0xaf: {  	[tilespmem:s14], [sflag:$0x2] =	stream.linear.gather [hbm4b:s9+s29], $0x20, $0x38;
	[tilespmem:$0x1FF00] =	vst v63  }
0xb0: {  	_ =	swait.ge [sflag:s15], $0x20  }
0xb1: {  	[sflag:s15] =	ssyncset.done $0x0  }
0xb2: {  	[sflag:s15] =	ssyncadd.s32 $0xFFFFFFE0  }
0xb3: {  	v1 =	vld [tilespmem:$0x80];
	_ =	sdelay $0x1  }
0xb4: {  	v2 =	vld [tilespmem:$0x90];
	_ =	sdelay $0x2  }
0xb5: {  	v3 =	vand.u32 $0x1FFF, v1  }
0xb6: {  	v1 =	vshrl.u32 v1, $0xD;
	[tilespmem:$0x180] =	vst v3  }
0xb7: {  	[tilespmem:$0x280] =	vst v1;
	v1 =	vand.u32 $0x1FFF, v2  }
0xb8: {  	[tilespmem:$0x190] =	vst v1;
	v1 =	vshrl.u32 v2, $0xD  }
0xb9: {  	[tilespmem:$0x290] =	vst v1  }
0xba: {  	[tilespmem:s18], [sflag:$0x4] =	stream.indirect.gather [spmem:s2], $0x80, s16, s12, $0xb8;
	[tilespmem:$0x1FF00] =	vst v63  }
0xbb: {  	_ =	swait.ge [sflag:s19], $0x1000  }
0xbc: {  	[sflag:s19] =	ssyncset.done $0x0  }
0xbd: {  	[sflag:s19] =	ssyncadd.s32 $0xFFFFF000  }
0xbe: {  	[spmem:s3] =	stream.indirect.scatter.add.f32 [tilespmem:s11], [sflag:$0x5], $0x80, s17, s12, $0xb8;
	[tilespmem:$0x1FF00] =	vst v63  }
0xbf: {  	s30 =	rddreg [dreg:$0xf]  }
0xc0: {  	[tilespmem:s29], [sflag:$0x1] =	stream.linear.gather [hbm4b:s30+s29], $0x20, $0x38;
	[tilespmem:$0x1FF00] =	vst v63  }
0xc1: {  	_ =	swait.ge [sflag:s22], $0x20  }
0xc2: {  	[sflag:s22] =	ssyncset.done $0x0  }
0xc3: {  	[sflag:s22] =	ssyncadd.s32 $0xFFFFFFE0  }
0xc4: {  	_ =	swait.ge [sflag:s23], $0x1000  }
0xc5: {  	[sflag:s23] =	ssyncset.done $0x0  }
0xc6: {  	[sflag:s23] =	ssyncadd.s32 $0xFFFFF000  }
0xc7: {  	v1 =	vld [tilespmem:$0x0];
	_ =	sdelay $0x1  }
0xc8: {  	v2 =	vld [tilespmem:$0x10];
	_ =	sdelay $0x2  }
0xc9: {  	v3 =	vand.u32 $0x1FFF, v1  }
0xca: {  	v1 =	vshrl.u32 v1, $0xD;
	[tilespmem:$0x100] =	vst v3  }
0xcb: {  	[tilespmem:$0x200] =	vst v1;
	v1 =	vand.u32 $0x1FFF, v2  }
0xcc: {  	[tilespmem:$0x110] =	vst v1;
	v1 =	vshrl.u32 v2, $0xD  }
0xcd: {  	[tilespmem:$0x210] =	vst v1  }
0xce: {  	[tilespmem:s11], [sflag:$0x3] =	stream.indirect.gather [spmem:s2], $0x80, s13, s12, $0xb8;
	[tilespmem:$0x1FF00] =	vst v63  }
0xcf: {  	_ =	swait.ge [sflag:s24], $0x1000  }
0xd0: {  	[sflag:s24] =	ssyncset.done $0x0  }
0xd1: {  	[sflag:s24] =	ssyncadd.s32 $0xFFFFF000  }
0xd2: {  	[spmem:s3] =	stream.indirect.scatter.add.f32 [tilespmem:s18], [sflag:$0x6], $0x80, s25, s12, $0xb8;
	[tilespmem:$0x1FF00] =	vst v63  }
0xd3: {  	s30 =	rddreg [dreg:$0x10]  }
0xd4: {  	[tilespmem:s14], [sflag:$0x2] =	stream.linear.gather [hbm4b:s30+s29], $0x20, $0x38;
	[tilespmem:$0x1FF00] =	vst v63  }
.LBB2_4:
0xd5: {  	_ =	swait.ge [sflag:s15], $0x20  }
0xd6: {  	[sflag:s15] =	ssyncset.done $0x0  }
0xd7: {  	[sflag:s15] =	ssyncadd.s32 $0xFFFFFFE0  }
0xd8: {  	_ =	swait.ge [sflag:s26], $0x1000  }
0xd9: {  	[sflag:s26] =	ssyncset.done $0x0  }
0xda: {  	[sflag:s26] =	ssyncadd.s32 $0xFFFFF000  }
0xdb: {  	v1 =	vld [tilespmem:$0x80];
	_ =	sdelay $0x1  }
0xdc: {  	v2 =	vld [tilespmem:$0x90];
	_ =	sdelay $0x2  }
0xdd: {  	v3 =	vand.u32 $0x1FFF, v1  }
0xde: {  	v1 =	vshrl.u32 v1, $0xD;
	[tilespmem:$0x180] =	vst v3  }
0xdf: {  	[tilespmem:$0x280] =	vst v1;
	v1 =	vand.u32 $0x1FFF, v2  }
0xe0: {  	[tilespmem:$0x190] =	vst v1;
	v1 =	vshrl.u32 v2, $0xD  }
0xe1: {  	p0 =	seq.s32 s29, $0x550;
	[tilespmem:$0x290] =	vst v1  }
0xe2: {  	[tilespmem:s18], [sflag:$0x4] =	stream.indirect.gather [spmem:s2], $0x80, s16, s12, $0xb8;
	[tilespmem:$0x1FF00] =	vst v63  }
.Ltmp3:
0xe3: {  	_ = 	snop;
	(pc) =	sbr.rel @p0 .LBB2_6-.Ltmp3, $4  }
0xe4: {  	_ =	swait.ge [sflag:s19], $0x1000  }
0xe5: {  	[sflag:s19] =	ssyncset.done $0x0  }
0xe6: {  	[sflag:s19] =	ssyncadd.s32 $0xFFFFF000  }
0xe7: {  	[spmem:s3] =	stream.indirect.scatter.add.f32 [tilespmem:s11], [sflag:$0x5], $0x80, s17, s12, $0xb8;
	[tilespmem:$0x1FF00] =	vst v63  }
0xe8: {  	s30 =	sadd.s32 s29, s21  }
0xe9: {  	[tilespmem:s4], [sflag:$0x1] =	stream.linear.gather [hbm4b:s30+s4], $0x20, $0x38;
	[tilespmem:$0x1FF00] =	vst v63  }
0xea: {  	_ =	swait.ge [sflag:s22], $0x20  }
0xeb: {  	[sflag:s22] =	ssyncset.done $0x0  }
0xec: {  	[sflag:s22] =	ssyncadd.s32 $0xFFFFFFE0  }
0xed: {  	_ =	swait.ge [sflag:s23], $0x1000  }
0xee: {  	[sflag:s23] =	ssyncset.done $0x0  }
0xef: {  	[sflag:s23] =	ssyncadd.s32 $0xFFFFF000  }
0xf0: {  	v1 =	vld [tilespmem:$0x0];
	_ =	sdelay $0x1  }
0xf1: {  	v2 =	vld [tilespmem:$0x10];
	_ =	sdelay $0x2  }
0xf2: {  	v3 =	vand.u32 $0x1FFF, v1  }
0xf3: {  	v1 =	vshrl.u32 v1, $0xD;
	[tilespmem:$0x100] =	vst v3  }
0xf4: {  	[tilespmem:$0x200] =	vst v1;
	v1 =	vand.u32 $0x1FFF, v2  }
0xf5: {  	[tilespmem:$0x110] =	vst v1;
	v1 =	vshrl.u32 v2, $0xD  }
0xf6: {  	[tilespmem:$0x210] =	vst v1  }
0xf7: {  	[tilespmem:s11], [sflag:$0x3] =	stream.indirect.gather [spmem:s2], $0x80, s13, s12, $0xb8;
	[tilespmem:$0x1FF00] =	vst v63  }
0xf8: {  	_ =	swait.ge [sflag:s24], $0x1000  }
.Ltmp4:
0xf9: {  	[sflag:s24] =	ssyncset.done $0x0;
	(pc) =	sbr.rel .LBB2_4-.Ltmp4, $4  }
0xfa: {  	[sflag:s24] =	ssyncadd.s32 $0xFFFFF000  }
0xfb: {  	[spmem:s3] =	stream.indirect.scatter.add.f32 [tilespmem:s18], [sflag:$0x6], $0x80, s25, s12, $0xb8;
	[tilespmem:$0x1FF00] =	vst v63  }
0xfc: {  	s30 =	sadd.s32 s29, s20;
	s29 =	sadd.s32 $0x8, s29  }
0xfd: {  	[tilespmem:s14], [sflag:$0x2] =	stream.linear.gather [hbm4b:s30+s4], $0x20, $0x38;
	[tilespmem:$0x1FF00] =	vst v63  }
.LBB2_7:
0xfe: {  	_ =	sfence.sel $0x180000  }
0xff: {  	[bflag:$0x0] =	sbarrier.arrive $0xFFFF  }
0x100: {  	_ =	strace $0x9000004A  }
0x101: {  	s0 =	stileid.u32;
	[bflag:$0x2] =	sbarrier.arrive $0xFFFF  }
0x102: {  	p0 =	sne.s32 s0, $0x0;
	s0 =	rddreg [dreg:$0x4]  }
0x103: {  	s0 =	sadd.s32 @!p0 $0x100000, s0  }
0x104: {  	[sflag:s0] =	ssyncadd.tile.s32 @!p0 $0x1;
	_ =	shalt  }
.Lfunc_end2:
_tile_overlayer_lowered:
.L_overlay_start_2:
0x105: {  	(tag) =	ssettag $0x2  }
0x106: {  	s0 =	rddreg [dreg:$0x0];
	s2 =	stileid.u32  }
0x107: {  	s1 =	rddreg [dreg:$0x1];
	p0 =	sne.s32 s2, $0x0  }
0x108: {  	s3 =	rddreg [dreg:$0x2];
	[bflag:$0x3] =	sbarrier.arrive $0xFFFF;
	s2 =	simm.s32 @!p0 $0x1C07  }
0x109: {  	[timem:s3], [sflag:s2] =	dma.local @!p0 [hbm:s0], s1  }
0x10a: {  	s0 =	simm.s32 @!p0 $0x7  }
0x10b: {  	_ =	swait.ge @!p0 [sflag:s0], s1  }
0x10c: {  	s1 =	ssub.s32 @!p0 $0x0, s1;
	[sflag:s0] =	ssyncset.done @!p0 $0x0  }
0x10d: {  	[sflag:s0] =	ssyncadd.s32 @!p0 s1  }
0x10e: {  	[bflag:$0x3] =	sbarrier.arrive $0xFFFF  }
0x10f: {  	_ =	shalt  }

// kernel: kernel.14.cloned.1.call-start
scs
__scs_entry_jumppad:
0x0: {  	(pc) =	sbr.rel $0x88, $3  }
0x1: {  	(tag) =	ssettag $0x0;
	lr =	simm.s32 $0x1  }
0x2: {  	[smem:$0x3F9B] =	sst lr;
	_ =	strace $0xD0000000  }
0x3: {  	_ = 	snop  }
0x4: {  	_ = 	snop  }
0x5: {  	_ = 	snop  }
0x6: {  	_ = 	snop  }
0x7: {  	_ = 	snop  }
__scs_overlays_trampoline_lowered:
0x8: {  	[smem:$0x3FAA] =	sst s0  }
0x9: {  	[smem:$0x3FAB] =	sst s1  }
0xa: {  	[smem:$0x3FAC] =	sst s2  }
0xb: {  	[smem:$0x3FAD] =	sst s3  }
0xc: {  	[smem:$0x3FAE] =	sst s4  }
0xd: {  	[smem:$0x3FAF] =	sst s5  }
0xe: {  	[smem:$0x3FB0] =	sst s6  }
0xf: {  	[smem:$0x3FB1] =	sst s7  }
0x10: {  	[smem:$0x3FB2] =	sst s8  }
0x11: {  	[smem:$0x3FB3] =	sst s9;
	s0 =	simm.s32 @!p0 $0x0  }
0x12: {  	s1 =	sld [smem:$0x3F99];
	s0 =	simm.s32 @p0 $0x1  }
0x13: {  	[smem:$0x3FB4] =	sst s0;
	s0 =	simm.s32 @!p1 $0x0  }
0x14: {  	s2 =	sld [smem:$0x3F98];
	s0 =	simm.s32 @p1 $0x1  }
0x15: {  	[smem:$0x3FB5] =	sst s0;
	s0 =	simm.s32 @!p2 $0x0  }
0x16: {  	s3 =	sld [smem:$0x3FDB];
	s0 =	simm.s32 @p2 $0x1  }
0x17: {  	s4 =	simm.s32 $0x1BF5;
	[smem:$0x3FB7] =	sst s0  }
0x18: {  	s0 =	sld [smem:$0x3F9A];
	_ =	swait.ge [sflag:s4], $0x0  }
0x19: {  	s7 =	sld [smem:$0x3F9B]  }
0x1a: {  	s8 =	sadd.s32 $0xFFFFE003, lr  }
0x1b: {  	s9 =	sadd.s32 $0xFFFFFEF7, lr;
	s5 =	simm.s32 $0xFFFFFFFF;
	p2 =	slt.u32 s8, $0xFFFFF086  }
0x1c: {  	p1 =	slt.u32 s9, $0xF7A;
	s5 =	simm.s32 @!p2 $0x0  }
0x1d: {  	s5 =	simm.s32 @p1 $0x1;
	p0 =	seq.s32 s7, s2  }
0x1e: {  	s7 =	smul.u32 @!p0 $0xF7A, s2;
	p2 =	seq.s32 @!p0 s5, $0x0  }
0x1f: {  	s9 =	smul.u32 $0xF7A, s1;
	s8 =	simm.s32 @!p0 $0x1BF5;
	p2 =	por !p2, p0  }
0x20: {  	[sflag:s8] =	ssyncset.s32 @!p0 $0xFFFFF086;
	s6 =	sadd.s32 @!p0 s3, s7;
	s7 =	simm.s32 @!p0 $0x108  }
0x21: {  	s3 =	sadd.s32 s3, s9;
	s6 =	sadd.s32 @!p0 $0x88, s6;
	s7 =	simm.s32 @p2 $0x1082  }
0x22: {  	[simem:s7], [sflag:s8] =	dma.local @!p0 [hbm:s6], $0xF7A  }
0x23: {  	s9 =	sor.u32 $0xD0000000, s2;
	s6 =	simm.s32 $0x108;
	_ =	swait.ge @!p0 [sflag:s8], $0x0  }
0x24: {  	s3 =	sadd.s32 $0x88, s3;
	s6 =	simm.s32 @!p1 $0x1082;
	[sflag:s4] =	ssyncset.s32 $0xFFFFF086  }
0x25: {  	[simem:s6], [sflag:s4] =	dma.local [hbm:s3], $0xF7A  }
0x26: {  	[smem:$0x3F9B] =	sst s1;
	(tag) =	ssettag s2;
	_ =	strace s9  }
0x27: {  	s1 =	sld [smem:$0x3FAB]  }
0x28: {  	s2 =	sld [smem:$0x3FAC]  }
0x29: {  	s4 =	sld [smem:$0x3FAE]  }
0x2a: {  	p0 =	seq.s32 s5, $0x0;
	s5 =	sld [smem:$0x3FAF]  }
0x2b: {  	s6 =	sld [smem:$0x3FB0]  }
0x2c: {  	s7 =	sld [smem:$0x3FB1]  }
0x2d: {  	s3 =	simm.s32 $0x108;
	s8 =	sld [smem:$0x3FB2]  }
0x2e: {  	s3 =	simm.s32 @!p0 $0x1082;
	s9 =	sld [smem:$0x3FB3]  }
0x2f: {  	lr =	sadd.s32 s0, s3;
	s0 =	sld [smem:$0x3FAA]  }
0x30: {  	s3 =	sld [smem:$0x3FAD]  }
0x31: {  	[smem:$0x3FB6] =	sst s10  }
0x32: {  	s10 =	sld [smem:$0x3FB4];
	_ =	sdelay $0x3  }
0x33: {  	p0 =	seq.s32 s10, $0x1;
	s10 =	sld [smem:$0x3FB6];
	_ =	sdelay $0x3  }
0x34: {  	[smem:$0x3FB6] =	sst s10  }
0x35: {  	s10 =	sld [smem:$0x3FB5];
	_ =	sdelay $0x3  }
0x36: {  	p1 =	seq.s32 s10, $0x1;
	s10 =	sld [smem:$0x3FB6];
	_ =	sdelay $0x3  }
0x37: {  	[smem:$0x3FB6] =	sst s10  }
0x38: {  	s10 =	sld [smem:$0x3FB7]  }
0x39: {  	_ = 	snop;
	(pc) =	sbr.ind lr, $3  }
0x3a: {  	_ = 	snop  }
0x3b: {  	_ = 	snop  }
0x3c: {  	p2 =	seq.s32 s10, $0x1;
	s10 =	sld [smem:$0x3FB6]  }
0x3d: {  	_ =	shalt  }
0x3e: {  	_ =	shalt  }
0x3f: {  	_ =	shalt  }
0x40: {  	_ =	shalt  }
0x41: {  	_ =	shalt  }
0x42: {  	_ =	shalt  }
0x43: {  	_ =	shalt  }
0x44: {  	_ =	shalt  }
0x45: {  	_ =	shalt  }
0x46: {  	_ =	shalt  }
0x47: {  	_ =	shalt  }
0x48: {  	_ =	shalt  }
0x49: {  	_ =	shalt  }
0x4a: {  	_ =	shalt  }
0x4b: {  	_ =	shalt  }
0x4c: {  	_ =	shalt  }
0x4d: {  	_ =	shalt  }
0x4e: {  	_ =	shalt  }
0x4f: {  	_ =	shalt  }
0x50: {  	_ =	shalt  }
0x51: {  	_ =	shalt  }
0x52: {  	_ =	shalt  }
0x53: {  	_ =	shalt  }
0x54: {  	_ =	shalt  }
0x55: {  	_ =	shalt  }
0x56: {  	_ =	shalt  }
0x57: {  	_ =	shalt  }
0x58: {  	_ =	shalt  }
0x59: {  	_ =	shalt  }
0x5a: {  	_ =	shalt  }
0x5b: {  	_ =	shalt  }
0x5c: {  	_ =	shalt  }
0x5d: {  	_ =	shalt  }
0x5e: {  	_ =	shalt  }
0x5f: {  	_ =	shalt  }
0x60: {  	_ =	shalt  }
0x61: {  	_ =	shalt  }
0x62: {  	_ =	shalt  }
0x63: {  	_ =	shalt  }
0x64: {  	_ =	shalt  }
0x65: {  	_ =	shalt  }
0x66: {  	_ =	shalt  }
0x67: {  	_ =	shalt  }
0x68: {  	_ =	shalt  }
0x69: {  	_ =	shalt  }
0x6a: {  	_ =	shalt  }
0x6b: {  	_ =	shalt  }
0x6c: {  	_ =	shalt  }
0x6d: {  	_ =	shalt  }
0x6e: {  	_ =	shalt  }
0x6f: {  	_ =	shalt  }
0x70: {  	_ =	shalt  }
0x71: {  	_ =	shalt  }
0x72: {  	_ =	shalt  }
0x73: {  	_ =	shalt  }
0x74: {  	_ =	shalt  }
0x75: {  	_ =	shalt  }
0x76: {  	_ =	shalt  }
0x77: {  	_ =	shalt  }
0x78: {  	_ =	shalt  }
0x79: {  	_ =	shalt  }
0x7a: {  	_ =	shalt  }
0x7b: {  	_ =	shalt  }
0x7c: {  	_ =	shalt  }
0x7d: {  	_ =	shalt  }
0x7e: {  	_ =	shalt  }
0x7f: {  	_ =	shalt  }
0x80: {  	_ =	shalt  }
0x81: {  	_ =	shalt  }
0x82: {  	_ =	shalt  }
0x83: {  	_ =	shalt  }
0x84: {  	_ =	shalt  }
0x85: {  	_ =	shalt  }
0x86: {  	_ =	shalt  }
0x87: {  	_ =	shalt  }
.Lfunc_end0:
.L_simem_size_0:
called_computation.2_lowered:
.L_overlay_start_0:
0x88: {  	s2 =	sld [smem:$0x3FD9]  }
0x89: {  	s3 =	sld [smem:$0x3FFE];
	_ =	sdelay $0x1  }
0x8a: {  	s1 =	srdreg.scid  }
0x8b: {  	s0 =	sand.u32 $0x1, s1  }
0x8c: {  	s17 =	sshll.u32 s0, $0xA;
	s2 =	sadd.s32 s3, s2  }
0x8d: {  	s2 =	sadd.s32 s2, s17  }
0x8e: {  	[smem:$0x3FC2] =	sst s2  }
0x8f: {  	_ = 	snop  }
0x90: {  	s2 =	sld [smem:$0x3FD0];
	(tm) =	ssettm $0x1  }
0x91: {  	s18 =	sld [smem:$0x3FFB];
	_ =	sdelay $0x3  }
0x92: {  	_ =	strace s18  }
0x93: {  	s3 =	sld [smem:$0x3FFC];
	_ =	sdelay $0x3  }
0x94: {  	_ =	strace s3  }
0x95: {  	s3 =	sld [smem:$0x3FFD];
	_ =	sdelay $0x3  }
0x96: {  	_ =	strace s3  }
0x97: {  	_ =	strace $0x8FFFFFFF  }
0x98: {  	s19 =	sld [smem:$0x3FDB];
	_ =	sdelay $0x1  }
0x99: {  	s4 =	simm.s32 $_scs_section_size  }
0x9a: {  	s5 =	simm.s32 $_size__tile_overlayer_lowered;
	s6 =	simm.s32 $_tile_overlayer_lowered  }
0x9b: {  	s22 =	simm.s32 $0x1BFF;
	s21 =	sshll.u32 s6, $0x1;
	s3 =	sadd.s32 s4, s19  }
0x9c: {  	s7 =	simm.s32 $0x0;
	s20 =	sshll.u32 s5, $0x1;
	s5 =	sadd.s32 s21, s3  }
0x9d: {  	[timem:s7], [sflag:s22] =	dma.local [hbm:s5], s20  }
0x9e: {  	_ =	swait.ge [sflag:s22], s20  }
0x9f: {  	s4 =	ssub.s32 $0x0, s20;
	[sflag:s22] =	ssyncset.done $0x0  }
0xa0: {  	[sflag:s22] =	ssyncadd.s32 s4;
	_ =	sdelay $0x1  }
0xa1: {  	s23 =	simm.s32 $0x1B8B  }
0xa2: {  	_ =	swait.ge [sflag:s23], $0x1  }
0xa3: {  	[sflag:s23] =	ssyncset.done $0x0  }
0xa4: {  	s25 =	simm.s32 $0x1B8E;
	s24 =	sld [smem:$0x3FFE];
	[sflag:s23] =	ssyncadd.s32 $0xFFFFFFFF  }
0xa5: {  	s26 =	simm.s32 $execute0_lowered;
	[smem:$0x3FD2] =	sst s25  }
0xa6: {  	s5 =	sshll.u32 s26, $0x1;
	_ =	strace $0x8000004C;
	[dreg:$0x1] =	wrdreg $0xFFFFFFFF  }
0xa7: {  	s28 =	simm.s32 $_size_execute0_lowered;
	s3 =	sadd.s32 s3, s5;
	[dreg:$0x0] =	wrdreg $0x0  }
0xa8: {  	s5 =	sshll.u32 s28, $0x1;
	[dreg:$0x2] =	wrdreg s3  }
0xa9: {  	[dreg:$0x3] =	wrdreg s5  }
0xaa: {  	[dreg:$0x4] =	wrdreg $0xC0  }
0xab: {  	_ =	task [dreg:s7], $0x5FFFF  }
0xac: {  	[dreg:$0x1] =	wrdreg $0xFFFFFFFF  }
0xad: {  	[dreg:$0x0] =	wrdreg $0x60  }
0xae: {  	[dreg:$0x2] =	wrdreg s2  }
0xaf: {  	[dreg:$0x3] =	wrdreg s24  }
0xb0: {  	[dreg:$0x4] =	wrdreg $0x23000  }
0xb1: {  	[dreg:$0x5] =	wrdreg $0xC3000  }
0xb2: {  	[dreg:$0x6] =	wrdreg $0x9  }
0xb3: {  	_ =	task.clear_ibuf [dreg:s7], $0x7FFFF;
	_ =	strace $0x9000004C  }
0xb4: {  	s29 =	simm.s32 $0x9;
	_ =	strace $0x8000004E  }
0xb5: {  	_ =	swait.ge [sflag:s29], $0x1  }
0xb6: {  	[sflag:s29] =	ssyncadd.s32 $0xFFFFFFFF  }
0xb7: {  	_ =	strace $0x9000004E  }
0xb8: {  	_ =	sfence  }
0xb9: {  	s30 =	sld [smem:$0x0];
	_ =	sdelay $0x2  }
0xba: {  	s31 =	sshll.u32 s1, $0xD;
	s1 =	sshrl.u32 s1, $0x2  }
0xbb: {  	s3 =	sand.u32 $0x4000, s31;
	s1 =	sadd.s32 s1, s30  }
0xbc: {  	s0 =	sor.u32 s3, s0;
	s1 =	sshll.u32 s1, $0x11  }
0xbd: {  	s0 =	sor.u32 s1, s0  }
0xbe: {  	s0 =	sadd.s32 $0x8F2B, s0  }
0xbf: {  	[sflag:s0] =	ssyncadd.remote.s32 $0x1  }
0xc0: {  	_ =	sfence.sel $0xFFFF  }
0xc1: {  	[dreg:$0x0] =	wrdreg $0xFFFFFFFF;
	(pc) =	sbr.abs _section_cstart, $3  }
0xc2: {  	[dreg:$0x1] =	wrdreg $0xFFFFFFFF  }
0xc3: {  	_ =	task.clear_ibuf [dreg:s7], $0x2FFFF;
	_ =	strace $0x9FFFFFFF  }
0xc4: {  	(tm) =	ssettm $0x7FFFFFFF  }
0xc5: {  	_ =	shalt  }
tec
execute0_lowered:
.L_overlay_start_1:
0x0: {  	(tag) =	ssettag $0x1  }
0x1: {  	s0 =	rddreg [dreg:$0x0];
	s14 =	stileid.u32  }
0x2: {  	s1 =	rddreg [dreg:$0x1];
	s7 =	smul.u32 $0x13C00, s14  }
0x3: {  	s2 =	rddreg [dreg:$0x2];
	s8 =	smul.u32 $0x28000, s14  }
0x4: {  	s4 =	srdreg.scid;
	s11 =	smul.u32 $0x1400, s14  }
0x5: {  	s3 =	rddreg [dreg:$0x3];
	s28 =	simm.s32 $0x0;
	s13 =	smul.u32 $0x4F000, s14  }
0x6: {  	s5 =	sand.u32 $0x1, s4;
	s4 =	simm.s32 $0x0;
	s23 =	smul.u32 $0x2B00, s14  }
0x7: {  	s9 =	sadd.s32 $0x16A00, s1;
	s18 =	sshll.u32 s14, $0x6;
	s6 =	smul.u32 $0x13C000, s5  }
0x8: {  	[smem:$0x7FF] =	sst s4;
	s10 =	smul.u32 $0x14000, s5;
	s30 =	ssub.s32 $0x2, s5  }
0x9: {  	s20 =	smul.u32 $0x2B000, s5;
	_ =	strace $0x8000004D;
	s12 =	sshrl.u32 s30, $0x1  }
0xa: {  	s15 =	sshrl.u32 s8, $0x2;
	s6 =	sadd.s32 s7, s6;
	s16 =	sadd.s32 s11, s10  }
0xb: {  	s17 =	sshrl.u32 s13, $0x2;
	s6 =	sshrl.u32 s6, $0x3;
	s0 =	sadd.s32 s0, s16  }
0xc: {  	s8 =	sadd.s32 s15, s2;
	s1 =	sadd.s32 s6, s1;
	[dreg:$0x5] =	wrdreg s0  }
0xd: {  	s6 =	sadd.s32 s17, s3;
	s0 =	sadd.s32 s23, s20;
	s23 =	sshrl.u32 s8, $0x3  }
0xe: {  	s12 =	ssub.s32 s30, s12;
	s19 =	sadd.s32 $0x1000, s6;
	[dreg:$0x14] =	wrdreg s23  }
0xf: {  	s7 =	sor.u32 $0x1C07, s18;
	s21 =	sadd.s32 $0x2000, s6;
	[dreg:$0x6] =	wrdreg s19  }
0x10: {  	s22 =	sadd.s32 $0x3000, s6;
	s24 =	sadd.s32 $0x4000, s6;
	[dreg:$0x7] =	wrdreg s21  }
0x11: {  	s25 =	sadd.s32 $0x5000, s6;
	s26 =	sadd.s32 $0x6000, s6;
	[dreg:$0x8] =	wrdreg s22  }
0x12: {  	s29 =	sadd.s32 $0x7000, s6;
	s30 =	sadd.s32 $0x8000, s6;
	[dreg:$0x9] =	wrdreg s24  }
0x13: {  	s11 =	sadd.s32 $0x9000, s6;
	s13 =	sshrl.u32 s0, $0x3;
	[dreg:$0xa] =	wrdreg s25  }
0x14: {  	s14 =	sor.u32 $0x40, s0;
	s16 =	sor.u32 $0x60, s0;
	[dreg:$0xb] =	wrdreg s26  }
0x15: {  	s17 =	sor.u32 $0xA0, s0;
	s0 =	sor.u32 $0x80, s0;
	[dreg:$0xc] =	wrdreg s29  }
0x16: {  	s18 =	sadd.s32 $0xA000, s6;
	s8 =	sadd.s32 $0x12C00, s6;
	[dreg:$0xd] =	wrdreg s30  }
0x17: {  	s23 =	simm.s32 $0x5;
	[dreg:$0xe] =	wrdreg s11;
	s15 =	sadd.s32 s9, s13  }
0x18: {  	s10 =	sshrl.u32 s14, $0x3;
	s5 =	sshrl.u32 s16, $0x3;
	s0 =	sshrl.u32 s0, $0x3  }
0x19: {  	[dreg:$0x11] =	wrdreg s18;
	s19 =	sadd.s32 $0x21600, s1;
	s22 =	smax.u32 s12, $0x1  }
0x1a: {  	s24 =	sadd.s32 $0xB000, s6;
	s25 =	sadd.s32 $0xC000, s6;
	s26 =	sadd.s32 $0xD000, s6  }
0x1b: {  	s29 =	sadd.s32 $0xE000, s6;
	s30 =	sadd.s32 $0xF000, s6;
	[dreg:$0x12] =	wrdreg s19  }
0x1c: {  	s1 =	sadd.s32 $0x11000, s6;
	s11 =	simm.s32 $0x300;
	[dreg:$0x13] =	wrdreg s22  }
0x1d: {  	s12 =	simm.s32 $0x20;
	s13 =	simm.s32 $0x100;
	[dreg:$0x15] =	wrdreg s24  }
0x1e: {  	s14 =	simm.s32 $0x80;
	s16 =	simm.s32 $0x180;
	[dreg:$0x16] =	wrdreg s25  }
0x1f: {  	s18 =	simm.s32 $0x1300;
	s10 =	sadd.s32 s9, s10;
	[dreg:$0x17] =	wrdreg s26  }
0x20: {  	s5 =	sadd.s32 s9, s5;
	s21 =	sadd.s32 s0, s9;
	[dreg:$0x18] =	wrdreg s29  }
0x21: {  	[dreg:$0x19] =	wrdreg s30;
	s0 =	sadd.s32 $0x10000, s6;
	s31 =	smov.u32 s15  }
.Ltmp0:
0x22: {  	s19 =	simm.s32 $0x3;
	s22 =	simm.s32 $0x1;
	(pc) =	sbr.rel .LBB2_1-.Ltmp0, $4  }
0x23: {  	s24 =	simm.s32 $0x4;
	s25 =	simm.s32 $0x280;
	[dreg:$0xf] =	wrdreg s10  }
0x24: {  	s26 =	simm.s32 $0x6;
	s10 =	sshrl.u32 s17, $0x3;
	[dreg:$0x10] =	wrdreg s5  }
0x25: {  	s5 =	sadd.s32 $0x12000, s6;
	s17 =	simm.s32 $0x200;
	s20 =	sadd.s32 s10, s9  }
0x26: {  	v0 =	vimm.f32 $0.0e+00;
	s9 =	sadd.s32 $0x4, s15;
	s10 =	simm.s32 $0x7;
	s15 =	simm.s32 $0x2  }
.LBB2_6:
0x27: {  	_ =	swait.ge [sflag:s24], $0x1000  }
0x28: {  	[sflag:s24] =	ssyncset.done $0x0  }
0x29: {  	[sflag:s24] =	ssyncadd.s32 $0xFFFFF000  }
0x2a: {  	[spmem:s3] =	stream.indirect.scatter.add.f32 [tilespmem:s18], [sflag:$0x6], $0x80, s25, s12, $0xb8;
	[tilespmem:$0x1FF00] =	vst v63  }
0x2b: {  	_ =	swait.ge [sflag:s23], $0x1000  }
0x2c: {  	[sflag:s23] =	ssyncset.done $0x0  }
0x2d: {  	[sflag:s23] =	ssyncadd.s32 $0xFFFFF000  }
0x2e: {  	_ =	swait.ge [sflag:s26], $0x1000  }
0x2f: {  	[sflag:s26] =	ssyncset.done $0x0  }
0x30: {  	[sflag:s26] =	ssyncadd.s32 $0xFFFFF000  }
0x31: {  	[bflag:$0x0] =	sbarrier.arrive $0xFFFF  }
0x32: {  	s29 =	sshrl.u32 s6, $0x3;
	s30 =	rddreg [dreg:$0x12]  }
0x33: {  	[hbm:s30], [sflag:s7] =	dma.local [spmem:s29], $0x2780  }
0x34: {  	_ =	swait.ge [sflag:s10], $0x2780  }
0x35: {  	s28 =	sadd.s32 $0x1, s28;
	s30 =	rddreg [dreg:$0x13]  }
0x36: {  	p0 =	sne.s32 s28, s30  }
.Ltmp1:
0x37: {  	_ = 	snop;
	(pc) =	sbr.rel @!p0 .LBB2_7-.Ltmp1, $3  }
0x38: {  	_ =	sdelay $0x1  }
0x39: {  	[sflag:s10] =	ssyncset.done $0x0  }
0x3a: {  	[sflag:s10] =	ssyncadd.s32 $0xFFFFD880  }
.LBB2_1:
0x3b: {  	s29 =	rddreg [dreg:$0x5]  }
0x3c: {  	s30 =	rddreg [dreg:$0x14]  }
0x3d: {  	[spmem:s30], [sflag:s7] =	dma.local [hbm:s29], $0x1400  }
0x3e: {  	_ =	swait.ge [sflag:s10], $0x1400  }
0x3f: {  	[sflag:s10] =	ssyncset.done $0x0  }
0x40: {  	s29 =	simm.s32 $0x0;
	s30 =	simm.s32 $0x200;
	[sflag:s10] =	ssyncadd.s32 $0xFFFFEC00  }
.LBB2_2:
0x41: {  	p0 =	sne.s32 s30, $0x3E00;
	[tilespmem:s29+$0x370] =	vst v0  }
0x42: {  	[tilespmem:s29+$0x300] =	vst v0  }
0x43: {  	[tilespmem:s29+$0x310] =	vst v0  }
.Ltmp2:
0x44: {  	[tilespmem:s29+$0x320] =	vst v0;
	(pc) =	sbr.rel @p0 .LBB2_2-.Ltmp2, $4  }
0x45: {  	[tilespmem:s29+$0x330] =	vst v0  }
0x46: {  	[tilespmem:s29+$0x340] =	vst v0  }
0x47: {  	[tilespmem:s29+$0x350] =	vst v0  }
0x48: {  	[tilespmem:s29+$0x360] =	vst v0;
	s29 =	sshra.s32 s30, $0x2;
	s30 =	sadd.s32 $0x200, s30  }
0x49: {  	[tilespmem:s29+$0x370] =	vst v0  }
0x4a: {  	[tilespmem:s29+$0x300] =	vst v0  }
0x4b: {  	[tilespmem:s29+$0x310] =	vst v0  }
0x4c: {  	[tilespmem:s29+$0x320] =	vst v0  }
0x4d: {  	[tilespmem:s29+$0x330] =	vst v0  }
0x4e: {  	[tilespmem:s29+$0x340] =	vst v0  }
0x4f: {  	[tilespmem:s29+$0x350] =	vst v0  }
0x50: {  	[tilespmem:s29+$0x360] =	vst v0  }
0x51: {  	[spmem:s6] =	stream.linear.scatter [tilespmem:s11], [sflag:$0x7], $0x1000, $0x38;
	[tilespmem:$0x1FF00] =	vst v63  }
0x52: {  	_ =	swait.ge [sflag:s10], $0x1000  }
0x53: {  	[sflag:s10] =	ssyncset.done $0x0  }
0x54: {  	s29 =	rddreg [dreg:$0x6];
	[sflag:s10] =	ssyncadd.s32 $0xFFFFF000  }
0x55: {  	[spmem:s29] =	stream.linear.scatter [tilespmem:s11], [sflag:$0x7], $0x1000, $0x38;
	[tilespmem:$0x1FF00] =	vst v63  }
0x56: {  	_ =	swait.ge [sflag:s10], $0x1000  }
0x57: {  	[sflag:s10] =	ssyncset.done $0x0  }
0x58: {  	s29 =	rddreg [dreg:$0x7];
	[sflag:s10] =	ssyncadd.s32 $0xFFFFF000  }
0x59: {  	[spmem:s29] =	stream.linear.scatter [tilespmem:s11], [sflag:$0x7], $0x1000, $0x38;
	[tilespmem:$0x1FF00] =	vst v63  }
0x5a: {  	_ =	swait.ge [sflag:s10], $0x1000  }
0x5b: {  	[sflag:s10] =	ssyncset.done $0x0  }
0x5c: {  	s29 =	rddreg [dreg:$0x8];
	[sflag:s10] =	ssyncadd.s32 $0xFFFFF000  }
0x5d: {  	[spmem:s29] =	stream.linear.scatter [tilespmem:s11], [sflag:$0x7], $0x1000, $0x38;
	[tilespmem:$0x1FF00] =	vst v63  }
0x5e: {  	_ =	swait.ge [sflag:s10], $0x1000  }
0x5f: {  	[sflag:s10] =	ssyncset.done $0x0  }
0x60: {  	s29 =	rddreg [dreg:$0x9];
	[sflag:s10] =	ssyncadd.s32 $0xFFFFF000  }
0x61: {  	[spmem:s29] =	stream.linear.scatter [tilespmem:s11], [sflag:$0x7], $0x1000, $0x38;
	[tilespmem:$0x1FF00] =	vst v63  }
0x62: {  	_ =	swait.ge [sflag:s10], $0x1000  }
0x63: {  	[sflag:s10] =	ssyncset.done $0x0  }
0x64: {  	s29 =	rddreg [dreg:$0xa];
	[sflag:s10] =	ssyncadd.s32 $0xFFFFF000  }
0x65: {  	[spmem:s29] =	stream.linear.scatter [tilespmem:s11], [sflag:$0x7], $0x1000, $0x38;
	[tilespmem:$0x1FF00] =	vst v63  }
0x66: {  	_ =	swait.ge [sflag:s10], $0x1000  }
0x67: {  	[sflag:s10] =	ssyncset.done $0x0  }
0x68: {  	s29 =	rddreg [dreg:$0xb];
	[sflag:s10] =	ssyncadd.s32 $0xFFFFF000  }
0x69: {  	[spmem:s29] =	stream.linear.scatter [tilespmem:s11], [sflag:$0x7], $0x1000, $0x38;
	[tilespmem:$0x1FF00] =	vst v63  }
0x6a: {  	_ =	swait.ge [sflag:s10], $0x1000  }
0x6b: {  	[sflag:s10] =	ssyncset.done $0x0  }
0x6c: {  	s29 =	rddreg [dreg:$0xc];
	[sflag:s10] =	ssyncadd.s32 $0xFFFFF000  }
0x6d: {  	[spmem:s29] =	stream.linear.scatter [tilespmem:s11], [sflag:$0x7], $0x1000, $0x38;
	[tilespmem:$0x1FF00] =	vst v63  }
0x6e: {  	_ =	swait.ge [sflag:s10], $0x1000  }
0x6f: {  	[sflag:s10] =	ssyncset.done $0x0  }
0x70: {  	s29 =	rddreg [dreg:$0xd];
	[sflag:s10] =	ssyncadd.s32 $0xFFFFF000  }
0x71: {  	[spmem:s29] =	stream.linear.scatter [tilespmem:s11], [sflag:$0x7], $0x1000, $0x38;
	[tilespmem:$0x1FF00] =	vst v63  }
0x72: {  	_ =	swait.ge [sflag:s10], $0x1000  }
0x73: {  	[sflag:s10] =	ssyncset.done $0x0  }
0x74: {  	s29 =	rddreg [dreg:$0xe];
	[sflag:s10] =	ssyncadd.s32 $0xFFFFF000  }
0x75: {  	[spmem:s29] =	stream.linear.scatter [tilespmem:s11], [sflag:$0x7], $0x1000, $0x38;
	[tilespmem:$0x1FF00] =	vst v63  }
0x76: {  	_ =	swait.ge [sflag:s10], $0x1000  }
0x77: {  	[sflag:s10] =	ssyncset.done $0x0  }
0x78: {  	s29 =	rddreg [dreg:$0x11];
	[sflag:s10] =	ssyncadd.s32 $0xFFFFF000  }
0x79: {  	[spmem:s29] =	stream.linear.scatter [tilespmem:s11], [sflag:$0x7], $0x1000, $0x38;
	[tilespmem:$0x1FF00] =	vst v63  }
0x7a: {  	_ =	swait.ge [sflag:s10], $0x1000  }
0x7b: {  	[sflag:s10] =	ssyncset.done $0x0  }
0x7c: {  	s29 =	rddreg [dreg:$0x15];
	[sflag:s10] =	ssyncadd.s32 $0xFFFFF000  }
0x7d: {  	[spmem:s29] =	stream.linear.scatter [tilespmem:s11], [sflag:$0x7], $0x1000, $0x38;
	[tilespmem:$0x1FF00] =	vst v63  }
0x7e: {  	_ =	swait.ge [sflag:s10], $0x1000  }
0x7f: {  	[sflag:s10] =	ssyncset.done $0x0  }
0x80: {  	s29 =	rddreg [dreg:$0x16];
	[sflag:s10] =	ssyncadd.s32 $0xFFFFF000  }
0x81: {  	[spmem:s29] =	stream.linear.scatter [tilespmem:s11], [sflag:$0x7], $0x1000, $0x38;
	[tilespmem:$0x1FF00] =	vst v63  }
0x82: {  	_ =	swait.ge [sflag:s10], $0x1000  }
0x83: {  	[sflag:s10] =	ssyncset.done $0x0  }
0x84: {  	s29 =	rddreg [dreg:$0x17];
	[sflag:s10] =	ssyncadd.s32 $0xFFFFF000  }
0x85: {  	[spmem:s29] =	stream.linear.scatter [tilespmem:s11], [sflag:$0x7], $0x1000, $0x38;
	[tilespmem:$0x1FF00] =	vst v63  }
0x86: {  	_ =	swait.ge [sflag:s10], $0x1000  }
0x87: {  	[sflag:s10] =	ssyncset.done $0x0  }
0x88: {  	s29 =	rddreg [dreg:$0x18];
	[sflag:s10] =	ssyncadd.s32 $0xFFFFF000  }
0x89: {  	[spmem:s29] =	stream.linear.scatter [tilespmem:s11], [sflag:$0x7], $0x1000, $0x38;
	[tilespmem:$0x1FF00] =	vst v63  }
0x8a: {  	_ =	swait.ge [sflag:s10], $0x1000  }
0x8b: {  	[sflag:s10] =	ssyncset.done $0x0  }
0x8c: {  	s29 =	rddreg [dreg:$0x19];
	[sflag:s10] =	ssyncadd.s32 $0xFFFFF000  }
0x8d: {  	[spmem:s29] =	stream.linear.scatter [tilespmem:s11], [sflag:$0x7], $0x1000, $0x38;
	[tilespmem:$0x1FF00] =	vst v63  }
0x8e: {  	_ =	swait.ge [sflag:s10], $0x1000  }
0x8f: {  	[sflag:s10] =	ssyncset.done $0x0  }
0x90: {  	[sflag:s10] =	ssyncadd.s32 $0xFFFFF000  }
0x91: {  	[spmem:s0] =	stream.linear.scatter [tilespmem:s11], [sflag:$0x7], $0x1000, $0x38;
	[tilespmem:$0x1FF00] =	vst v63  }
0x92: {  	_ =	swait.ge [sflag:s10], $0x1000  }
0x93: {  	[sflag:s10] =	ssyncset.done $0x0  }
0x94: {  	[sflag:s10] =	ssyncadd.s32 $0xFFFFF000  }
0x95: {  	[spmem:s1] =	stream.linear.scatter [tilespmem:s11], [sflag:$0x7], $0x1000, $0x38;
	[tilespmem:$0x1FF00] =	vst v63  }
0x96: {  	_ =	swait.ge [sflag:s10], $0x1000  }
0x97: {  	[sflag:s10] =	ssyncset.done $0x0  }
0x98: {  	[sflag:s10] =	ssyncadd.s32 $0xFFFFF000  }
0x99: {  	[spmem:s5] =	stream.linear.scatter [tilespmem:s11], [sflag:$0x7], $0x1000, $0x38;
	[tilespmem:$0x1FF00] =	vst v63  }
0x9a: {  	_ =	swait.ge [sflag:s10], $0x1000  }
0x9b: {  	[sflag:s10] =	ssyncset.done $0x0  }
0x9c: {  	[sflag:s10] =	ssyncadd.s32 $0xFFFFF000  }
0x9d: {  	[spmem:s8] =	stream.linear.scatter [tilespmem:s11], [sflag:$0x7], $0x1000, $0x38;
	[tilespmem:$0x1FF00] =	vst v63  }
0x9e: {  	_ =	swait.ge [sflag:s10], $0x1000  }
0x9f: {  	[sflag:s10] =	ssyncset.done $0x0  }
0xa0: {  	[sflag:s10] =	ssyncadd.s32 $0xFFFFF000  }
0xa1: {  	s29 =	simm.s32 $0x0;
	[bflag:$0x0] =	sbarrier.arrive $0xFFFF  }
0xa2: {  	[tilespmem:s29], [sflag:$0x7] =	stream.linear.gather [hbm4b:s31+s29], $0x20, $0x38;
	[tilespmem:$0x1FF00] =	vst v63  }
0xa3: {  	_ =	swait.ge [sflag:s10], $0x20  }
0xa4: {  	[sflag:s10] =	ssyncset.done $0x0  }
0xa5: {  	[sflag:s10] =	ssyncadd.s32 $0xFFFFFFE0  }
0xa6: {  	v1 =	vld [tilespmem:$0x0];
	_ =	sdelay $0x1  }
0xa7: {  	v2 =	vld [tilespmem:$0x10];
	_ =	sdelay $0x2  }
0xa8: {  	v3 =	vand.u32 $0x1FFF, v1  }
0xa9: {  	v1 =	vshrl.u32 v1, $0xD;
	[tilespmem:$0x100] =	vst v3  }
0xaa: {  	[tilespmem:$0x200] =	vst v1;
	v1 =	vand.u32 $0x1FFF, v2  }
0xab: {  	[tilespmem:$0x110] =	vst v1;
	v1 =	vshrl.u32 v2, $0xD  }
0xac: {  	[tilespmem:$0x210] =	vst v1  }
0xad: {  	[tilespmem:s11], [sflag:$0x3] =	stream.indirect.gather [spmem:s2], $0x80, s13, s12, $0xb8;
	[tilespmem:$0x1FF00] =	vst v63  }
0xae: {  	_ = 	snop  }
0xaf: {  	[tilespmem:s14], [sflag:$0x2] =	stream.linear.gather [hbm4b:s9+s29], $0x20, $0x38;
	[tilespmem:$0x1FF00] =	vst v63  }
0xb0: {  	_ =	swait.ge [sflag:s15], $0x20  }
0xb1: {  	[sflag:s15] =	ssyncset.done $0x0  }
0xb2: {  	[sflag:s15] =	ssyncadd.s32 $0xFFFFFFE0  }
0xb3: {  	v1 =	vld [tilespmem:$0x80];
	_ =	sdelay $0x1  }
0xb4: {  	v2 =	vld [tilespmem:$0x90];
	_ =	sdelay $0x2  }
0xb5: {  	v3 =	vand.u32 $0x1FFF, v1  }
0xb6: {  	v1 =	vshrl.u32 v1, $0xD;
	[tilespmem:$0x180] =	vst v3  }
0xb7: {  	[tilespmem:$0x280] =	vst v1;
	v1 =	vand.u32 $0x1FFF, v2  }
0xb8: {  	[tilespmem:$0x190] =	vst v1;
	v1 =	vshrl.u32 v2, $0xD  }
0xb9: {  	[tilespmem:$0x290] =	vst v1  }
0xba: {  	[tilespmem:s18], [sflag:$0x4] =	stream.indirect.gather [spmem:s2], $0x80, s16, s12, $0xb8;
	[tilespmem:$0x1FF00] =	vst v63  }
0xbb: {  	_ =	swait.ge [sflag:s19], $0x1000  }
0xbc: {  	[sflag:s19] =	ssyncset.done $0x0  }
0xbd: {  	[sflag:s19] =	ssyncadd.s32 $0xFFFFF000  }
0xbe: {  	[spmem:s3] =	stream.indirect.scatter.add.f32 [tilespmem:s11], [sflag:$0x5], $0x80, s17, s12, $0xb8;
	[tilespmem:$0x1FF00] =	vst v63  }
0xbf: {  	s30 =	rddreg [dreg:$0xf]  }
0xc0: {  	[tilespmem:s29], [sflag:$0x1] =	stream.linear.gather [hbm4b:s30+s29], $0x20, $0x38;
	[tilespmem:$0x1FF00] =	vst v63  }
0xc1: {  	_ =	swait.ge [sflag:s22], $0x20  }
0xc2: {  	[sflag:s22] =	ssyncset.done $0x0  }
0xc3: {  	[sflag:s22] =	ssyncadd.s32 $0xFFFFFFE0  }
0xc4: {  	_ =	swait.ge [sflag:s23], $0x1000  }
0xc5: {  	[sflag:s23] =	ssyncset.done $0x0  }
0xc6: {  	[sflag:s23] =	ssyncadd.s32 $0xFFFFF000  }
0xc7: {  	v1 =	vld [tilespmem:$0x0];
	_ =	sdelay $0x1  }
0xc8: {  	v2 =	vld [tilespmem:$0x10];
	_ =	sdelay $0x2  }
0xc9: {  	v3 =	vand.u32 $0x1FFF, v1  }
0xca: {  	v1 =	vshrl.u32 v1, $0xD;
	[tilespmem:$0x100] =	vst v3  }
0xcb: {  	[tilespmem:$0x200] =	vst v1;
	v1 =	vand.u32 $0x1FFF, v2  }
0xcc: {  	[tilespmem:$0x110] =	vst v1;
	v1 =	vshrl.u32 v2, $0xD  }
0xcd: {  	[tilespmem:$0x210] =	vst v1  }
0xce: {  	[tilespmem:s11], [sflag:$0x3] =	stream.indirect.gather [spmem:s2], $0x80, s13, s12, $0xb8;
	[tilespmem:$0x1FF00] =	vst v63  }
0xcf: {  	_ =	swait.ge [sflag:s24], $0x1000  }
0xd0: {  	[sflag:s24] =	ssyncset.done $0x0  }
0xd1: {  	[sflag:s24] =	ssyncadd.s32 $0xFFFFF000  }
0xd2: {  	[spmem:s3] =	stream.indirect.scatter.add.f32 [tilespmem:s18], [sflag:$0x6], $0x80, s25, s12, $0xb8;
	[tilespmem:$0x1FF00] =	vst v63  }
0xd3: {  	s30 =	rddreg [dreg:$0x10]  }
0xd4: {  	[tilespmem:s14], [sflag:$0x2] =	stream.linear.gather [hbm4b:s30+s29], $0x20, $0x38;
	[tilespmem:$0x1FF00] =	vst v63  }
.LBB2_4:
0xd5: {  	_ =	swait.ge [sflag:s15], $0x20  }
0xd6: {  	[sflag:s15] =	ssyncset.done $0x0  }
0xd7: {  	[sflag:s15] =	ssyncadd.s32 $0xFFFFFFE0  }
0xd8: {  	_ =	swait.ge [sflag:s26], $0x1000  }
0xd9: {  	[sflag:s26] =	ssyncset.done $0x0  }
0xda: {  	[sflag:s26] =	ssyncadd.s32 $0xFFFFF000  }
0xdb: {  	v1 =	vld [tilespmem:$0x80];
	_ =	sdelay $0x1  }
0xdc: {  	v2 =	vld [tilespmem:$0x90];
	_ =	sdelay $0x2  }
0xdd: {  	v3 =	vand.u32 $0x1FFF, v1  }
0xde: {  	v1 =	vshrl.u32 v1, $0xD;
	[tilespmem:$0x180] =	vst v3  }
0xdf: {  	[tilespmem:$0x280] =	vst v1;
	v1 =	vand.u32 $0x1FFF, v2  }
0xe0: {  	[tilespmem:$0x190] =	vst v1;
	v1 =	vshrl.u32 v2, $0xD  }
0xe1: {  	p0 =	seq.s32 s29, $0x550;
	[tilespmem:$0x290] =	vst v1  }
0xe2: {  	[tilespmem:s18], [sflag:$0x4] =	stream.indirect.gather [spmem:s2], $0x80, s16, s12, $0xb8;
	[tilespmem:$0x1FF00] =	vst v63  }
.Ltmp3:
0xe3: {  	_ = 	snop;
	(pc) =	sbr.rel @p0 .LBB2_6-.Ltmp3, $4  }
0xe4: {  	_ =	swait.ge [sflag:s19], $0x1000  }
0xe5: {  	[sflag:s19] =	ssyncset.done $0x0  }
0xe6: {  	[sflag:s19] =	ssyncadd.s32 $0xFFFFF000  }
0xe7: {  	[spmem:s3] =	stream.indirect.scatter.add.f32 [tilespmem:s11], [sflag:$0x5], $0x80, s17, s12, $0xb8;
	[tilespmem:$0x1FF00] =	vst v63  }
0xe8: {  	s30 =	sadd.s32 s29, s21  }
0xe9: {  	[tilespmem:s4], [sflag:$0x1] =	stream.linear.gather [hbm4b:s30+s4], $0x20, $0x38;
	[tilespmem:$0x1FF00] =	vst v63  }
0xea: {  	_ =	swait.ge [sflag:s22], $0x20  }
0xeb: {  	[sflag:s22] =	ssyncset.done $0x0  }
0xec: {  	[sflag:s22] =	ssyncadd.s32 $0xFFFFFFE0  }
0xed: {  	_ =	swait.ge [sflag:s23], $0x1000  }
0xee: {  	[sflag:s23] =	ssyncset.done $0x0  }
0xef: {  	[sflag:s23] =	ssyncadd.s32 $0xFFFFF000  }
0xf0: {  	v1 =	vld [tilespmem:$0x0];
	_ =	sdelay $0x1  }
0xf1: {  	v2 =	vld [tilespmem:$0x10];
	_ =	sdelay $0x2  }
0xf2: {  	v3 =	vand.u32 $0x1FFF, v1  }
0xf3: {  	v1 =	vshrl.u32 v1, $0xD;
	[tilespmem:$0x100] =	vst v3  }
0xf4: {  	[tilespmem:$0x200] =	vst v1;
	v1 =	vand.u32 $0x1FFF, v2  }
0xf5: {  	[tilespmem:$0x110] =	vst v1;
	v1 =	vshrl.u32 v2, $0xD  }
0xf6: {  	[tilespmem:$0x210] =	vst v1  }
0xf7: {  	[tilespmem:s11], [sflag:$0x3] =	stream.indirect.gather [spmem:s2], $0x80, s13, s12, $0xb8;
	[tilespmem:$0x1FF00] =	vst v63  }
0xf8: {  	_ =	swait.ge [sflag:s24], $0x1000  }
.Ltmp4:
0xf9: {  	[sflag:s24] =	ssyncset.done $0x0;
	(pc) =	sbr.rel .LBB2_4-.Ltmp4, $4  }
0xfa: {  	[sflag:s24] =	ssyncadd.s32 $0xFFFFF000  }
0xfb: {  	[spmem:s3] =	stream.indirect.scatter.add.f32 [tilespmem:s18], [sflag:$0x6], $0x80, s25, s12, $0xb8;
	[tilespmem:$0x1FF00] =	vst v63  }
0xfc: {  	s30 =	sadd.s32 s29, s20;
	s29 =	sadd.s32 $0x8, s29  }
0xfd: {  	[tilespmem:s14], [sflag:$0x2] =	stream.linear.gather [hbm4b:s30+s4], $0x20, $0x38;
	[tilespmem:$0x1FF00] =	vst v63  }
.LBB2_7:
0xfe: {  	_ =	sfence.sel $0x180000  }
0xff: {  	[bflag:$0x0] =	sbarrier.arrive $0xFFFF  }
0x100: {  	_ =	strace $0x9000004D  }
0x101: {  	s0 =	stileid.u32;
	[bflag:$0x2] =	sbarrier.arrive $0xFFFF  }
0x102: {  	p0 =	sne.s32 s0, $0x0;
	s0 =	rddreg [dreg:$0x4]  }
0x103: {  	s0 =	sadd.s32 @!p0 $0x100000, s0  }
0x104: {  	[sflag:s0] =	ssyncadd.tile.s32 @!p0 $0x1;
	_ =	shalt  }
.Lfunc_end2:
_tile_overlayer_lowered:
.L_overlay_start_2:
0x105: {  	(tag) =	ssettag $0x2  }
0x106: {  	s0 =	rddreg [dreg:$0x0];
	s2 =	stileid.u32  }
0x107: {  	s1 =	rddreg [dreg:$0x1];
	p0 =	sne.s32 s2, $0x0  }
0x108: {  	s3 =	rddreg [dreg:$0x2];
	[bflag:$0x3] =	sbarrier.arrive $0xFFFF;
	s2 =	simm.s32 @!p0 $0x1C07  }
0x109: {  	[timem:s3], [sflag:s2] =	dma.local @!p0 [hbm:s0], s1  }
0x10a: {  	s0 =	simm.s32 @!p0 $0x7  }
0x10b: {  	_ =	swait.ge @!p0 [sflag:s0], s1  }
0x10c: {  	s1 =	ssub.s32 @!p0 $0x0, s1;
	[sflag:s0] =	ssyncset.done @!p0 $0x0  }
0x10d: {  	[sflag:s0] =	ssyncadd.s32 @!p0 s1  }
0x10e: {  	[bflag:$0x3] =	sbarrier.arrive $0xFFFF  }
0x10f: {  	_ =	shalt  }

// kernel: kernel.8.cloned.1.call-start
scs
__scs_entry_jumppad:
0x0: {  	(pc) =	sbr.rel $0x88, $3  }
0x1: {  	(tag) =	ssettag $0x0;
	lr =	simm.s32 $0x1  }
0x2: {  	[smem:$0x3F9B] =	sst lr;
	_ =	strace $0xD0000000  }
0x3: {  	_ = 	snop  }
0x4: {  	_ = 	snop  }
0x5: {  	_ = 	snop  }
0x6: {  	_ = 	snop  }
0x7: {  	_ = 	snop  }
__scs_overlays_trampoline_lowered:
0x8: {  	[smem:$0x3FAA] =	sst s0  }
0x9: {  	[smem:$0x3FAB] =	sst s1  }
0xa: {  	[smem:$0x3FAC] =	sst s2  }
0xb: {  	[smem:$0x3FAD] =	sst s3  }
0xc: {  	[smem:$0x3FAE] =	sst s4  }
0xd: {  	[smem:$0x3FAF] =	sst s5  }
0xe: {  	[smem:$0x3FB0] =	sst s6  }
0xf: {  	[smem:$0x3FB1] =	sst s7  }
0x10: {  	[smem:$0x3FB2] =	sst s8  }
0x11: {  	[smem:$0x3FB3] =	sst s9;
	s0 =	simm.s32 @!p0 $0x0  }
0x12: {  	s1 =	sld [smem:$0x3F99];
	s0 =	simm.s32 @p0 $0x1  }
0x13: {  	[smem:$0x3FB4] =	sst s0;
	s0 =	simm.s32 @!p1 $0x0  }
0x14: {  	s2 =	sld [smem:$0x3F98];
	s0 =	simm.s32 @p1 $0x1  }
0x15: {  	[smem:$0x3FB5] =	sst s0;
	s0 =	simm.s32 @!p2 $0x0  }
0x16: {  	s3 =	sld [smem:$0x3FDB];
	s0 =	simm.s32 @p2 $0x1  }
0x17: {  	s4 =	simm.s32 $0x1BF5;
	[smem:$0x3FB7] =	sst s0  }
0x18: {  	s0 =	sld [smem:$0x3F9A];
	_ =	swait.ge [sflag:s4], $0x0  }
0x19: {  	s7 =	sld [smem:$0x3F9B]  }
0x1a: {  	s8 =	sadd.s32 $0xFFFFE003, lr  }
0x1b: {  	s9 =	sadd.s32 $0xFFFFFEF7, lr;
	s5 =	simm.s32 $0xFFFFFFFF;
	p2 =	slt.u32 s8, $0xFFFFF086  }
0x1c: {  	p1 =	slt.u32 s9, $0xF7A;
	s5 =	simm.s32 @!p2 $0x0  }
0x1d: {  	s5 =	simm.s32 @p1 $0x1;
	p0 =	seq.s32 s7, s2  }
0x1e: {  	s7 =	smul.u32 @!p0 $0xF7A, s2;
	p2 =	seq.s32 @!p0 s5, $0x0  }
0x1f: {  	s9 =	smul.u32 $0xF7A, s1;
	s8 =	simm.s32 @!p0 $0x1BF5;
	p2 =	por !p2, p0  }
0x20: {  	[sflag:s8] =	ssyncset.s32 @!p0 $0xFFFFF086;
	s6 =	sadd.s32 @!p0 s3, s7;
	s7 =	simm.s32 @!p0 $0x108  }
0x21: {  	s3 =	sadd.s32 s3, s9;
	s6 =	sadd.s32 @!p0 $0x88, s6;
	s7 =	simm.s32 @p2 $0x1082  }
0x22: {  	[simem:s7], [sflag:s8] =	dma.local @!p0 [hbm:s6], $0xF7A  }
0x23: {  	s9 =	sor.u32 $0xD0000000, s2;
	s6 =	simm.s32 $0x108;
	_ =	swait.ge @!p0 [sflag:s8], $0x0  }
0x24: {  	s3 =	sadd.s32 $0x88, s3;
	s6 =	simm.s32 @!p1 $0x1082;
	[sflag:s4] =	ssyncset.s32 $0xFFFFF086  }
0x25: {  	[simem:s6], [sflag:s4] =	dma.local [hbm:s3], $0xF7A  }
0x26: {  	[smem:$0x3F9B] =	sst s1;
	(tag) =	ssettag s2;
	_ =	strace s9  }
0x27: {  	s1 =	sld [smem:$0x3FAB]  }
0x28: {  	s2 =	sld [smem:$0x3FAC]  }
0x29: {  	s4 =	sld [smem:$0x3FAE]  }
0x2a: {  	p0 =	seq.s32 s5, $0x0;
	s5 =	sld [smem:$0x3FAF]  }
0x2b: {  	s6 =	sld [smem:$0x3FB0]  }
0x2c: {  	s7 =	sld [smem:$0x3FB1]  }
0x2d: {  	s3 =	simm.s32 $0x108;
	s8 =	sld [smem:$0x3FB2]  }
0x2e: {  	s3 =	simm.s32 @!p0 $0x1082;
	s9 =	sld [smem:$0x3FB3]  }
0x2f: {  	lr =	sadd.s32 s0, s3;
	s0 =	sld [smem:$0x3FAA]  }
0x30: {  	s3 =	sld [smem:$0x3FAD]  }
0x31: {  	[smem:$0x3FB6] =	sst s10  }
0x32: {  	s10 =	sld [smem:$0x3FB4];
	_ =	sdelay $0x3  }
0x33: {  	p0 =	seq.s32 s10, $0x1;
	s10 =	sld [smem:$0x3FB6];
	_ =	sdelay $0x3  }
0x34: {  	[smem:$0x3FB6] =	sst s10  }
0x35: {  	s10 =	sld [smem:$0x3FB5];
	_ =	sdelay $0x3  }
0x36: {  	p1 =	seq.s32 s10, $0x1;
	s10 =	sld [smem:$0x3FB6];
	_ =	sdelay $0x3  }
0x37: {  	[smem:$0x3FB6] =	sst s10  }
0x38: {  	s10 =	sld [smem:$0x3FB7]  }
0x39: {  	_ = 	snop;
	(pc) =	sbr.ind lr, $3  }
0x3a: {  	_ = 	snop  }
0x3b: {  	_ = 	snop  }
0x3c: {  	p2 =	seq.s32 s10, $0x1;
	s10 =	sld [smem:$0x3FB6]  }
0x3d: {  	_ =	shalt  }
0x3e: {  	_ =	shalt  }
0x3f: {  	_ =	shalt  }
0x40: {  	_ =	shalt  }
0x41: {  	_ =	shalt  }
0x42: {  	_ =	shalt  }
0x43: {  	_ =	shalt  }
0x44: {  	_ =	shalt  }
0x45: {  	_ =	shalt  }
0x46: {  	_ =	shalt  }
0x47: {  	_ =	shalt  }
0x48: {  	_ =	shalt  }
0x49: {  	_ =	shalt  }
0x4a: {  	_ =	shalt  }
0x4b: {  	_ =	shalt  }
0x4c: {  	_ =	shalt  }
0x4d: {  	_ =	shalt  }
0x4e: {  	_ =	shalt  }
0x4f: {  	_ =	shalt  }
0x50: {  	_ =	shalt  }
0x51: {  	_ =	shalt  }
0x52: {  	_ =	shalt  }
0x53: {  	_ =	shalt  }
0x54: {  	_ =	shalt  }
0x55: {  	_ =	shalt  }
0x56: {  	_ =	shalt  }
0x57: {  	_ =	shalt  }
0x58: {  	_ =	shalt  }
0x59: {  	_ =	shalt  }
0x5a: {  	_ =	shalt  }
0x5b: {  	_ =	shalt  }
0x5c: {  	_ =	shalt  }
0x5d: {  	_ =	shalt  }
0x5e: {  	_ =	shalt  }
0x5f: {  	_ =	shalt  }
0x60: {  	_ =	shalt  }
0x61: {  	_ =	shalt  }
0x62: {  	_ =	shalt  }
0x63: {  	_ =	shalt  }
0x64: {  	_ =	shalt  }
0x65: {  	_ =	shalt  }
0x66: {  	_ =	shalt  }
0x67: {  	_ =	shalt  }
0x68: {  	_ =	shalt  }
0x69: {  	_ =	shalt  }
0x6a: {  	_ =	shalt  }
0x6b: {  	_ =	shalt  }
0x6c: {  	_ =	shalt  }
0x6d: {  	_ =	shalt  }
0x6e: {  	_ =	shalt  }
0x6f: {  	_ =	shalt  }
0x70: {  	_ =	shalt  }
0x71: {  	_ =	shalt  }
0x72: {  	_ =	shalt  }
0x73: {  	_ =	shalt  }
0x74: {  	_ =	shalt  }
0x75: {  	_ =	shalt  }
0x76: {  	_ =	shalt  }
0x77: {  	_ =	shalt  }
0x78: {  	_ =	shalt  }
0x79: {  	_ =	shalt  }
0x7a: {  	_ =	shalt  }
0x7b: {  	_ =	shalt  }
0x7c: {  	_ =	shalt  }
0x7d: {  	_ =	shalt  }
0x7e: {  	_ =	shalt  }
0x7f: {  	_ =	shalt  }
0x80: {  	_ =	shalt  }
0x81: {  	_ =	shalt  }
0x82: {  	_ =	shalt  }
0x83: {  	_ =	shalt  }
0x84: {  	_ =	shalt  }
0x85: {  	_ =	shalt  }
0x86: {  	_ =	shalt  }
0x87: {  	_ =	shalt  }
.Lfunc_end0:
.L_simem_size_0:
called_computation_lowered:
.L_overlay_start_0:
0x88: {  	s2 =	sld [smem:$0x3FD9]  }
0x89: {  	s3 =	sld [smem:$0x3FFE];
	_ =	sdelay $0x1  }
0x8a: {  	s1 =	srdreg.scid  }
0x8b: {  	s0 =	sand.u32 $0x1, s1  }
0x8c: {  	s17 =	sshll.u32 s0, $0xA;
	s2 =	sadd.s32 s3, s2  }
0x8d: {  	s2 =	sadd.s32 s2, s17  }
0x8e: {  	[smem:$0x3FC2] =	sst s2  }
0x8f: {  	_ = 	snop  }
0x90: {  	s2 =	sld [smem:$0x3FD0];
	(tm) =	ssettm $0x1  }
0x91: {  	s18 =	sld [smem:$0x3FFB];
	_ =	sdelay $0x3  }
0x92: {  	_ =	strace s18  }
0x93: {  	s3 =	sld [smem:$0x3FFC];
	_ =	sdelay $0x3  }
0x94: {  	_ =	strace s3  }
0x95: {  	s3 =	sld [smem:$0x3FFD];
	_ =	sdelay $0x3  }
0x96: {  	_ =	strace s3  }
0x97: {  	_ =	strace $0x8FFFFFFF  }
0x98: {  	s19 =	sld [smem:$0x3FDB];
	_ =	sdelay $0x1  }
0x99: {  	s4 =	simm.s32 $_scs_section_size  }
0x9a: {  	s5 =	simm.s32 $_size__tile_overlayer_lowered;
	s6 =	simm.s32 $_tile_overlayer_lowered  }
0x9b: {  	s22 =	simm.s32 $0x1BFF;
	s21 =	sshll.u32 s6, $0x1;
	s3 =	sadd.s32 s4, s19  }
0x9c: {  	s7 =	simm.s32 $0x0;
	s20 =	sshll.u32 s5, $0x1;
	s5 =	sadd.s32 s21, s3  }
0x9d: {  	[timem:s7], [sflag:s22] =	dma.local [hbm:s5], s20  }
0x9e: {  	_ =	swait.ge [sflag:s22], s20  }
0x9f: {  	s4 =	ssub.s32 $0x0, s20;
	[sflag:s22] =	ssyncset.done $0x0  }
0xa0: {  	[sflag:s22] =	ssyncadd.s32 s4;
	_ =	sdelay $0x1  }
0xa1: {  	s23 =	simm.s32 $0x1B8B  }
0xa2: {  	_ =	swait.ge [sflag:s23], $0x1  }
0xa3: {  	[sflag:s23] =	ssyncset.done $0x0  }
0xa4: {  	s25 =	simm.s32 $0x1B8E;
	s24 =	sld [smem:$0x3FFE];
	[sflag:s23] =	ssyncadd.s32 $0xFFFFFFFF  }
0xa5: {  	s26 =	simm.s32 $execute0_lowered;
	[smem:$0x3FD2] =	sst s25  }
0xa6: {  	s5 =	sshll.u32 s26, $0x1;
	_ =	strace $0x80000046;
	[dreg:$0x1] =	wrdreg $0xFFFFFFFF  }
0xa7: {  	s28 =	simm.s32 $_size_execute0_lowered;
	s3 =	sadd.s32 s3, s5;
	[dreg:$0x0] =	wrdreg $0x0  }
0xa8: {  	s5 =	sshll.u32 s28, $0x1;
	[dreg:$0x2] =	wrdreg s3  }
0xa9: {  	[dreg:$0x3] =	wrdreg s5  }
0xaa: {  	[dreg:$0x4] =	wrdreg $0xC0  }
0xab: {  	_ =	task [dreg:s7], $0x5FFFF  }
0xac: {  	[dreg:$0x1] =	wrdreg $0xFFFFFFFF  }
0xad: {  	[dreg:$0x0] =	wrdreg $0x60  }
0xae: {  	[dreg:$0x2] =	wrdreg s2  }
0xaf: {  	[dreg:$0x3] =	wrdreg s24  }
0xb0: {  	[dreg:$0x4] =	wrdreg $0xDE000  }
0xb1: {  	[dreg:$0x5] =	wrdreg $0xE0800  }
0xb2: {  	[dreg:$0x6] =	wrdreg $0x9  }
0xb3: {  	_ =	task.clear_ibuf [dreg:s7], $0x7FFFF;
	_ =	strace $0x90000046  }
0xb4: {  	s29 =	simm.s32 $0x9;
	_ =	strace $0x80000048  }
0xb5: {  	_ =	swait.ge [sflag:s29], $0x1  }
0xb6: {  	[sflag:s29] =	ssyncadd.s32 $0xFFFFFFFF  }
0xb7: {  	_ =	strace $0x90000048  }
0xb8: {  	_ =	sfence  }
0xb9: {  	s30 =	sld [smem:$0x0];
	_ =	sdelay $0x2  }
0xba: {  	s31 =	sshll.u32 s1, $0xD;
	s1 =	sshrl.u32 s1, $0x2  }
0xbb: {  	s3 =	sand.u32 $0x4000, s31;
	s1 =	sadd.s32 s1, s30  }
0xbc: {  	s0 =	sor.u32 s3, s0;
	s1 =	sshll.u32 s1, $0x11  }
0xbd: {  	s0 =	sor.u32 s1, s0  }
0xbe: {  	s0 =	sadd.s32 $0x8F2B, s0  }
0xbf: {  	[sflag:s0] =	ssyncadd.remote.s32 $0x1  }
0xc0: {  	_ =	sfence.sel $0xFFFF  }
0xc1: {  	[dreg:$0x0] =	wrdreg $0xFFFFFFFF;
	(pc) =	sbr.abs _section_cstart, $3  }
0xc2: {  	[dreg:$0x1] =	wrdreg $0xFFFFFFFF  }
0xc3: {  	_ =	task.clear_ibuf [dreg:s7], $0x2FFFF;
	_ =	strace $0x9FFFFFFF  }
0xc4: {  	(tm) =	ssettm $0x7FFFFFFF  }
0xc5: {  	_ =	shalt  }
tec
execute0_lowered:
.L_overlay_start_1:
0x0: {  	(tag) =	ssettag $0x1  }
0x1: {  	s6 =	rddreg [dreg:$0x0]  }
0x2: {  	s5 =	rddreg [dreg:$0x1]  }
0x3: {  	s2 =	rddreg [dreg:$0x2];
	s1 =	srdreg.scid  }
0x4: {  	s0 =	stileid.u32;
	s3 =	rddreg [dreg:$0x3];
	s4 =	simm.s32 $0x0  }
0x5: {  	s16 =	simm.s32 $0xDC80;
	s17 =	simm.s32 $0x80;
	s18 =	simm.s32 $0xDC00  }
0x6: {  	s21 =	simm.s32 $0x20;
	s22 =	simm.s32 $0x10;
	s8 =	smul.u32 $0x500, s0  }
0x7: {  	s7 =	sand.u32 $0x1, s1;
	s1 =	rddreg [dreg:$0x4];
	s12 =	smul.u32 $0x2B00, s0  }
0x8: {  	s24 =	simm.s32 $0x0;
	[smem:$0x7FF] =	sst s4;
	s11 =	smul.u32 $0xB00, s0  }
0x9: {  	s13 =	smul.u32 $0xA00, s0;
	s20 =	sshll.u32 s0, $0x6;
	s9 =	sshll.u32 s7, $0x7  }
0xa: {  	s19 =	smul.u32 $0x2B000, s7;
	_ =	strace $0x80000047;
	s29 =	sshll.u32 s7, $0x4  }
0xb: {  	s7 =	ssub.s32 $0x2, s7;
	s8 =	sor.u32 s9, s8;
	s9 =	sor.u32 s0, s29  }
0xc: {  	s30 =	sshrl.u32 s7, $0x1;
	s31 =	sshrl.u32 s13, $0x2;
	s23 =	sadd.s32 s12, s3  }
0xd: {  	s13 =	simm.s32 $0x1;
	s8 =	sshrl.u32 s8, $0x3;
	s28 =	sadd.s32 s12, s19  }
0xe: {  	s9 =	smul.u32 $0x580, s9;
	s15 =	ssub.s32 s7, s30;
	v0 =	vmov s19;
	s19 =	sor.u32 $0x1C01, s20  }
0xf: {  	s23 =	sshrl.u32 s23, $0x3;
	s10 =	sadd.s32 s8, s5;
	s8 =	sshrl.u32 s28, $0x3  }
0x10: {  	s12 =	smax.u32 s15, $0x1;
	s15 =	simm.s32 $0x8400;
	s14 =	sadd.s32 s8, s5  }
0x11: {  	s5 =	sadd.s32 s5, s11;
	s6 =	sadd.s32 s6, s9;
	s8 =	sadd.s32 s31, s2  }
0x12: {  	v3 =	vlaneseq.u32;
	s10 =	sadd.s32 $0x16000, s10;
	s7 =	sadd.s32 $0xB000, s5;
	s9 =	sadd.s32 $0x140, s8  }
0x13: {  	v1 =	vimm.f32 $1.000000000e+00;
	v2 =	vimm.f32 $0.0e+00;
	v3 =	vor.u32 $0x2B000, v3;
	s11 =	sadd.s32 $0x16A00, s14;
	s14 =	simm.s32 $0x2C00;
	s20 =	sshrl.u32 s8, $0x3  }
.LBB2_1:
0x14: {  	[tilespmem:s4], [sflag:$0x1] =	stream.linear.gather [hbm4b:s6+s4], $0x2B00, $0x38;
	[tilespmem:$0x10B88] =	vst v63  }
0x15: {  	_ =	swait.ge [sflag:s13], $0x2B00  }
0x16: {  	[sflag:s13] =	ssyncset.done $0x0  }
0x17: {  	[sflag:s13] =	ssyncadd.s32 $0xFFFFD500  }
0x18: {  	[tilespmem:s14], [sflag:$0x1] =	stream.linear.gather [hbm4b:s7+s4], $0x5600, $0x38;
	[tilespmem:$0x10B88] =	vst v63  }
0x19: {  	_ =	swait.ge [sflag:s13], $0x5600  }
0x1a: {  	[sflag:s13] =	ssyncset.done $0x0  }
0x1b: {  	[sflag:s13] =	ssyncadd.s32 $0xFFFFAA00  }
0x1c: {  	[tilespmem:s15], [sflag:$0x1] =	stream.linear.gather [hbm4b:s5+s4], $0x5600, $0x38;
	[tilespmem:$0x10B88] =	vst v63  }
0x1d: {  	_ =	swait.ge [sflag:s13], $0x5600  }
0x1e: {  	[sflag:s13] =	ssyncset.done $0x0  }
0x1f: {  	[sflag:s13] =	ssyncadd.s32 $0xFFFFAA00  }
0x20: {  	[tilespmem:$0xDC00] =	vst v1  }
0x21: {  	[tilespmem:$0xDC10] =	vst v1  }
0x22: {  	[tilespmem:$0xDC20] =	vst v1  }
0x23: {  	[tilespmem:$0xDC30] =	vst v1  }
0x24: {  	[tilespmem:$0xDC40] =	vst v1  }
0x25: {  	[tilespmem:$0xDC50] =	vst v1  }
0x26: {  	[tilespmem:$0xDC60] =	vst v1  }
0x27: {  	[tilespmem:$0xDC70] =	vst v1  }
0x28: {  	[tilespmem:$0xDC80] =	vst v2  }
0x29: {  	[tilespmem:$0xDC90] =	vst v2  }
0x2a: {  	[tilespmem:$0xDCA0] =	vst v2  }
0x2b: {  	[tilespmem:$0xDCB0] =	vst v2  }
0x2c: {  	[tilespmem:$0xDCC0] =	vst v2  }
0x2d: {  	[tilespmem:$0xDCD0] =	vst v2  }
0x2e: {  	[tilespmem:$0xDCE0] =	vst v2  }
0x2f: {  	[tilespmem:$0xDCF0] =	vst v2  }
0x30: {  	[tilespmem:$0xDD00] =	vst v2  }
0x31: {  	[tilespmem:$0xDD10] =	vst v2  }
0x32: {  	[tilespmem:$0xDD20] =	vst v2  }
0x33: {  	[tilespmem:$0xDD30] =	vst v2  }
0x34: {  	[tilespmem:$0xDD40] =	vst v2  }
0x35: {  	[tilespmem:$0xDD50] =	vst v2  }
0x36: {  	[tilespmem:$0xDD60] =	vst v2  }
0x37: {  	[tilespmem:$0xDD70] =	vst v2  }
0x38: {  	[tilespmem:$0xDD80] =	vst v2  }
0x39: {  	[tilespmem:$0xDD90] =	vst v2  }
0x3a: {  	[tilespmem:$0xDDA0] =	vst v2  }
0x3b: {  	[tilespmem:$0xDDB0] =	vst v2  }
0x3c: {  	[spmem:s8] =	stream.linear.scatter [tilespmem:s16], [sflag:$0x1], $0x140, $0x38;
	[tilespmem:$0x10B88] =	vst v63  }
0x3d: {  	_ =	swait.ge [sflag:s13], $0x140  }
0x3e: {  	[sflag:s13] =	ssyncset.done $0x0  }
0x3f: {  	[sflag:s13] =	ssyncadd.s32 $0xFFFFFEC0  }
0x40: {  	[spmem:s9] =	stream.linear.scatter [tilespmem:s16], [sflag:$0x1], $0x140, $0x38;
	[tilespmem:$0x10B88] =	vst v63  }
0x41: {  	_ =	swait.ge [sflag:s13], $0x140  }
0x42: {  	[sflag:s13] =	ssyncset.done $0x0  }
0x43: {  	[sflag:s13] =	ssyncadd.s32 $0xFFFFFEC0  }
0x44: {  	s25 =	simm.s32 $0x0;
	[bflag:$0x0] =	sbarrier.arrive $0xFFFF  }
.LBB2_2:
0x45: {  	p0 =	sne.s32 s25, $0xAA00  }
.Ltmp0:
0x46: {  	s26 =	sshra.s32 s25, $0x2;
	(pc) =	sbr.rel @p0 .LBB2_2-.Ltmp0, $4  }
0x47: {  	[spmem:s2] =	stream.indirect.scatter.add.f32 [tilespmem:s18], [sflag:$0x1], $0x1, s26, s17, $0xb8;
	[tilespmem:$0x10B88] =	vst v63  }
0x48: {  	_ =	swait.ge [sflag:s13], $0x80  }
0x49: {  	[sflag:s13] =	ssyncset.done $0x0  }
0x4a: {  	s25 =	sadd.s32 $0x200, s25;
	[sflag:s13] =	ssyncadd.s32 $0xFFFFFF80  }
0x4b: {  	s26 =	simm.s32 $0x0  }
0x4c: {  	v8 =	vld [tilespmem:s26+$0x8400]  }
0x4d: {  	v7 =	vld [tilespmem:s26+$0x8470]  }
0x4e: {  	v6 =	vld [tilespmem:s26+$0x8430]  }
0x4f: {  	v4 =	vld [tilespmem:s26+$0x8460]  }
0x50: {  	s25 =	simm.s32 $0x200;
	s28 =	simm.s32 $0x400;
	v5 =	vld [tilespmem:s26+$0x8420]  }
.LBB2_4:
0x51: {  	p0 =	sne.s32 s28, $0x15600;
	v8 =	vsub.s32 v8, v0;
	v9 =	vld [tilespmem:s26+$0x8410];
	s29 =	smov.u32 s28;
	s28 =	sadd.s32 $0x200, s28  }
0x52: {  	vm0 =	vlt.u32 v8, $0x2B000;
	v10 =	vld [tilespmem:s26+$0x8440];
	v7 =	vsub.s32 v7, v0  }
0x53: {  	v8 =	vsel vm0, v8, v3;
	v6 =	vsub.s32 v6, v0;
	vm0 =	vlt.u32 v7, $0x2B000  }
0x54: {  	vm1 =	vlt.u32 v6, $0x2B000;
	v11 =	vld [tilespmem:s26+$0x8450];
	v7 =	vsel vm0, v7, v3  }
0x55: {  	v4 =	vsub.s32 v4, v0;
	[tilespmem:s26+$0x8400] =	vst v8;
	v5 =	vsub.s32 v5, v0;
	v6 =	vsel vm1, v6, v3  }
0x56: {  	vm1 =	vlt.u32 v4, $0x2B000;
	v8 =	vsub.s32 v9, v0;
	vm0 =	vlt.u32 v5, $0x2B000;
	[tilespmem:s26+$0x8470] =	vst v7  }
0x57: {  	v4 =	vsel vm1, v4, v3;
	vm2 =	vlt.u32 v8, $0x2B000;
	v5 =	vsel vm0, v5, v3;
	[tilespmem:s26+$0x8430] =	vst v6  }
0x58: {  	v6 =	vsel vm2, v8, v3;
	[tilespmem:s26+$0x8420] =	vst v5;
	v5 =	vsub.s32 v10, v0  }
0x59: {  	vm0 =	vlt.u32 v5, $0x2B000;
	v7 =	vsub.s32 v11, v0;
	[tilespmem:s26+$0x8460] =	vst v4  }
0x5a: {  	[tilespmem:s26+$0x8410] =	vst v6;
	v4 =	vsel vm0, v5, v3;
	vm0 =	vlt.u32 v7, $0x2B000  }
0x5b: {  	[tilespmem:s26+$0x8440] =	vst v4;
	v4 =	vsel vm0, v7, v3  }
0x5c: {  	s30 =	sadd.s32 $0x8400, s26;
	[tilespmem:s26+$0x8450] =	vst v4;
	s26 =	sadd.s32 $0x2C00, s26  }
0x5d: {  	[spmem:s3] =	stream.indirect.scatter [tilespmem:s26], [sflag:$0x1], $0x1, s30, s17, $0xb8;
	[tilespmem:$0x10B88] =	vst v63  }
0x5e: {  	_ =	swait.ge [sflag:s13], $0x80  }
0x5f: {  	[sflag:s13] =	ssyncset.done $0x0  }
0x60: {  	s26 =	sshra.s32 s25, $0x2;
	s25 =	smov.u32 s29;
	[sflag:s13] =	ssyncadd.s32 $0xFFFFFF80  }
.Ltmp1:
0x61: {  	v8 =	vld [tilespmem:s26+$0x8400];
	(pc) =	sbr.rel @p0 .LBB2_4-.Ltmp1, $4  }
0x62: {  	v7 =	vld [tilespmem:s26+$0x8470]  }
0x63: {  	v6 =	vld [tilespmem:s26+$0x8430]  }
0x64: {  	v4 =	vld [tilespmem:s26+$0x8460]  }
0x65: {  	v5 =	vld [tilespmem:s26+$0x8420]  }
0x66: {  	_ = 	snop  }
0x67: {  	v8 =	vsub.s32 v8, v0;
	v9 =	vld [tilespmem:s26+$0x8410]  }
0x68: {  	v10 =	vld [tilespmem:s26+$0x8440];
	vm0 =	vlt.u32 v8, $0x2B000;
	v7 =	vsub.s32 v7, v0  }
0x69: {  	v11 =	vld [tilespmem:s26+$0x8450];
	v8 =	vsel vm0, v8, v3;
	v6 =	vsub.s32 v6, v0;
	vm14 =	vlt.u32 v7, $0x2B000  }
0x6a: {  	vm1 =	vlt.u32 v6, $0x2B000;
	v7 =	vsel vm14, v7, v3;
	[tilespmem:s26+$0x8400] =	vst v8;
	v5 =	vsub.s32 v5, v0  }
0x6b: {  	v4 =	vsub.s32 v4, v0;
	v6 =	vsel vm1, v6, v3;
	[tilespmem:s26+$0x8470] =	vst v7;
	vm15 =	vlt.u32 v5, $0x2B000  }
0x6c: {  	vm4 =	vlt.u32 v4, $0x2B000;
	v52 =	vsub.s32 v9, v0;
	[tilespmem:s26+$0x8430] =	vst v6;
	v5 =	vsel vm15, v5, v3  }
0x6d: {  	v4 =	vsel vm4, v4, v3;
	vm5 =	vlt.u32 v52, $0x2B000;
	[tilespmem:s26+$0x8420] =	vst v5;
	v5 =	vsub.s32 v10, v0  }
0x6e: {  	v54 =	vsub.s32 v11, v0;
	[tilespmem:s26+$0x8460] =	vst v4;
	v53 =	vsel vm5, v52, v3;
	vm6 =	vlt.u32 v5, $0x2B000  }
0x6f: {  	vm7 =	vlt.u32 v54, $0x2B000;
	[tilespmem:s26+$0x8410] =	vst v53;
	v4 =	vsel vm6, v5, v3  }
0x70: {  	[tilespmem:s26+$0x8440] =	vst v4;
	v4 =	vsel vm7, v54, v3  }
0x71: {  	s28 =	sadd.s32 $0x8400, s26;
	s30 =	sadd.s32 $0x2C00, s26;
	[tilespmem:s26+$0x8450] =	vst v4  }
0x72: {  	[spmem:s3] =	stream.indirect.scatter [tilespmem:s30], [sflag:$0x1], $0x1, s28, s17, $0xb8;
	[tilespmem:$0x10B88] =	vst v63  }
0x73: {  	_ =	swait.ge [sflag:s13], $0x80  }
0x74: {  	[sflag:s13] =	ssyncset.done $0x0  }
0x75: {  	s25 =	sshra.s32 s25, $0x2;
	[sflag:s13] =	ssyncadd.s32 $0xFFFFFF80  }
0x76: {  	v4 =	vld [tilespmem:s25+$0x8400]  }
0x77: {  	v5 =	vld [tilespmem:s25+$0x8470]  }
0x78: {  	v55 =	vld [tilespmem:s25+$0x8430]  }
0x79: {  	v56 =	vld [tilespmem:s25+$0x8420]  }
0x7a: {  	v57 =	vld [tilespmem:s25+$0x8460]  }
0x7b: {  	v58 =	vld [tilespmem:s25+$0x8410];
	v4 =	vsub.s32 v4, v0  }
0x7c: {  	v59 =	vld [tilespmem:s25+$0x8440];
	v5 =	vsub.s32 v5, v0;
	vm8 =	vlt.u32 v4, $0x2B000  }
0x7d: {  	v60 =	vld [tilespmem:s25+$0x8450];
	v6 =	vsub.s32 v55, v0;
	vm9 =	vlt.u32 v5, $0x2B000;
	v4 =	vsel vm8, v4, v3  }
0x7e: {  	vm10 =	vlt.u32 v6, $0x2B000;
	v5 =	vsel vm9, v5, v3;
	[tilespmem:s25+$0x8400] =	vst v4;
	v4 =	vsub.s32 v56, v0  }
0x7f: {  	v61 =	vsub.s32 v57, v0;
	v6 =	vsel vm10, v6, v3;
	[tilespmem:s25+$0x8470] =	vst v5;
	vm11 =	vlt.u32 v4, $0x2B000  }
0x80: {  	vm12 =	vlt.u32 v61, $0x2B000;
	v5 =	vsub.s32 v58, v0;
	[tilespmem:s25+$0x8430] =	vst v6;
	v4 =	vsel vm11, v4, v3  }
0x81: {  	v62 =	vsel vm12, v61, v3;
	vm13 =	vlt.u32 v5, $0x2B000;
	[tilespmem:s25+$0x8420] =	vst v4;
	v4 =	vsub.s32 v59, v0  }
0x82: {  	v63 =	vsub.s32 v60, v0;
	[tilespmem:s25+$0x8460] =	vst v62;
	v5 =	vsel vm13, v5, v3;
	vm14 =	vlt.u32 v4, $0x2B000  }
0x83: {  	vm15 =	vlt.u32 v63, $0x2B000;
	[tilespmem:s25+$0x8410] =	vst v5;
	v4 =	vsel vm14, v4, v3  }
0x84: {  	[tilespmem:s25+$0x8440] =	vst v4;
	v4 =	vsel vm15, v63, v3  }
0x85: {  	s31 =	sadd.s32 $0x8400, s25;
	[tilespmem:s25+$0x8450] =	vst v4;
	s25 =	sadd.s32 $0x2C00, s25  }
0x86: {  	[spmem:s3] =	stream.indirect.scatter [tilespmem:s25], [sflag:$0x1], $0x1, s31, s17, $0xb8;
	[tilespmem:$0x10B88] =	vst v63  }
0x87: {  	_ =	swait.ge [sflag:s13], $0x80  }
0x88: {  	[sflag:s13] =	ssyncset.done $0x0  }
0x89: {  	[sflag:s13] =	ssyncadd.s32 $0xFFFFFF80  }
0x8a: {  	[bflag:$0x0] =	sbarrier.arrive $0xFFFF  }
0x8b: {  	[hbm:s10@s21], [sflag:s19] =	dma.strided [spmem:s20@s22], $0x50, s13, $0x10   }
0x8c: {  	s24 =	sadd.s32 $0x1, s24;
	_ =	swait.ge [sflag:s13], $0x50  }
0x8d: {  	p0 =	sne.s32 s24, s12;
	[sflag:s13] =	ssyncset.done $0x0  }
.Ltmp2:
0x8e: {  	[sflag:s13] =	ssyncadd.s32 $0xFFFFFFB0;
	(pc) =	sbr.rel @p0 .LBB2_1-.Ltmp2, $4  }
0x8f: {  	[hbm:s11], [sflag:s19] =	dma.local [spmem:s23], $0x560  }
0x90: {  	_ =	swait.ge [sflag:s13], $0x560  }
0x91: {  	[sflag:s13] =	ssyncset.done $0x0  }
0x92: {  	[sflag:s13] =	ssyncadd.s32 $0xFFFFFAA0  }
0x93: {  	_ =	sfence.sel $0x180000  }
0x94: {  	[bflag:$0x0] =	sbarrier.arrive $0xFFFF  }
0x95: {  	p0 =	sne.s32 s0, $0x0;
	_ =	strace $0x90000047  }
0x96: {  	s0 =	sadd.s32 @!p0 $0x100000, s1;
	[bflag:$0x2] =	sbarrier.arrive $0xFFFF  }
0x97: {  	[sflag:s0] =	ssyncadd.tile.s32 @!p0 $0x1;
	_ =	shalt  }
.Lfunc_end2:
_tile_overlayer_lowered:
.L_overlay_start_2:
0x98: {  	(tag) =	ssettag $0x2  }
0x99: {  	s0 =	rddreg [dreg:$0x0];
	s2 =	stileid.u32  }
0x9a: {  	s1 =	rddreg [dreg:$0x1];
	p0 =	sne.s32 s2, $0x0  }
0x9b: {  	s3 =	rddreg [dreg:$0x2];
	[bflag:$0x3] =	sbarrier.arrive $0xFFFF;
	s2 =	simm.s32 @!p0 $0x1C01  }
0x9c: {  	[timem:s3], [sflag:s2] =	dma.local @!p0 [hbm:s0], s1  }
0x9d: {  	s0 =	simm.s32 @!p0 $0x1  }
0x9e: {  	_ =	swait.ge @!p0 [sflag:s0], s1  }
0x9f: {  	s1 =	ssub.s32 @!p0 $0x0, s1;
	[sflag:s0] =	ssyncset.done @!p0 $0x0  }
0xa0: {  	[sflag:s0] =	ssyncadd.s32 @!p0 s1  }
0xa1: {  	[bflag:$0x3] =	sbarrier.arrive $0xFFFF  }
0xa2: {  	_ =	shalt  }

</sc_bundles>
